<compile_context>
chip_gen: v7x
topology: tpu7x:2x2x1
jax: 0.10.2.dev20260603
libtpu: 0.0.44.dev20260713+nightly
codegen_flags: <defaults>
</compile_context>

<pallas_src>
import jax
import jax.numpy as jnp
from jax.experimental import pallas as pl
from jax.experimental.pallas import tpu as pltpu
from jax.experimental.pallas import tpu_sc as plsc

_N = 8192
_DIM = 512
_NCB = 4096
_LAT = 256
_BLK = 1024
_GW = 128


def _dist_body(zr_ref, zi_ref, cb_ref, idx_ref, cbsq_ref):
    step = pl.program_id(0)

    @pl.when(step == 0)
    def _():
        cb = cb_ref[...]
        cbsq_ref[0, :] = jnp.sum(cb * cb, axis=1)

    z = jnp.concatenate([zr_ref[...], zi_ref[...]], axis=1)
    zsq = jnp.sum(z * z, axis=1)
    mm2 = jax.lax.dot_general(
        2.0 * z, cb_ref[...], (((1,), (1,)), ((), ())),
        preferred_element_type=jnp.float32)
    d = (zsq[:, None] + cbsq_ref[0:1, :]) - mm2
    idx_ref[...] = jnp.argmin(d, axis=1).astype(jnp.int32)


def _vq_dist(zr, zi, cb):
    half = pl.BlockSpec((_BLK, _LAT), lambda i: (i, 0))
    return pl.pallas_call(
        _dist_body,
        grid=(_N // _BLK,),
        in_specs=[half, half, pl.BlockSpec((_NCB, _DIM), lambda i: (0, 0))],
        out_specs=pl.BlockSpec((_BLK,), lambda i: (i,)),
        out_shape=jax.ShapeDtypeStruct((_N,), jnp.int32),
        scratch_shapes=[pltpu.VMEM((1, _NCB), jnp.float32)],
    )(zr, zi, cb)


def _loss_body(zr_ref, zi_ref, re_ref, im_ref, out_ref, re2_ref, im2_ref):
    step = pl.program_id(0)
    re = re_ref[...]
    im = im_ref[...]
    re2_ref[...] = re
    im2_ref[...] = im
    acc = (zr_ref[...] - re) ** 2
    acc += (zi_ref[...] - im) ** 2
    bsum = jnp.sum(acc)

    @pl.when(step == 0)
    def _():
        out_ref[0, 0] = bsum

    @pl.when(step != 0)
    def _():
        out_ref[0, 0] += bsum


def _loss_sum(zr, zi, re, im):
    half = pl.BlockSpec((_BLK, _LAT), lambda i: (i, 0))
    half_t = jax.ShapeDtypeStruct((_N, _LAT), jnp.float32)
    return pl.pallas_call(
        _loss_body,
        grid=(_N // _BLK,),
        in_specs=[half] * 4,
        out_specs=[pl.BlockSpec(memory_space=pltpu.SMEM), half, half],
        out_shape=[jax.ShapeDtypeStruct((1, 1), jnp.float32), half_t, half_t],
    )(zr, zi, re, im)


def _sc_gather(cb, idx):
    mesh = plsc.VectorSubcoreMesh(core_axis_name="c", subcore_axis_name="s")
    idx2 = idx.reshape((1, _N))
    half_t = jax.ShapeDtypeStruct((_N, _LAT), cb.dtype)

    @pl.kernel(out_type=(half_t, half_t), mesh=mesh)
    def kern(cb_hbm, i_hbm, or_hbm, oi_hbm):
        def run(col0, o_hbm):
            def body(i_vmem, o_vmem):
                pltpu.sync_copy(
                    cb_hbm.at[i_vmem.at[0], pl.ds(col0, _LAT)], o_vmem)

            pltpu.emit_pipeline(
                body,
                grid=(_N // _GW,),
                in_specs=[pl.BlockSpec((1, _GW), lambda i: (0, i))],
                out_specs=[pl.BlockSpec((_GW, _LAT), lambda i: (i, 0))],
                core_axis_name=("c", "s"),
                dimension_semantics=(pltpu.PARALLEL,),
            )(i_hbm, o_hbm)

        run(0, or_hbm)
        run(_LAT, oi_hbm)

    return kern(cb, idx2)


def kernel(z_fast_real, z_fast_imag, z_slow_real, z_slow_imag, cb_syn, cb_sem):
    idx_syn = _vq_dist(z_fast_real, z_fast_imag, cb_syn)
    idx_sem = _vq_dist(z_slow_real, z_slow_imag, cb_sem)
    zq_syn_re, zq_syn_im = _sc_gather(cb_syn, idx_syn)
    zq_sem_re, zq_sem_im = _sc_gather(cb_sem, idx_sem)
    dsum_syn, sre2, sim2 = _loss_sum(z_fast_real, z_fast_imag,
                                     zq_syn_re, zq_syn_im)
    dsum_sem, mre2, mim2 = _loss_sum(z_slow_real, z_slow_imag,
                                     zq_sem_re, zq_sem_im)
    loss = (1.25 / (_N * _DIM)) * (dsum_syn[0, 0] + dsum_sem[0, 0])
    zq_syn_c = jax.lax.complex(sre2, sim2)
    zq_sem_c = jax.lax.complex(mre2, mim2)
    return (zq_syn_c, zq_sem_c, loss, idx_syn, idx_sem)

# --- scband reference (transcript-rebuilt; emitter-appended) ---
"""Pipeline reference for scband-dual-scale-vq-24902220382644 (READ-ONLY COPY).

The authoritative reference and input builder live on the scoring server;
editing this copy changes nothing except your own understanding.
"""

import jax, jax.numpy as jnp
import numpy as np

N = 8192
LATENT = 256
DIM = LATENT * 2
N_SYN = 4096
N_SEM = 4096


def setup_inputs(seed: int = 0) -> dict:
    key = jax.random.key(seed)
    ks = jax.random.split(key, 6)
    return {
        "z_fast_real": jax.random.normal(ks[0], (N, LATENT), dtype=jnp.float32),
        "z_fast_imag": jax.random.normal(ks[1], (N, LATENT), dtype=jnp.float32),
        "z_slow_real": jax.random.normal(ks[2], (N, LATENT), dtype=jnp.float32),
        "z_slow_imag": jax.random.normal(ks[3], (N, LATENT), dtype=jnp.float32),
        "cb_syn": jax.random.normal(ks[4], (N_SYN, DIM), dtype=jnp.float32),
        "cb_sem": jax.random.normal(ks[5], (N_SEM, DIM), dtype=jnp.float32),
    }


def _vq_step(z_flat, codebook, latent_dim):
    # pairwise squared L2 distances: ||z||^2 + ||c||^2 - 2 z c^T
    d = (jnp.sum(z_flat ** 2, axis=1, keepdims=True)
         + jnp.sum(codebook ** 2, axis=1)
         - 2.0 * jnp.matmul(z_flat, codebook.T))
    idx = jnp.argmin(d, axis=1)
    z_q = jnp.take(codebook, idx, axis=0)
    loss = (jnp.mean((jax.lax.stop_gradient(z_q) - z_flat) ** 2)
            + 0.25 * jnp.mean((z_q - jax.lax.stop_gradient(z_flat)) ** 2))
    z_q_st = z_flat + jax.lax.stop_gradient(z_q - z_flat)
    zq_complex = z_q_st[..., :latent_dim] + 1j * z_q_st[..., latent_dim:]
    return zq_complex, loss, idx


def reference(z_fast_real, z_fast_imag, z_slow_real, z_slow_imag, cb_syn, cb_sem):
    latent_dim = z_fast_real.shape[-1]
    zf_flat = jnp.concatenate([z_fast_real, z_fast_imag], axis=-1)
    zs_flat = jnp.concatenate([z_slow_real, z_slow_imag], axis=-1)
    zq_syn, loss_syn, idx_syn = _vq_step(zf_flat, cb_syn, latent_dim)
    zq_sem, loss_sem, idx_sem = _vq_step(zs_flat, cb_sem, latent_dim)
    return (zq_syn, zq_sem, loss_syn + loss_sem, idx_syn, idx_sem)

if __name__ == "__main__":
    import jax
    _d = setup_inputs()
    print(jax.jit(kernel)(*tuple(_d.values())))

</pallas_src>

<mosaic_0001>
#map = affine_map<(d0, d1) -> (0, 0)>
module attributes {stable_mosaic.version = 14 : i64} {
  func.func @kern(%arg0: i32, %arg1: i32, %arg2: memref<4096x512xf32, #tpu.memory_space<hbm>>, %arg3: memref<1x8192xi32, #tpu.memory_space<hbm>>, %arg4: memref<8192x256xf32, #tpu.memory_space<hbm>>, %arg5: memref<8192x256xf32, #tpu.memory_space<hbm>>) attributes {dimension_semantics = [#tpu.dimension_semantics<core_parallel>, #tpu.dimension_semantics<subcore_parallel>], iteration_bounds = array<i64: 2, 16>, scalar_prefetch = 0 : i64, scratch_operands = 0 : i64, tpu.core_type = #tpu.core_type<sc_vector_subcore>, window_params = [{transform_indices = #map}, {transform_indices = #map}, {transform_indices = #map}, {transform_indices = #map}]} {
    %mul3A = arith.constant 1 : i32
    %mul3A_0 = arith.muli %arg1, %mul3A : i32
    %add3A = arith.constant 0 : i32
    %add3A_1 = arith.addi %add3A, %mul3A_0 : i32
    %mul3A_2 = arith.constant 16 : i32
    %mul3A_3 = arith.muli %arg0, %mul3A_2 : i32
    %add3A_4 = arith.addi %add3A_1, %mul3A_3 : i32
    %mul3A_5 = arith.constant 2 : i32
    %mul3A_6 = arith.muli %add3A_4, %mul3A_5 : i32
    "tpu.region"() ({
      %run_scoped3A = memref.alloca() : memref<2x1x128xi32, #tpu.memory_space<vmem>>
      %run_scoped3A_16 = tpu.sem_alloc : memref<2x!tpu.dma_semaphore, #tpu.memory_space<semaphore_mem>>
      %run_scoped3A_17 = memref.alloca() : memref<2x128x256xf32, #tpu.memory_space<vmem>>
      %run_scoped3A_18 = tpu.sem_alloc : memref<2x!tpu.dma_semaphore, #tpu.memory_space<semaphore_mem>>
      %add3A_19 = arith.constant 0 : i32
      %add3A_20 = arith.addi %add3A_19, %mul3A_6 : i32
      %select_n3A = arith.constant true
      %select_n3A_21 = arith.constant 0 : i32
      %select_n3A_22 = arith.constant -1 : i32
      %select_n3A_23 = arith.select %select_n3A, %select_n3A_22, %select_n3A_21 : i32
      %eq3A = arith.constant -1 : i32
      %eq3A_24 = arith.cmpi eq, %select_n3A_23, %eq3A : i32
      %select_n3A_25 = arith.constant 1 : i32
      %select_n3A_26 = arith.select %eq3A_24, %select_n3A_25, %select_n3A_23 : i32
      %add3A_27 = arith.addi %select_n3A_26, %mul3A_6 : i32
      %select_n3A_28 = arith.constant true
      %select_n3A_29 = arith.constant 0 : i32
      %select_n3A_30 = arith.constant 1 : i32
      %select_n3A_31 = arith.select %select_n3A_28, %select_n3A_30, %select_n3A_29 : i32
      %eq3A_32 = arith.constant 2 : i32
      %eq3A_33 = arith.cmpi eq, %select_n3A_31, %eq3A_32 : i32
      %select_n3A_34 = arith.constant 0 : i32
      %select_n3A_35 = arith.select %eq3A_33, %select_n3A_34, %select_n3A_31 : i32
      %add3A_36 = arith.addi %select_n3A_35, %mul3A_6 : i32
      %add3A_37 = arith.constant 1 : i32
      %add3A_38 = arith.addi %select_n3A_35, %add3A_37 : i32
      %select_n3A_39 = arith.constant true
      %select_n3A_40 = arith.select %select_n3A_39, %add3A_38, %select_n3A_35 : i32
      %eq3A_41 = arith.constant 2 : i32
      %eq3A_42 = arith.cmpi eq, %select_n3A_40, %eq3A_41 : i32
      %select_n3A_43 = arith.constant 0 : i32
      %select_n3A_44 = arith.select %eq3A_42, %select_n3A_43, %select_n3A_40 : i32
      %add3A_45 = arith.addi %select_n3A_44, %mul3A_6 : i32
      "tpu.trace_start"() <{level = 10 : i32, message = "ep_initialize_0"}> : () -> ()
      %rem3A = arith.constant 0 : i32
      %rem3A_46 = arith.constant 2 : i32
      %rem3A_47 = arith.remui %rem3A, %rem3A_46 : i32
      %mul3A_48 = arith.constant 128 : i32
      %mul3A_49 = arith.muli %mul3A_48, %add3A_20 : i32
      %dma_start3A = arith.constant 0 : i32
      %dma_start3A_50 = arith.constant 0 : i32
      %dma_start3A_51 = tpu.memref_slice %run_scoped3A[%rem3A_47, %dma_start3A, %dma_start3A_50] : memref<2x1x128xi32, #tpu.memory_space<vmem>> -> memref<1x1x128xi32, #tpu.memory_space<vmem>>
      %dma_start3A_52 = tpu.memref_squeeze %dma_start3A_51 : memref<1x1x128xi32, #tpu.memory_space<vmem>> -> memref<1x128xi32, #tpu.memory_space<vmem>>
      %dma_start3A_53 = arith.constant 0 : i32
      %dma_start3A_54 = tpu.memref_slice %arg3[%dma_start3A_53, %mul3A_49] : memref<1x8192xi32, #tpu.memory_space<hbm>> -> memref<1x128xi32, #tpu.memory_space<hbm>>
      %dma_start3A_55 = tpu.memref_slice %run_scoped3A_16[%rem3A_47] : memref<2x!tpu.dma_semaphore, #tpu.memory_space<semaphore_mem>> -> memref<1x!tpu.dma_semaphore, #tpu.memory_space<semaphore_mem>>
      %dma_start3A_56 = tpu.memref_squeeze %dma_start3A_55 : memref<1x!tpu.dma_semaphore, #tpu.memory_space<semaphore_mem>> -> memref<!tpu.dma_semaphore, #tpu.memory_space<semaphore_mem>>
      %dma_start3A_57 = arith.constant 0 : i32
      %dma_start3A_58 = arith.constant 0 : i32
      %dma_start3A_59 = tpu.memref_slice %run_scoped3A[%rem3A_47, %dma_start3A_57, %dma_start3A_58] : memref<2x1x128xi32, #tpu.memory_space<vmem>> -> memref<1x1x128xi32, #tpu.memory_space<vmem>>
      %dma_start3A_60 = tpu.memref_squeeze %dma_start3A_59 : memref<1x1x128xi32, #tpu.memory_space<vmem>> -> memref<1x128xi32, #tpu.memory_space<vmem>>
      %dma_start3A_61 = arith.constant 0 : i32
      %dma_start3A_62 = tpu.memref_slice %arg3[%dma_start3A_61, %mul3A_49] : memref<1x8192xi32, #tpu.memory_space<hbm>> -> memref<1x128xi32, #tpu.memory_space<hbm>>
      tpu.enqueue_dma source(%dma_start3A_62 : memref<1x128xi32, #tpu.memory_space<hbm>>) target(%dma_start3A_60 : memref<1x128xi32, #tpu.memory_space<vmem>>) target_semaphore(%dma_start3A_56 : memref<!tpu.dma_semaphore, #tpu.memory_space<semaphore_mem>>)
      %add3A_63 = arith.constant 0 : i32
      %add3A_64 = arith.constant 1 : i32
      %add3A_65 = arith.addi %add3A_63, %add3A_64 : i32
      %select_n3A_66 = arith.constant true
      %select_n3A_67 = arith.constant 0 : i32
      %select_n3A_68 = arith.select %select_n3A_66, %add3A_65, %select_n3A_67 : i32
      "tpu.trace_stop"() : () -> ()
      %scan3A = arith.constant 0 : i32
      %scan3A_69 = arith.constant 0 : i32
      %scan3A_70 = arith.constant 0 : i32
      %scan3A_71 = arith.constant 0 : i32
      %scan3A_72 = arith.constant 0 : i32
      %scan3A_73 = arith.constant 2 : i32
      %scan3A_74 = arith.addi %scan3A_72, %scan3A_73 : i32
      %scan3A_75 = arith.constant 1 : i32
      %scan3A_76:5 = scf.for %scan3A_130 = %scan3A_72 to %scan3A_74 step %scan3A_75 iter_args(%scan3A_131 = %select_n3A_68, %scan3A_132 = %scan3A, %scan3A_133 = %scan3A_69, %scan3A_134 = %scan3A_70, %scan3A_135 = %scan3A_71) -> (i32, i32, i32, i32, i32)  : i32 {
        %eq3A_136 = arith.constant 0 : i32
        %eq3A_137 = arith.cmpi eq, %scan3A_130, %eq3A_136 : i32
        %eq3A_138 = arith.constant 1 : i32
        %eq3A_139 = arith.cmpi eq, %scan3A_130, %eq3A_138 : i32
        %add3A_140 = arith.addi %scan3A_135, %mul3A_6 : i32
        %sub3A_141 = arith.constant 1 : i32
        %sub3A_142 = arith.subi %scan3A_135, %sub3A_141 : i32
        %select_n3A_143 = arith.constant true
        %select_n3A_144 = arith.select %select_n3A_143, %sub3A_142, %scan3A_135 : i32
        %eq3A_145 = arith.constant -1 : i32
        %eq3A_146 = arith.cmpi eq, %select_n3A_144, %eq3A_145 : i32
        %select_n3A_147 = arith.constant 1 : i32
        %select_n3A_148 = arith.select %eq3A_146, %select_n3A_147, %select_n3A_144 : i32
        %add3A_149 = arith.addi %select_n3A_148, %mul3A_6 : i32
        %add3A_150 = arith.constant 1 : i32
        %add3A_151 = arith.addi %scan3A_135, %add3A_150 : i32
        %select_n3A_152 = arith.constant true
        %select_n3A_153 = arith.select %select_n3A_152, %add3A_151, %scan3A_135 : i32
        %eq3A_154 = arith.constant 2 : i32
        %eq3A_155 = arith.cmpi eq, %select_n3A_153, %eq3A_154 : i32
        %select_n3A_156 = arith.constant 0 : i32
        %select_n3A_157 = arith.select %eq3A_155, %select_n3A_156, %select_n3A_153 : i32
        %add3A_158 = arith.addi %select_n3A_157, %mul3A_6 : i32
        %add3A_159 = arith.constant 1 : i32
        %add3A_160 = arith.addi %select_n3A_157, %add3A_159 : i32
        %select_n3A_161 = arith.constant true
        %select_n3A_162 = arith.select %select_n3A_161, %add3A_160, %select_n3A_157 : i32
        %eq3A_163 = arith.constant 2 : i32
        %eq3A_164 = arith.cmpi eq, %select_n3A_162, %eq3A_163 : i32
        %select_n3A_165 = arith.constant 0 : i32
        %select_n3A_166 = arith.select %eq3A_164, %select_n3A_165, %select_n3A_162 : i32
        %add3A_167 = arith.addi %select_n3A_166, %mul3A_6 : i32
        %ne3A = arith.cmpi ne, %add3A_140, %add3A_158 : i32
        %or3A = arith.constant false
        %or3A_168 = arith.ori %or3A, %ne3A : i1
        %ge3A = arith.constant 1 : i32
        %ge3A_169 = arith.cmpi sge, %scan3A_130, %ge3A : i32
        %not3A = arith.constant true
        %not3A_170 = arith.xori %ge3A_169, %not3A : i1
        %and3A = arith.andi %or3A_168, %not3A_170 : i1
        %convert_element_type3A = arith.extui %and3A : i1 to i32
        %cond3A = arith.constant 0 : i32
        %cond3A_171 = arith.cmpi ne, %convert_element_type3A, %cond3A : i32
        scf.if %cond3A_171 {
          "tpu.trace_start"() <{level = 10 : i32, message = "ep_copy_in"}> : () -> ()
          %rem3A_273 = arith.constant 2 : i32
          %rem3A_274 = arith.remui %scan3A_131, %rem3A_273 : i32
          %mul3A_275 = arith.constant 128 : i32
          %mul3A_276 = arith.muli %mul3A_275, %add3A_158 : i32
          %dma_start3A_277 = arith.constant 0 : i32
          %dma_start3A_278 = arith.constant 0 : i32
          %dma_start3A_279 = tpu.memref_slice %run_scoped3A[%rem3A_274, %dma_start3A_277, %dma_start3A_278] : memref<2x1x128xi32, #tpu.memory_space<vmem>> -> memref<1x1x128xi32, #tpu.memory_space<vmem>>
          %dma_start3A_280 = tpu.memref_squeeze %dma_start3A_279 : memref<1x1x128xi32, #tpu.memory_space<vmem>> -> memref<1x128xi32, #tpu.memory_space<vmem>>
          %dma_start3A_281 = arith.constant 0 : i32
          %dma_start3A_282 = tpu.memref_slice %arg3[%dma_start3A_281, %mul3A_276] : memref<1x8192xi32, #tpu.memory_space<hbm>> -> memref<1x128xi32, #tpu.memory_space<hbm>>
          %dma_start3A_283 = tpu.memref_slice %run_scoped3A_16[%rem3A_274] : memref<2x!tpu.dma_semaphore, #tpu.memory_space<semaphore_mem>> -> memref<1x!tpu.dma_semaphore, #tpu.memory_space<semaphore_mem>>
          %dma_start3A_284 = tpu.memref_squeeze %dma_start3A_283 : memref<1x!tpu.dma_semaphore, #tpu.memory_space<semaphore_mem>> -> memref<!tpu.dma_semaphore, #tpu.memory_space<semaphore_mem>>
          %dma_start3A_285 = arith.constant 0 : i32
          %dma_start3A_286 = arith.constant 0 : i32
          %dma_start3A_287 = tpu.memref_slice %run_scoped3A[%rem3A_274, %dma_start3A_285, %dma_start3A_286] : memref<2x1x128xi32, #tpu.memory_space<vmem>> -> memref<1x1x128xi32, #tpu.memory_space<vmem>>
          %dma_start3A_288 = tpu.memref_squeeze %dma_start3A_287 : memref<1x1x128xi32, #tpu.memory_space<vmem>> -> memref<1x128xi32, #tpu.memory_space<vmem>>
          %dma_start3A_289 = arith.constant 0 : i32
          %dma_start3A_290 = tpu.memref_slice %arg3[%dma_start3A_289, %mul3A_276] : memref<1x8192xi32, #tpu.memory_space<hbm>> -> memref<1x128xi32, #tpu.memory_space<hbm>>
          tpu.enqueue_dma source(%dma_start3A_290 : memref<1x128xi32, #tpu.memory_space<hbm>>) target(%dma_start3A_288 : memref<1x128xi32, #tpu.memory_space<vmem>>) target_semaphore(%dma_start3A_284 : memref<!tpu.dma_semaphore, #tpu.memory_space<semaphore_mem>>)
          "tpu.trace_stop"() : () -> ()
        } else {
        }
        %and3A_172 = arith.constant true
        %and3A_173 = arith.andi %and3A, %and3A_172 : i1
        %add3A_174 = arith.constant 1 : i32
        %add3A_175 = arith.addi %scan3A_131, %add3A_174 : i32
        %select_n3A_176 = arith.select %and3A_173, %add3A_175, %scan3A_131 : i32
        %ne3A_177 = arith.cmpi ne, %add3A_140, %add3A_158 : i32
        %or3A_178 = arith.constant false
        %or3A_179 = arith.ori %or3A_178, %ne3A_177 : i1
        %or3A_180 = arith.constant false
        %or3A_181 = arith.ori %or3A_179, %or3A_180 : i1
        %ge3A_182 = arith.constant 1 : i32
        %ge3A_183 = arith.cmpi sge, %scan3A_130, %ge3A_182 : i32
        %not3A_184 = arith.constant true
        %not3A_185 = arith.xori %ge3A_183, %not3A_184 : i1
        %and3A_186 = arith.andi %or3A_181, %not3A_185 : i1
        %ne3A_187 = arith.cmpi ne, %add3A_140, %add3A_149 : i32
        %or3A_188 = arith.constant false
        %or3A_189 = arith.ori %or3A_188, %ne3A_187 : i1
        %or3A_190 = arith.ori %or3A_189, %eq3A_137 : i1
        %convert_element_type3A_191 = arith.extui %or3A_190 : i1 to i32
        %cond3A_192 = arith.constant 0 : i32
        %cond3A_193 = arith.cmpi ne, %convert_element_type3A_191, %cond3A_192 : i32
        scf.if %cond3A_193 {
          "tpu.trace_start"() <{level = 10 : i32, message = "ep_wait_in"}> : () -> ()
          %mul3A_273 = arith.constant 128 : i32
          %mul3A_274 = arith.muli %mul3A_273, %add3A_140 : i32
          %rem3A_275 = arith.constant 2 : i32
          %rem3A_276 = arith.remui %scan3A_132, %rem3A_275 : i32
          %dma_wait3A_277 = arith.constant 0 : i32
          %dma_wait3A_278 = arith.constant 0 : i32
          %dma_wait3A_279 = tpu.memref_slice %run_scoped3A[%rem3A_276, %dma_wait3A_277, %dma_wait3A_278] : memref<2x1x128xi32, #tpu.memory_space<vmem>> -> memref<1x1x128xi32, #tpu.memory_space<vmem>>
          %dma_wait3A_280 = tpu.memref_squeeze %dma_wait3A_279 : memref<1x1x128xi32, #tpu.memory_space<vmem>> -> memref<1x128xi32, #tpu.memory_space<vmem>>
          %dma_wait3A_281 = arith.constant 0 : i32
          %dma_wait3A_282 = tpu.memref_slice %arg3[%dma_wait3A_281, %mul3A_274] : memref<1x8192xi32, #tpu.memory_space<hbm>> -> memref<1x128xi32, #tpu.memory_space<hbm>>
          %dma_wait3A_283 = tpu.memref_slice %run_scoped3A_16[%rem3A_276] : memref<2x!tpu.dma_semaphore, #tpu.memory_space<semaphore_mem>> -> memref<1x!tpu.dma_semaphore, #tpu.memory_space<semaphore_mem>>
          %dma_wait3A_284 = tpu.memref_squeeze %dma_wait3A_283 : memref<1x!tpu.dma_semaphore, #tpu.memory_space<semaphore_mem>> -> memref<!tpu.dma_semaphore, #tpu.memory_space<semaphore_mem>>
          %dma_wait3A_285 = arith.constant 0 : i32
          %dma_wait3A_286 = arith.constant 0 : i32
          %dma_wait3A_287 = tpu.memref_slice %run_scoped3A[%rem3A_276, %dma_wait3A_285, %dma_wait3A_286] : memref<2x1x128xi32, #tpu.memory_space<vmem>> -> memref<1x1x128xi32, #tpu.memory_space<vmem>>
          %dma_wait3A_288 = tpu.memref_squeeze %dma_wait3A_287 : memref<1x1x128xi32, #tpu.memory_space<vmem>> -> memref<1x128xi32, #tpu.memory_space<vmem>>
          %dma_wait3A_289 = arith.constant 0 : i32
          %dma_wait3A_290 = tpu.memref_slice %arg3[%dma_wait3A_289, %mul3A_274] : memref<1x8192xi32, #tpu.memory_space<hbm>> -> memref<1x128xi32, #tpu.memory_space<hbm>>
          tpu.wait_dma2 semaphore(%dma_wait3A_284 : memref<!tpu.dma_semaphore, #tpu.memory_space<semaphore_mem>>) src(%dma_wait3A_290 : memref<1x128xi32, #tpu.memory_space<hbm>>) dst(%dma_wait3A_288 : memref<1x128xi32, #tpu.memory_space<vmem>>)
          "tpu.trace_stop"() : () -> ()
        } else {
        }
        %ne3A_194 = arith.cmpi ne, %add3A_140, %add3A_149 : i32
        %or3A_195 = arith.constant false
        %or3A_196 = arith.ori %or3A_195, %ne3A_194 : i1
        %or3A_197 = arith.constant false
        %or3A_198 = arith.ori %or3A_196, %or3A_197 : i1
        %or3A_199 = arith.ori %or3A_198, %eq3A_137 : i1
        %convert_element_type3A_200 = arith.extui %or3A_199 : i1 to i32
        %cond3A_201 = arith.constant 0 : i32
        %cond3A_202 = arith.cmpi ne, %convert_element_type3A_200, %cond3A_201 : i32
        scf.if %cond3A_202 {
        } else {
        }
        %rem3A_203 = arith.constant 2 : i32
        %rem3A_204 = arith.remui %scan3A_132, %rem3A_203 : i32
        %rem3A_205 = arith.constant 2 : i32
        %rem3A_206 = arith.remui %scan3A_133, %rem3A_205 : i32
        %run_scoped3A_207 = arith.constant 0 : i32
        "tpu.trace_start"() <{level = 10 : i32, message = "ep_run_kernel"}> : () -> ()
        "tpu.region"() ({
          %run_scoped3A_273 = tpu.sem_alloc : memref<!tpu.dma_semaphore, #tpu.memory_space<semaphore_mem>>
          %dma_start3A_274 = arith.constant 0 : i32
          %dma_start3A_275 = arith.constant 0 : i32
          %dma_start3A_276 = tpu.memref_slice %run_scoped3A_17[%rem3A_206, %dma_start3A_274, %dma_start3A_275] : memref<2x128x256xf32, #tpu.memory_space<vmem>> -> memref<1x128x256xf32, #tpu.memory_space<vmem>>
          %dma_start3A_277 = tpu.memref_squeeze %dma_start3A_276 : memref<1x128x256xf32, #tpu.memory_space<vmem>> -> memref<128x256xf32, #tpu.memory_space<vmem>>
          %dma_start3A_278 = arith.constant 0 : i32
          %dma_start3A_279 = arith.constant 0 : i32
          %dma_start3A_280 = tpu.memref_slice %run_scoped3A[%rem3A_204, %dma_start3A_278, %dma_start3A_279] : memref<2x1x128xi32, #tpu.memory_space<vmem>> -> memref<1x1x128xi32, #tpu.memory_space<vmem>>
          %dma_start3A_281 = tpu.memref_squeeze %dma_start3A_280 : memref<1x1x128xi32, #tpu.memory_space<vmem>> -> memref<1x128xi32, #tpu.memory_space<vmem>>
          %dma_start3A_282 = arith.constant 0 : i32
          %dma_start3A_283 = tpu.memref_slice %dma_start3A_281[%run_scoped3A_207, %dma_start3A_282] : memref<1x128xi32, #tpu.memory_space<vmem>> -> memref<1x128xi32, #tpu.memory_space<vmem>>
          %dma_start3A_284 = tpu.memref_squeeze %dma_start3A_283 : memref<1x128xi32, #tpu.memory_space<vmem>> -> memref<128xi32, #tpu.memory_space<vmem>>
          %dma_start3A_285 = arith.constant 0 : i32
          %dma_start3A_286 = arith.constant 0 : i32
          %dma_start3A_287 = tpu.memref_slice %arg2[%dma_start3A_285, %dma_start3A_286] : memref<4096x512xf32, #tpu.memory_space<hbm>> -> memref<4096x256xf32, #tpu.memory_space<hbm>>
          tpu.enqueue_indirect_dma source(%dma_start3A_287 : memref<4096x256xf32, #tpu.memory_space<hbm>>) target(%dma_start3A_277 : memref<128x256xf32, #tpu.memory_space<vmem>>) offsets(%dma_start3A_284 : memref<128xi32, #tpu.memory_space<vmem>>) semaphore(%run_scoped3A_273 : memref<!tpu.dma_semaphore, #tpu.memory_space<semaphore_mem>>)
          %dma_wait3A_288 = arith.constant 0 : i32
          %dma_wait3A_289 = arith.constant 0 : i32
          %dma_wait3A_290 = tpu.memref_slice %run_scoped3A_17[%rem3A_206, %dma_wait3A_288, %dma_wait3A_289] : memref<2x128x256xf32, #tpu.memory_space<vmem>> -> memref<1x128x256xf32, #tpu.memory_space<vmem>>
          %dma_wait3A_291 = tpu.memref_squeeze %dma_wait3A_290 : memref<1x128x256xf32, #tpu.memory_space<vmem>> -> memref<128x256xf32, #tpu.memory_space<vmem>>
          %dma_wait3A_292 = arith.constant 0 : i32
          %dma_wait3A_293 = arith.constant 0 : i32
          %dma_wait3A_294 = tpu.memref_slice %run_scoped3A[%rem3A_204, %dma_wait3A_292, %dma_wait3A_293] : memref<2x1x128xi32, #tpu.memory_space<vmem>> -> memref<1x1x128xi32, #tpu.memory_space<vmem>>
          %dma_wait3A_295 = tpu.memref_squeeze %dma_wait3A_294 : memref<1x1x128xi32, #tpu.memory_space<vmem>> -> memref<1x128xi32, #tpu.memory_space<vmem>>
          %dma_wait3A_296 = arith.constant 0 : i32
          %dma_wait3A_297 = tpu.memref_slice %dma_wait3A_295[%run_scoped3A_207, %dma_wait3A_296] : memref<1x128xi32, #tpu.memory_space<vmem>> -> memref<1x128xi32, #tpu.memory_space<vmem>>
          %dma_wait3A_298 = tpu.memref_squeeze %dma_wait3A_297 : memref<1x128xi32, #tpu.memory_space<vmem>> -> memref<128xi32, #tpu.memory_space<vmem>>
          %dma_wait3A_299 = arith.constant 0 : i32
          %dma_wait3A_300 = arith.constant 0 : i32
          %dma_wait3A_301 = tpu.memref_slice %arg2[%dma_wait3A_299, %dma_wait3A_300] : memref<4096x512xf32, #tpu.memory_space<hbm>> -> memref<4096x256xf32, #tpu.memory_space<hbm>>
          tpu.wait_indirect_dma semaphore(%run_scoped3A_273 : memref<!tpu.dma_semaphore, #tpu.memory_space<semaphore_mem>>) src(%dma_wait3A_301 : memref<4096x256xf32, #tpu.memory_space<hbm>>) dst(%dma_wait3A_291 : memref<128x256xf32, #tpu.memory_space<vmem>>)
          tpu.yield
        }) : () -> ()
        "tpu.trace_stop"() : () -> ()
        %ne3A_208 = arith.cmpi ne, %add3A_140, %add3A_158 : i32
        %or3A_209 = arith.constant false
        %or3A_210 = arith.ori %or3A_209, %ne3A_208 : i1
        %or3A_211 = arith.ori %or3A_210, %eq3A_139 : i1
        %convert_element_type3A_212 = arith.extui %or3A_211 : i1 to i32
        %cond3A_213 = arith.constant 0 : i32
        %cond3A_214 = arith.cmpi ne, %convert_element_type3A_212, %cond3A_213 : i32
        scf.if %cond3A_214 {
        } else {
        }
        %and3A_215 = arith.constant false
        %and3A_216 = arith.andi %or3A_211, %and3A_215 : i1
        %ne3A_217 = arith.cmpi ne, %add3A_140, %add3A_158 : i32
        %or3A_218 = arith.constant false
        %or3A_219 = arith.ori %or3A_218, %ne3A_217 : i1
        %or3A_220 = arith.constant false
        %or3A_221 = arith.ori %or3A_219, %or3A_220 : i1
        %or3A_222 = arith.ori %or3A_221, %eq3A_139 : i1
        %convert_element_type3A_223 = arith.extui %or3A_222 : i1 to i32
        %cond3A_224 = arith.constant 0 : i32
        %cond3A_225 = arith.cmpi ne, %convert_element_type3A_223, %cond3A_224 : i32
        scf.if %cond3A_225 {
          "tpu.trace_start"() <{level = 10 : i32, message = "ep_copy_out"}> : () -> ()
          %rem3A_273 = arith.constant 2 : i32
          %rem3A_274 = arith.remui %scan3A_133, %rem3A_273 : i32
          %mul3A_275 = arith.constant 128 : i32
          %mul3A_276 = arith.muli %mul3A_275, %add3A_140 : i32
          %dma_start3A_277 = arith.constant 0 : i32
          %dma_start3A_278 = arith.constant 0 : i32
          %dma_start3A_279 = tpu.memref_slice %run_scoped3A_17[%rem3A_274, %dma_start3A_277, %dma_start3A_278] : memref<2x128x256xf32, #tpu.memory_space<vmem>> -> memref<1x128x256xf32, #tpu.memory_space<vmem>>
          %dma_start3A_280 = tpu.memref_squeeze %dma_start3A_279 : memref<1x128x256xf32, #tpu.memory_space<vmem>> -> memref<128x256xf32, #tpu.memory_space<vmem>>
          %dma_start3A_281 = arith.constant 0 : i32
          %dma_start3A_282 = tpu.memref_slice %arg4[%mul3A_276, %dma_start3A_281] : memref<8192x256xf32, #tpu.memory_space<hbm>> -> memref<128x256xf32, #tpu.memory_space<hbm>>
          %dma_start3A_283 = tpu.memref_slice %run_scoped3A_18[%rem3A_274] : memref<2x!tpu.dma_semaphore, #tpu.memory_space<semaphore_mem>> -> memref<1x!tpu.dma_semaphore, #tpu.memory_space<semaphore_mem>>
          %dma_start3A_284 = tpu.memref_squeeze %dma_start3A_283 : memref<1x!tpu.dma_semaphore, #tpu.memory_space<semaphore_mem>> -> memref<!tpu.dma_semaphore, #tpu.memory_space<semaphore_mem>>
          %dma_start3A_285 = arith.constant 0 : i32
          %dma_start3A_286 = tpu.memref_slice %arg4[%mul3A_276, %dma_start3A_285] : memref<8192x256xf32, #tpu.memory_space<hbm>> -> memref<128x256xf32, #tpu.memory_space<hbm>>
          %dma_start3A_287 = arith.constant 0 : i32
          %dma_start3A_288 = arith.constant 0 : i32
          %dma_start3A_289 = tpu.memref_slice %run_scoped3A_17[%rem3A_274, %dma_start3A_287, %dma_start3A_288] : memref<2x128x256xf32, #tpu.memory_space<vmem>> -> memref<1x128x256xf32, #tpu.memory_space<vmem>>
          %dma_start3A_290 = tpu.memref_squeeze %dma_start3A_289 : memref<1x128x256xf32, #tpu.memory_space<vmem>> -> memref<128x256xf32, #tpu.memory_space<vmem>>
          tpu.enqueue_dma source(%dma_start3A_290 : memref<128x256xf32, #tpu.memory_space<vmem>>) target(%dma_start3A_286 : memref<128x256xf32, #tpu.memory_space<hbm>>) target_semaphore(%dma_start3A_284 : memref<!tpu.dma_semaphore, #tpu.memory_space<semaphore_mem>>)
          "tpu.trace_stop"() : () -> ()
        } else {
        }
        %and3A_226 = arith.constant true
        %and3A_227 = arith.andi %or3A_222, %and3A_226 : i1
        %add3A_228 = arith.constant 1 : i32
        %add3A_229 = arith.addi %scan3A_133, %add3A_228 : i32
        %select_n3A_230 = arith.select %and3A_227, %add3A_229, %scan3A_133 : i32
        %ne3A_231 = arith.cmpi ne, %add3A_140, %add3A_149 : i32
        %or3A_232 = arith.constant false
        %or3A_233 = arith.ori %or3A_232, %ne3A_231 : i1
        %not3A_234 = arith.constant true
        %not3A_235 = arith.xori %eq3A_137, %not3A_234 : i1
        %and3A_236 = arith.andi %or3A_233, %not3A_235 : i1
        %convert_element_type3A_237 = arith.extui %and3A_236 : i1 to i32
        %cond3A_238 = arith.constant 0 : i32
        %cond3A_239 = arith.cmpi ne, %convert_element_type3A_237, %cond3A_238 : i32
        scf.if %cond3A_239 {
        } else {
        }
        %and3A_240 = arith.constant false
        %and3A_241 = arith.andi %and3A_236, %and3A_240 : i1
        %ne3A_242 = arith.cmpi ne, %add3A_140, %add3A_149 : i32
        %or3A_243 = arith.constant false
        %or3A_244 = arith.ori %or3A_243, %ne3A_242 : i1
        %or3A_245 = arith.constant false
        %or3A_246 = arith.ori %or3A_244, %or3A_245 : i1
        %not3A_247 = arith.constant true
        %not3A_248 = arith.xori %eq3A_137, %not3A_247 : i1
        %and3A_249 = arith.andi %or3A_246, %not3A_248 : i1
        %convert_element_type3A_250 = arith.extui %and3A_249 : i1 to i32
        %cond3A_251 = arith.constant 0 : i32
        %cond3A_252 = arith.cmpi ne, %convert_element_type3A_250, %cond3A_251 : i32
        scf.if %cond3A_252 {
          "tpu.trace_start"() <{level = 10 : i32, message = "ep_wait_out"}> : () -> ()
          %rem3A_273 = arith.constant 2 : i32
          %rem3A_274 = arith.remui %scan3A_134, %rem3A_273 : i32
          %mul3A_275 = arith.constant 128 : i32
          %mul3A_276 = arith.muli %mul3A_275, %add3A_149 : i32
          %dma_wait3A_277 = arith.constant 0 : i32
          %dma_wait3A_278 = arith.constant 0 : i32
          %dma_wait3A_279 = tpu.memref_slice %run_scoped3A_17[%rem3A_274, %dma_wait3A_277, %dma_wait3A_278] : memref<2x128x256xf32, #tpu.memory_space<vmem>> -> memref<1x128x256xf32, #tpu.memory_space<vmem>>
          %dma_wait3A_280 = tpu.memref_squeeze %dma_wait3A_279 : memref<1x128x256xf32, #tpu.memory_space<vmem>> -> memref<128x256xf32, #tpu.memory_space<vmem>>
          %dma_wait3A_281 = arith.constant 0 : i32
          %dma_wait3A_282 = tpu.memref_slice %arg4[%mul3A_276, %dma_wait3A_281] : memref<8192x256xf32, #tpu.memory_space<hbm>> -> memref<128x256xf32, #tpu.memory_space<hbm>>
          %dma_wait3A_283 = tpu.memref_slice %run_scoped3A_18[%rem3A_274] : memref<2x!tpu.dma_semaphore, #tpu.memory_space<semaphore_mem>> -> memref<1x!tpu.dma_semaphore, #tpu.memory_space<semaphore_mem>>
          %dma_wait3A_284 = tpu.memref_squeeze %dma_wait3A_283 : memref<1x!tpu.dma_semaphore, #tpu.memory_space<semaphore_mem>> -> memref<!tpu.dma_semaphore, #tpu.memory_space<semaphore_mem>>
          %dma_wait3A_285 = arith.constant 0 : i32
          %dma_wait3A_286 = tpu.memref_slice %arg4[%mul3A_276, %dma_wait3A_285] : memref<8192x256xf32, #tpu.memory_space<hbm>> -> memref<128x256xf32, #tpu.memory_space<hbm>>
          %dma_wait3A_287 = arith.constant 0 : i32
          %dma_wait3A_288 = arith.constant 0 : i32
          %dma_wait3A_289 = tpu.memref_slice %run_scoped3A_17[%rem3A_274, %dma_wait3A_287, %dma_wait3A_288] : memref<2x128x256xf32, #tpu.memory_space<vmem>> -> memref<1x128x256xf32, #tpu.memory_space<vmem>>
          %dma_wait3A_290 = tpu.memref_squeeze %dma_wait3A_289 : memref<1x128x256xf32, #tpu.memory_space<vmem>> -> memref<128x256xf32, #tpu.memory_space<vmem>>
          tpu.wait_dma2 semaphore(%dma_wait3A_284 : memref<!tpu.dma_semaphore, #tpu.memory_space<semaphore_mem>>) src(%dma_wait3A_290 : memref<128x256xf32, #tpu.memory_space<vmem>>) dst(%dma_wait3A_286 : memref<128x256xf32, #tpu.memory_space<hbm>>)
          "tpu.trace_stop"() : () -> ()
        } else {
        }
        %and3A_253 = arith.constant true
        %and3A_254 = arith.andi %and3A_249, %and3A_253 : i1
        %add3A_255 = arith.constant 1 : i32
        %add3A_256 = arith.addi %scan3A_134, %add3A_255 : i32
        %select_n3A_257 = arith.select %and3A_254, %add3A_256, %scan3A_134 : i32
        %ne3A_258 = arith.cmpi ne, %add3A_140, %add3A_158 : i32
        %or3A_259 = arith.constant false
        %or3A_260 = arith.ori %or3A_259, %ne3A_258 : i1
        %or3A_261 = arith.ori %or3A_260, %eq3A_139 : i1
        %add3A_262 = arith.constant 1 : i32
        %add3A_263 = arith.addi %scan3A_132, %add3A_262 : i32
        %select_n3A_264 = arith.select %or3A_261, %add3A_263, %scan3A_132 : i32
        %add3A_265 = arith.constant 1 : i32
        %add3A_266 = arith.addi %scan3A_135, %add3A_265 : i32
        %select_n3A_267 = arith.constant true
        %select_n3A_268 = arith.select %select_n3A_267, %add3A_266, %scan3A_135 : i32
        %eq3A_269 = arith.constant 2 : i32
        %eq3A_270 = arith.cmpi eq, %select_n3A_268, %eq3A_269 : i32
        %select_n3A_271 = arith.constant 0 : i32
        %select_n3A_272 = arith.select %eq3A_270, %select_n3A_271, %select_n3A_268 : i32
        scf.yield %select_n3A_176, %select_n3A_264, %select_n3A_230, %select_n3A_257, %select_n3A_272 : i32, i32, i32, i32, i32
      }
      %scan3A_77 = arith.constant 2 : i32
      %sub3A = arith.constant 1 : i32
      %sub3A_78 = arith.subi %scan3A_76#4, %sub3A : i32
      %select_n3A_79 = arith.constant true
      %select_n3A_80 = arith.select %select_n3A_79, %sub3A_78, %scan3A_76#4 : i32
      %eq3A_81 = arith.constant -1 : i32
      %eq3A_82 = arith.cmpi eq, %select_n3A_80, %eq3A_81 : i32
      %select_n3A_83 = arith.constant 1 : i32
      %select_n3A_84 = arith.select %eq3A_82, %select_n3A_83, %select_n3A_80 : i32
      %add3A_85 = arith.addi %select_n3A_84, %mul3A_6 : i32
      %sub3A_86 = arith.constant 1 : i32
      %sub3A_87 = arith.subi %select_n3A_84, %sub3A_86 : i32
      %select_n3A_88 = arith.constant true
      %select_n3A_89 = arith.select %select_n3A_88, %sub3A_87, %select_n3A_84 : i32
      %eq3A_90 = arith.constant -1 : i32
      %eq3A_91 = arith.cmpi eq, %select_n3A_89, %eq3A_90 : i32
      %select_n3A_92 = arith.constant 1 : i32
      %select_n3A_93 = arith.select %eq3A_91, %select_n3A_92, %select_n3A_89 : i32
      %add3A_94 = arith.addi %select_n3A_93, %mul3A_6 : i32
      %add3A_95 = arith.constant 1 : i32
      %add3A_96 = arith.addi %select_n3A_84, %add3A_95 : i32
      %select_n3A_97 = arith.constant true
      %select_n3A_98 = arith.select %select_n3A_97, %add3A_96, %select_n3A_84 : i32
      %eq3A_99 = arith.constant 2 : i32
      %eq3A_100 = arith.cmpi eq, %select_n3A_98, %eq3A_99 : i32
      %select_n3A_101 = arith.constant 0 : i32
      %select_n3A_102 = arith.select %eq3A_100, %select_n3A_101, %select_n3A_98 : i32
      %add3A_103 = arith.addi %select_n3A_102, %mul3A_6 : i32
      %add3A_104 = arith.constant 1 : i32
      %add3A_105 = arith.addi %select_n3A_102, %add3A_104 : i32
      %select_n3A_106 = arith.constant true
      %select_n3A_107 = arith.select %select_n3A_106, %add3A_105, %select_n3A_102 : i32
      %eq3A_108 = arith.constant 2 : i32
      %eq3A_109 = arith.cmpi eq, %select_n3A_107, %eq3A_108 : i32
      %select_n3A_110 = arith.constant 0 : i32
      %select_n3A_111 = arith.select %eq3A_109, %select_n3A_110, %select_n3A_107 : i32
      %add3A_112 = arith.addi %select_n3A_111, %mul3A_6 : i32
      "tpu.trace_start"() <{level = 10 : i32, message = "ep_finalize"}> : () -> ()
      %rem3A_113 = arith.constant 2 : i32
      %rem3A_114 = arith.remui %scan3A_76#3, %rem3A_113 : i32
      %mul3A_115 = arith.constant 128 : i32
      %mul3A_116 = arith.muli %mul3A_115, %add3A_85 : i32
      %dma_wait3A = arith.constant 0 : i32
      %dma_wait3A_117 = arith.constant 0 : i32
      %dma_wait3A_118 = tpu.memref_slice %run_scoped3A_17[%rem3A_114, %dma_wait3A, %dma_wait3A_117] : memref<2x128x256xf32, #tpu.memory_space<vmem>> -> memref<1x128x256xf32, #tpu.memory_space<vmem>>
      %dma_wait3A_119 = tpu.memref_squeeze %dma_wait3A_118 : memref<1x128x256xf32, #tpu.memory_space<vmem>> -> memref<128x256xf32, #tpu.memory_space<vmem>>
      %dma_wait3A_120 = arith.constant 0 : i32
      %dma_wait3A_121 = tpu.memref_slice %arg4[%mul3A_116, %dma_wait3A_120] : memref<8192x256xf32, #tpu.memory_space<hbm>> -> memref<128x256xf32, #tpu.memory_space<hbm>>
      %dma_wait3A_122 = tpu.memref_slice %run_scoped3A_18[%rem3A_114] : memref<2x!tpu.dma_semaphore, #tpu.memory_space<semaphore_mem>> -> memref<1x!tpu.dma_semaphore, #tpu.memory_space<semaphore_mem>>
      %dma_wait3A_123 = tpu.memref_squeeze %dma_wait3A_122 : memref<1x!tpu.dma_semaphore, #tpu.memory_space<semaphore_mem>> -> memref<!tpu.dma_semaphore, #tpu.memory_space<semaphore_mem>>
      %dma_wait3A_124 = arith.constant 0 : i32
      %dma_wait3A_125 = tpu.memref_slice %arg4[%mul3A_116, %dma_wait3A_124] : memref<8192x256xf32, #tpu.memory_space<hbm>> -> memref<128x256xf32, #tpu.memory_space<hbm>>
      %dma_wait3A_126 = arith.constant 0 : i32
      %dma_wait3A_127 = arith.constant 0 : i32
      %dma_wait3A_128 = tpu.memref_slice %run_scoped3A_17[%rem3A_114, %dma_wait3A_126, %dma_wait3A_127] : memref<2x128x256xf32, #tpu.memory_space<vmem>> -> memref<1x128x256xf32, #tpu.memory_space<vmem>>
      %dma_wait3A_129 = tpu.memref_squeeze %dma_wait3A_128 : memref<1x128x256xf32, #tpu.memory_space<vmem>> -> memref<128x256xf32, #tpu.memory_space<vmem>>
      tpu.wait_dma2 semaphore(%dma_wait3A_123 : memref<!tpu.dma_semaphore, #tpu.memory_space<semaphore_mem>>) src(%dma_wait3A_129 : memref<128x256xf32, #tpu.memory_space<vmem>>) dst(%dma_wait3A_125 : memref<128x256xf32, #tpu.memory_space<hbm>>)
      "tpu.trace_stop"() : () -> ()
      tpu.yield
    }) : () -> ()
    %mul3A_7 = arith.constant 1 : i32
    %mul3A_8 = arith.muli %arg1, %mul3A_7 : i32
    %add3A_9 = arith.constant 0 : i32
    %add3A_10 = arith.addi %add3A_9, %mul3A_8 : i32
    %mul3A_11 = arith.constant 16 : i32
    %mul3A_12 = arith.muli %arg0, %mul3A_11 : i32
    %add3A_13 = arith.addi %add3A_10, %mul3A_12 : i32
    %mul3A_14 = arith.constant 2 : i32
    %mul3A_15 = arith.muli %add3A_13, %mul3A_14 : i32
    "tpu.region"() ({
      %run_scoped3A = memref.alloca() : memref<2x1x128xi32, #tpu.memory_space<vmem>>
      %run_scoped3A_16 = tpu.sem_alloc : memref<2x!tpu.dma_semaphore, #tpu.memory_space<semaphore_mem>>
      %run_scoped3A_17 = memref.alloca() : memref<2x128x256xf32, #tpu.memory_space<vmem>>
      %run_scoped3A_18 = tpu.sem_alloc : memref<2x!tpu.dma_semaphore, #tpu.memory_space<semaphore_mem>>
      %add3A_19 = arith.constant 0 : i32
      %add3A_20 = arith.addi %add3A_19, %mul3A_15 : i32
      %select_n3A = arith.constant true
      %select_n3A_21 = arith.constant 0 : i32
      %select_n3A_22 = arith.constant -1 : i32
      %select_n3A_23 = arith.select %select_n3A, %select_n3A_22, %select_n3A_21 : i32
      %eq3A = arith.constant -1 : i32
      %eq3A_24 = arith.cmpi eq, %select_n3A_23, %eq3A : i32
      %select_n3A_25 = arith.constant 1 : i32
      %select_n3A_26 = arith.select %eq3A_24, %select_n3A_25, %select_n3A_23 : i32
      %add3A_27 = arith.addi %select_n3A_26, %mul3A_15 : i32
      %select_n3A_28 = arith.constant true
      %select_n3A_29 = arith.constant 0 : i32
      %select_n3A_30 = arith.constant 1 : i32
      %select_n3A_31 = arith.select %select_n3A_28, %select_n3A_30, %select_n3A_29 : i32
      %eq3A_32 = arith.constant 2 : i32
      %eq3A_33 = arith.cmpi eq, %select_n3A_31, %eq3A_32 : i32
      %select_n3A_34 = arith.constant 0 : i32
      %select_n3A_35 = arith.select %eq3A_33, %select_n3A_34, %select_n3A_31 : i32
      %add3A_36 = arith.addi %select_n3A_35, %mul3A_15 : i32
      %add3A_37 = arith.constant 1 : i32
      %add3A_38 = arith.addi %select_n3A_35, %add3A_37 : i32
      %select_n3A_39 = arith.constant true
      %select_n3A_40 = arith.select %select_n3A_39, %add3A_38, %select_n3A_35 : i32
      %eq3A_41 = arith.constant 2 : i32
      %eq3A_42 = arith.cmpi eq, %select_n3A_40, %eq3A_41 : i32
      %select_n3A_43 = arith.constant 0 : i32
      %select_n3A_44 = arith.select %eq3A_42, %select_n3A_43, %select_n3A_40 : i32
      %add3A_45 = arith.addi %select_n3A_44, %mul3A_15 : i32
      "tpu.trace_start"() <{level = 10 : i32, message = "ep_initialize_0"}> : () -> ()
      %rem3A = arith.constant 0 : i32
      %rem3A_46 = arith.constant 2 : i32
      %rem3A_47 = arith.remui %rem3A, %rem3A_46 : i32
      %mul3A_48 = arith.constant 128 : i32
      %mul3A_49 = arith.muli %mul3A_48, %add3A_20 : i32
      %dma_start3A = arith.constant 0 : i32
      %dma_start3A_50 = arith.constant 0 : i32
      %dma_start3A_51 = tpu.memref_slice %run_scoped3A[%rem3A_47, %dma_start3A, %dma_start3A_50] : memref<2x1x128xi32, #tpu.memory_space<vmem>> -> memref<1x1x128xi32, #tpu.memory_space<vmem>>
      %dma_start3A_52 = tpu.memref_squeeze %dma_start3A_51 : memref<1x1x128xi32, #tpu.memory_space<vmem>> -> memref<1x128xi32, #tpu.memory_space<vmem>>
      %dma_start3A_53 = arith.constant 0 : i32
      %dma_start3A_54 = tpu.memref_slice %arg3[%dma_start3A_53, %mul3A_49] : memref<1x8192xi32, #tpu.memory_space<hbm>> -> memref<1x128xi32, #tpu.memory_space<hbm>>
      %dma_start3A_55 = tpu.memref_slice %run_scoped3A_16[%rem3A_47] : memref<2x!tpu.dma_semaphore, #tpu.memory_space<semaphore_mem>> -> memref<1x!tpu.dma_semaphore, #tpu.memory_space<semaphore_mem>>
      %dma_start3A_56 = tpu.memref_squeeze %dma_start3A_55 : memref<1x!tpu.dma_semaphore, #tpu.memory_space<semaphore_mem>> -> memref<!tpu.dma_semaphore, #tpu.memory_space<semaphore_mem>>
      %dma_start3A_57 = arith.constant 0 : i32
      %dma_start3A_58 = arith.constant 0 : i32
      %dma_start3A_59 = tpu.memref_slice %run_scoped3A[%rem3A_47, %dma_start3A_57, %dma_start3A_58] : memref<2x1x128xi32, #tpu.memory_space<vmem>> -> memref<1x1x128xi32, #tpu.memory_space<vmem>>
      %dma_start3A_60 = tpu.memref_squeeze %dma_start3A_59 : memref<1x1x128xi32, #tpu.memory_space<vmem>> -> memref<1x128xi32, #tpu.memory_space<vmem>>
      %dma_start3A_61 = arith.constant 0 : i32
      %dma_start3A_62 = tpu.memref_slice %arg3[%dma_start3A_61, %mul3A_49] : memref<1x8192xi32, #tpu.memory_space<hbm>> -> memref<1x128xi32, #tpu.memory_space<hbm>>
      tpu.enqueue_dma source(%dma_start3A_62 : memref<1x128xi32, #tpu.memory_space<hbm>>) target(%dma_start3A_60 : memref<1x128xi32, #tpu.memory_space<vmem>>) target_semaphore(%dma_start3A_56 : memref<!tpu.dma_semaphore, #tpu.memory_space<semaphore_mem>>)
      %add3A_63 = arith.constant 0 : i32
      %add3A_64 = arith.constant 1 : i32
      %add3A_65 = arith.addi %add3A_63, %add3A_64 : i32
      %select_n3A_66 = arith.constant true
      %select_n3A_67 = arith.constant 0 : i32
      %select_n3A_68 = arith.select %select_n3A_66, %add3A_65, %select_n3A_67 : i32
      "tpu.trace_stop"() : () -> ()
      %scan3A = arith.constant 0 : i32
      %scan3A_69 = arith.constant 0 : i32
      %scan3A_70 = arith.constant 0 : i32
      %scan3A_71 = arith.constant 0 : i32
      %scan3A_72 = arith.constant 0 : i32
      %scan3A_73 = arith.constant 2 : i32
      %scan3A_74 = arith.addi %scan3A_72, %scan3A_73 : i32
      %scan3A_75 = arith.constant 1 : i32
      %scan3A_76:5 = scf.for %scan3A_130 = %scan3A_72 to %scan3A_74 step %scan3A_75 iter_args(%scan3A_131 = %select_n3A_68, %scan3A_132 = %scan3A, %scan3A_133 = %scan3A_69, %scan3A_134 = %scan3A_70, %scan3A_135 = %scan3A_71) -> (i32, i32, i32, i32, i32)  : i32 {
        %eq3A_136 = arith.constant 0 : i32
        %eq3A_137 = arith.cmpi eq, %scan3A_130, %eq3A_136 : i32
        %eq3A_138 = arith.constant 1 : i32
        %eq3A_139 = arith.cmpi eq, %scan3A_130, %eq3A_138 : i32
        %add3A_140 = arith.addi %scan3A_135, %mul3A_15 : i32
        %sub3A_141 = arith.constant 1 : i32
        %sub3A_142 = arith.subi %scan3A_135, %sub3A_141 : i32
        %select_n3A_143 = arith.constant true
        %select_n3A_144 = arith.select %select_n3A_143, %sub3A_142, %scan3A_135 : i32
        %eq3A_145 = arith.constant -1 : i32
        %eq3A_146 = arith.cmpi eq, %select_n3A_144, %eq3A_145 : i32
        %select_n3A_147 = arith.constant 1 : i32
        %select_n3A_148 = arith.select %eq3A_146, %select_n3A_147, %select_n3A_144 : i32
        %add3A_149 = arith.addi %select_n3A_148, %mul3A_15 : i32
        %add3A_150 = arith.constant 1 : i32
        %add3A_151 = arith.addi %scan3A_135, %add3A_150 : i32
        %select_n3A_152 = arith.constant true
        %select_n3A_153 = arith.select %select_n3A_152, %add3A_151, %scan3A_135 : i32
        %eq3A_154 = arith.constant 2 : i32
        %eq3A_155 = arith.cmpi eq, %select_n3A_153, %eq3A_154 : i32
        %select_n3A_156 = arith.constant 0 : i32
        %select_n3A_157 = arith.select %eq3A_155, %select_n3A_156, %select_n3A_153 : i32
        %add3A_158 = arith.addi %select_n3A_157, %mul3A_15 : i32
        %add3A_159 = arith.constant 1 : i32
        %add3A_160 = arith.addi %select_n3A_157, %add3A_159 : i32
        %select_n3A_161 = arith.constant true
        %select_n3A_162 = arith.select %select_n3A_161, %add3A_160, %select_n3A_157 : i32
        %eq3A_163 = arith.constant 2 : i32
        %eq3A_164 = arith.cmpi eq, %select_n3A_162, %eq3A_163 : i32
        %select_n3A_165 = arith.constant 0 : i32
        %select_n3A_166 = arith.select %eq3A_164, %select_n3A_165, %select_n3A_162 : i32
        %add3A_167 = arith.addi %select_n3A_166, %mul3A_15 : i32
        %ne3A = arith.cmpi ne, %add3A_140, %add3A_158 : i32
        %or3A = arith.constant false
        %or3A_168 = arith.ori %or3A, %ne3A : i1
        %ge3A = arith.constant 1 : i32
        %ge3A_169 = arith.cmpi sge, %scan3A_130, %ge3A : i32
        %not3A = arith.constant true
        %not3A_170 = arith.xori %ge3A_169, %not3A : i1
        %and3A = arith.andi %or3A_168, %not3A_170 : i1
        %convert_element_type3A = arith.extui %and3A : i1 to i32
        %cond3A = arith.constant 0 : i32
        %cond3A_171 = arith.cmpi ne, %convert_element_type3A, %cond3A : i32
        scf.if %cond3A_171 {
          "tpu.trace_start"() <{level = 10 : i32, message = "ep_copy_in"}> : () -> ()
          %rem3A_273 = arith.constant 2 : i32
          %rem3A_274 = arith.remui %scan3A_131, %rem3A_273 : i32
          %mul3A_275 = arith.constant 128 : i32
          %mul3A_276 = arith.muli %mul3A_275, %add3A_158 : i32
          %dma_start3A_277 = arith.constant 0 : i32
          %dma_start3A_278 = arith.constant 0 : i32
          %dma_start3A_279 = tpu.memref_slice %run_scoped3A[%rem3A_274, %dma_start3A_277, %dma_start3A_278] : memref<2x1x128xi32, #tpu.memory_space<vmem>> -> memref<1x1x128xi32, #tpu.memory_space<vmem>>
          %dma_start3A_280 = tpu.memref_squeeze %dma_start3A_279 : memref<1x1x128xi32, #tpu.memory_space<vmem>> -> memref<1x128xi32, #tpu.memory_space<vmem>>
          %dma_start3A_281 = arith.constant 0 : i32
          %dma_start3A_282 = tpu.memref_slice %arg3[%dma_start3A_281, %mul3A_276] : memref<1x8192xi32, #tpu.memory_space<hbm>> -> memref<1x128xi32, #tpu.memory_space<hbm>>
          %dma_start3A_283 = tpu.memref_slice %run_scoped3A_16[%rem3A_274] : memref<2x!tpu.dma_semaphore, #tpu.memory_space<semaphore_mem>> -> memref<1x!tpu.dma_semaphore, #tpu.memory_space<semaphore_mem>>
          %dma_start3A_284 = tpu.memref_squeeze %dma_start3A_283 : memref<1x!tpu.dma_semaphore, #tpu.memory_space<semaphore_mem>> -> memref<!tpu.dma_semaphore, #tpu.memory_space<semaphore_mem>>
          %dma_start3A_285 = arith.constant 0 : i32
          %dma_start3A_286 = arith.constant 0 : i32
          %dma_start3A_287 = tpu.memref_slice %run_scoped3A[%rem3A_274, %dma_start3A_285, %dma_start3A_286] : memref<2x1x128xi32, #tpu.memory_space<vmem>> -> memref<1x1x128xi32, #tpu.memory_space<vmem>>
          %dma_start3A_288 = tpu.memref_squeeze %dma_start3A_287 : memref<1x1x128xi32, #tpu.memory_space<vmem>> -> memref<1x128xi32, #tpu.memory_space<vmem>>
          %dma_start3A_289 = arith.constant 0 : i32
          %dma_start3A_290 = tpu.memref_slice %arg3[%dma_start3A_289, %mul3A_276] : memref<1x8192xi32, #tpu.memory_space<hbm>> -> memref<1x128xi32, #tpu.memory_space<hbm>>
          tpu.enqueue_dma source(%dma_start3A_290 : memref<1x128xi32, #tpu.memory_space<hbm>>) target(%dma_start3A_288 : memref<1x128xi32, #tpu.memory_space<vmem>>) target_semaphore(%dma_start3A_284 : memref<!tpu.dma_semaphore, #tpu.memory_space<semaphore_mem>>)
          "tpu.trace_stop"() : () -> ()
        } else {
        }
        %and3A_172 = arith.constant true
        %and3A_173 = arith.andi %and3A, %and3A_172 : i1
        %add3A_174 = arith.constant 1 : i32
        %add3A_175 = arith.addi %scan3A_131, %add3A_174 : i32
        %select_n3A_176 = arith.select %and3A_173, %add3A_175, %scan3A_131 : i32
        %ne3A_177 = arith.cmpi ne, %add3A_140, %add3A_158 : i32
        %or3A_178 = arith.constant false
        %or3A_179 = arith.ori %or3A_178, %ne3A_177 : i1
        %or3A_180 = arith.constant false
        %or3A_181 = arith.ori %or3A_179, %or3A_180 : i1
        %ge3A_182 = arith.constant 1 : i32
        %ge3A_183 = arith.cmpi sge, %scan3A_130, %ge3A_182 : i32
        %not3A_184 = arith.constant true
        %not3A_185 = arith.xori %ge3A_183, %not3A_184 : i1
        %and3A_186 = arith.andi %or3A_181, %not3A_185 : i1
        %ne3A_187 = arith.cmpi ne, %add3A_140, %add3A_149 : i32
        %or3A_188 = arith.constant false
        %or3A_189 = arith.ori %or3A_188, %ne3A_187 : i1
        %or3A_190 = arith.ori %or3A_189, %eq3A_137 : i1
        %convert_element_type3A_191 = arith.extui %or3A_190 : i1 to i32
        %cond3A_192 = arith.constant 0 : i32
        %cond3A_193 = arith.cmpi ne, %convert_element_type3A_191, %cond3A_192 : i32
        scf.if %cond3A_193 {
          "tpu.trace_start"() <{level = 10 : i32, message = "ep_wait_in"}> : () -> ()
          %mul3A_273 = arith.constant 128 : i32
          %mul3A_274 = arith.muli %mul3A_273, %add3A_140 : i32
          %rem3A_275 = arith.constant 2 : i32
          %rem3A_276 = arith.remui %scan3A_132, %rem3A_275 : i32
          %dma_wait3A_277 = arith.constant 0 : i32
          %dma_wait3A_278 = arith.constant 0 : i32
          %dma_wait3A_279 = tpu.memref_slice %run_scoped3A[%rem3A_276, %dma_wait3A_277, %dma_wait3A_278] : memref<2x1x128xi32, #tpu.memory_space<vmem>> -> memref<1x1x128xi32, #tpu.memory_space<vmem>>
          %dma_wait3A_280 = tpu.memref_squeeze %dma_wait3A_279 : memref<1x1x128xi32, #tpu.memory_space<vmem>> -> memref<1x128xi32, #tpu.memory_space<vmem>>
          %dma_wait3A_281 = arith.constant 0 : i32
          %dma_wait3A_282 = tpu.memref_slice %arg3[%dma_wait3A_281, %mul3A_274] : memref<1x8192xi32, #tpu.memory_space<hbm>> -> memref<1x128xi32, #tpu.memory_space<hbm>>
          %dma_wait3A_283 = tpu.memref_slice %run_scoped3A_16[%rem3A_276] : memref<2x!tpu.dma_semaphore, #tpu.memory_space<semaphore_mem>> -> memref<1x!tpu.dma_semaphore, #tpu.memory_space<semaphore_mem>>
          %dma_wait3A_284 = tpu.memref_squeeze %dma_wait3A_283 : memref<1x!tpu.dma_semaphore, #tpu.memory_space<semaphore_mem>> -> memref<!tpu.dma_semaphore, #tpu.memory_space<semaphore_mem>>
          %dma_wait3A_285 = arith.constant 0 : i32
          %dma_wait3A_286 = arith.constant 0 : i32
          %dma_wait3A_287 = tpu.memref_slice %run_scoped3A[%rem3A_276, %dma_wait3A_285, %dma_wait3A_286] : memref<2x1x128xi32, #tpu.memory_space<vmem>> -> memref<1x1x128xi32, #tpu.memory_space<vmem>>
          %dma_wait3A_288 = tpu.memref_squeeze %dma_wait3A_287 : memref<1x1x128xi32, #tpu.memory_space<vmem>> -> memref<1x128xi32, #tpu.memory_space<vmem>>
          %dma_wait3A_289 = arith.constant 0 : i32
          %dma_wait3A_290 = tpu.memref_slice %arg3[%dma_wait3A_289, %mul3A_274] : memref<1x8192xi32, #tpu.memory_space<hbm>> -> memref<1x128xi32, #tpu.memory_space<hbm>>
          tpu.wait_dma2 semaphore(%dma_wait3A_284 : memref<!tpu.dma_semaphore, #tpu.memory_space<semaphore_mem>>) src(%dma_wait3A_290 : memref<1x128xi32, #tpu.memory_space<hbm>>) dst(%dma_wait3A_288 : memref<1x128xi32, #tpu.memory_space<vmem>>)
          "tpu.trace_stop"() : () -> ()
        } else {
        }
        %ne3A_194 = arith.cmpi ne, %add3A_140, %add3A_149 : i32
        %or3A_195 = arith.constant false
        %or3A_196 = arith.ori %or3A_195, %ne3A_194 : i1
        %or3A_197 = arith.constant false
        %or3A_198 = arith.ori %or3A_196, %or3A_197 : i1
        %or3A_199 = arith.ori %or3A_198, %eq3A_137 : i1
        %convert_element_type3A_200 = arith.extui %or3A_199 : i1 to i32
        %cond3A_201 = arith.constant 0 : i32
        %cond3A_202 = arith.cmpi ne, %convert_element_type3A_200, %cond3A_201 : i32
        scf.if %cond3A_202 {
        } else {
        }
        %rem3A_203 = arith.constant 2 : i32
        %rem3A_204 = arith.remui %scan3A_132, %rem3A_203 : i32
        %rem3A_205 = arith.constant 2 : i32
        %rem3A_206 = arith.remui %scan3A_133, %rem3A_205 : i32
        %run_scoped3A_207 = arith.constant 0 : i32
        "tpu.trace_start"() <{level = 10 : i32, message = "ep_run_kernel"}> : () -> ()
        "tpu.region"() ({
          %run_scoped3A_273 = tpu.sem_alloc : memref<!tpu.dma_semaphore, #tpu.memory_space<semaphore_mem>>
          %dma_start3A_274 = arith.constant 0 : i32
          %dma_start3A_275 = arith.constant 0 : i32
          %dma_start3A_276 = tpu.memref_slice %run_scoped3A_17[%rem3A_206, %dma_start3A_274, %dma_start3A_275] : memref<2x128x256xf32, #tpu.memory_space<vmem>> -> memref<1x128x256xf32, #tpu.memory_space<vmem>>
          %dma_start3A_277 = tpu.memref_squeeze %dma_start3A_276 : memref<1x128x256xf32, #tpu.memory_space<vmem>> -> memref<128x256xf32, #tpu.memory_space<vmem>>
          %dma_start3A_278 = arith.constant 0 : i32
          %dma_start3A_279 = arith.constant 0 : i32
          %dma_start3A_280 = tpu.memref_slice %run_scoped3A[%rem3A_204, %dma_start3A_278, %dma_start3A_279] : memref<2x1x128xi32, #tpu.memory_space<vmem>> -> memref<1x1x128xi32, #tpu.memory_space<vmem>>
          %dma_start3A_281 = tpu.memref_squeeze %dma_start3A_280 : memref<1x1x128xi32, #tpu.memory_space<vmem>> -> memref<1x128xi32, #tpu.memory_space<vmem>>
          %dma_start3A_282 = arith.constant 0 : i32
          %dma_start3A_283 = tpu.memref_slice %dma_start3A_281[%run_scoped3A_207, %dma_start3A_282] : memref<1x128xi32, #tpu.memory_space<vmem>> -> memref<1x128xi32, #tpu.memory_space<vmem>>
          %dma_start3A_284 = tpu.memref_squeeze %dma_start3A_283 : memref<1x128xi32, #tpu.memory_space<vmem>> -> memref<128xi32, #tpu.memory_space<vmem>>
          %dma_start3A_285 = arith.constant 0 : i32
          %dma_start3A_286 = arith.constant 256 : i32
          %dma_start3A_287 = tpu.memref_slice %arg2[%dma_start3A_285, %dma_start3A_286] : memref<4096x512xf32, #tpu.memory_space<hbm>> -> memref<4096x256xf32, #tpu.memory_space<hbm>>
          tpu.enqueue_indirect_dma source(%dma_start3A_287 : memref<4096x256xf32, #tpu.memory_space<hbm>>) target(%dma_start3A_277 : memref<128x256xf32, #tpu.memory_space<vmem>>) offsets(%dma_start3A_284 : memref<128xi32, #tpu.memory_space<vmem>>) semaphore(%run_scoped3A_273 : memref<!tpu.dma_semaphore, #tpu.memory_space<semaphore_mem>>)
          %dma_wait3A_288 = arith.constant 0 : i32
          %dma_wait3A_289 = arith.constant 0 : i32
          %dma_wait3A_290 = tpu.memref_slice %run_scoped3A_17[%rem3A_206, %dma_wait3A_288, %dma_wait3A_289] : memref<2x128x256xf32, #tpu.memory_space<vmem>> -> memref<1x128x256xf32, #tpu.memory_space<vmem>>
          %dma_wait3A_291 = tpu.memref_squeeze %dma_wait3A_290 : memref<1x128x256xf32, #tpu.memory_space<vmem>> -> memref<128x256xf32, #tpu.memory_space<vmem>>
          %dma_wait3A_292 = arith.constant 0 : i32
          %dma_wait3A_293 = arith.constant 0 : i32
          %dma_wait3A_294 = tpu.memref_slice %run_scoped3A[%rem3A_204, %dma_wait3A_292, %dma_wait3A_293] : memref<2x1x128xi32, #tpu.memory_space<vmem>> -> memref<1x1x128xi32, #tpu.memory_space<vmem>>
          %dma_wait3A_295 = tpu.memref_squeeze %dma_wait3A_294 : memref<1x1x128xi32, #tpu.memory_space<vmem>> -> memref<1x128xi32, #tpu.memory_space<vmem>>
          %dma_wait3A_296 = arith.constant 0 : i32
          %dma_wait3A_297 = tpu.memref_slice %dma_wait3A_295[%run_scoped3A_207, %dma_wait3A_296] : memref<1x128xi32, #tpu.memory_space<vmem>> -> memref<1x128xi32, #tpu.memory_space<vmem>>
          %dma_wait3A_298 = tpu.memref_squeeze %dma_wait3A_297 : memref<1x128xi32, #tpu.memory_space<vmem>> -> memref<128xi32, #tpu.memory_space<vmem>>
          %dma_wait3A_299 = arith.constant 0 : i32
          %dma_wait3A_300 = arith.constant 256 : i32
          %dma_wait3A_301 = tpu.memref_slice %arg2[%dma_wait3A_299, %dma_wait3A_300] : memref<4096x512xf32, #tpu.memory_space<hbm>> -> memref<4096x256xf32, #tpu.memory_space<hbm>>
          tpu.wait_indirect_dma semaphore(%run_scoped3A_273 : memref<!tpu.dma_semaphore, #tpu.memory_space<semaphore_mem>>) src(%dma_wait3A_301 : memref<4096x256xf32, #tpu.memory_space<hbm>>) dst(%dma_wait3A_291 : memref<128x256xf32, #tpu.memory_space<vmem>>)
          tpu.yield
        }) : () -> ()
        "tpu.trace_stop"() : () -> ()
        %ne3A_208 = arith.cmpi ne, %add3A_140, %add3A_158 : i32
        %or3A_209 = arith.constant false
        %or3A_210 = arith.ori %or3A_209, %ne3A_208 : i1
        %or3A_211 = arith.ori %or3A_210, %eq3A_139 : i1
        %convert_element_type3A_212 = arith.extui %or3A_211 : i1 to i32
        %cond3A_213 = arith.constant 0 : i32
        %cond3A_214 = arith.cmpi ne, %convert_element_type3A_212, %cond3A_213 : i32
        scf.if %cond3A_214 {
        } else {
        }
        %and3A_215 = arith.constant false
        %and3A_216 = arith.andi %or3A_211, %and3A_215 : i1
        %ne3A_217 = arith.cmpi ne, %add3A_140, %add3A_158 : i32
        %or3A_218 = arith.constant false
        %or3A_219 = arith.ori %or3A_218, %ne3A_217 : i1
        %or3A_220 = arith.constant false
        %or3A_221 = arith.ori %or3A_219, %or3A_220 : i1
        %or3A_222 = arith.ori %or3A_221, %eq3A_139 : i1
        %convert_element_type3A_223 = arith.extui %or3A_222 : i1 to i32
        %cond3A_224 = arith.constant 0 : i32
        %cond3A_225 = arith.cmpi ne, %convert_element_type3A_223, %cond3A_224 : i32
        scf.if %cond3A_225 {
          "tpu.trace_start"() <{level = 10 : i32, message = "ep_copy_out"}> : () -> ()
          %rem3A_273 = arith.constant 2 : i32
          %rem3A_274 = arith.remui %scan3A_133, %rem3A_273 : i32
          %mul3A_275 = arith.constant 128 : i32
          %mul3A_276 = arith.muli %mul3A_275, %add3A_140 : i32
          %dma_start3A_277 = arith.constant 0 : i32
          %dma_start3A_278 = arith.constant 0 : i32
          %dma_start3A_279 = tpu.memref_slice %run_scoped3A_17[%rem3A_274, %dma_start3A_277, %dma_start3A_278] : memref<2x128x256xf32, #tpu.memory_space<vmem>> -> memref<1x128x256xf32, #tpu.memory_space<vmem>>
          %dma_start3A_280 = tpu.memref_squeeze %dma_start3A_279 : memref<1x128x256xf32, #tpu.memory_space<vmem>> -> memref<128x256xf32, #tpu.memory_space<vmem>>
          %dma_start3A_281 = arith.constant 0 : i32
          %dma_start3A_282 = tpu.memref_slice %arg5[%mul3A_276, %dma_start3A_281] : memref<8192x256xf32, #tpu.memory_space<hbm>> -> memref<128x256xf32, #tpu.memory_space<hbm>>
          %dma_start3A_283 = tpu.memref_slice %run_scoped3A_18[%rem3A_274] : memref<2x!tpu.dma_semaphore, #tpu.memory_space<semaphore_mem>> -> memref<1x!tpu.dma_semaphore, #tpu.memory_space<semaphore_mem>>
          %dma_start3A_284 = tpu.memref_squeeze %dma_start3A_283 : memref<1x!tpu.dma_semaphore, #tpu.memory_space<semaphore_mem>> -> memref<!tpu.dma_semaphore, #tpu.memory_space<semaphore_mem>>
          %dma_start3A_285 = arith.constant 0 : i32
          %dma_start3A_286 = tpu.memref_slice %arg5[%mul3A_276, %dma_start3A_285] : memref<8192x256xf32, #tpu.memory_space<hbm>> -> memref<128x256xf32, #tpu.memory_space<hbm>>
          %dma_start3A_287 = arith.constant 0 : i32
          %dma_start3A_288 = arith.constant 0 : i32
          %dma_start3A_289 = tpu.memref_slice %run_scoped3A_17[%rem3A_274, %dma_start3A_287, %dma_start3A_288] : memref<2x128x256xf32, #tpu.memory_space<vmem>> -> memref<1x128x256xf32, #tpu.memory_space<vmem>>
          %dma_start3A_290 = tpu.memref_squeeze %dma_start3A_289 : memref<1x128x256xf32, #tpu.memory_space<vmem>> -> memref<128x256xf32, #tpu.memory_space<vmem>>
          tpu.enqueue_dma source(%dma_start3A_290 : memref<128x256xf32, #tpu.memory_space<vmem>>) target(%dma_start3A_286 : memref<128x256xf32, #tpu.memory_space<hbm>>) target_semaphore(%dma_start3A_284 : memref<!tpu.dma_semaphore, #tpu.memory_space<semaphore_mem>>)
          "tpu.trace_stop"() : () -> ()
        } else {
        }
        %and3A_226 = arith.constant true
        %and3A_227 = arith.andi %or3A_222, %and3A_226 : i1
        %add3A_228 = arith.constant 1 : i32
        %add3A_229 = arith.addi %scan3A_133, %add3A_228 : i32
        %select_n3A_230 = arith.select %and3A_227, %add3A_229, %scan3A_133 : i32
        %ne3A_231 = arith.cmpi ne, %add3A_140, %add3A_149 : i32
        %or3A_232 = arith.constant false
        %or3A_233 = arith.ori %or3A_232, %ne3A_231 : i1
        %not3A_234 = arith.constant true
        %not3A_235 = arith.xori %eq3A_137, %not3A_234 : i1
        %and3A_236 = arith.andi %or3A_233, %not3A_235 : i1
        %convert_element_type3A_237 = arith.extui %and3A_236 : i1 to i32
        %cond3A_238 = arith.constant 0 : i32
        %cond3A_239 = arith.cmpi ne, %convert_element_type3A_237, %cond3A_238 : i32
        scf.if %cond3A_239 {
        } else {
        }
        %and3A_240 = arith.constant false
        %and3A_241 = arith.andi %and3A_236, %and3A_240 : i1
        %ne3A_242 = arith.cmpi ne, %add3A_140, %add3A_149 : i32
        %or3A_243 = arith.constant false
        %or3A_244 = arith.ori %or3A_243, %ne3A_242 : i1
        %or3A_245 = arith.constant false
        %or3A_246 = arith.ori %or3A_244, %or3A_245 : i1
        %not3A_247 = arith.constant true
        %not3A_248 = arith.xori %eq3A_137, %not3A_247 : i1
        %and3A_249 = arith.andi %or3A_246, %not3A_248 : i1
        %convert_element_type3A_250 = arith.extui %and3A_249 : i1 to i32
        %cond3A_251 = arith.constant 0 : i32
        %cond3A_252 = arith.cmpi ne, %convert_element_type3A_250, %cond3A_251 : i32
        scf.if %cond3A_252 {
          "tpu.trace_start"() <{level = 10 : i32, message = "ep_wait_out"}> : () -> ()
          %rem3A_273 = arith.constant 2 : i32
          %rem3A_274 = arith.remui %scan3A_134, %rem3A_273 : i32
          %mul3A_275 = arith.constant 128 : i32
          %mul3A_276 = arith.muli %mul3A_275, %add3A_149 : i32
          %dma_wait3A_277 = arith.constant 0 : i32
          %dma_wait3A_278 = arith.constant 0 : i32
          %dma_wait3A_279 = tpu.memref_slice %run_scoped3A_17[%rem3A_274, %dma_wait3A_277, %dma_wait3A_278] : memref<2x128x256xf32, #tpu.memory_space<vmem>> -> memref<1x128x256xf32, #tpu.memory_space<vmem>>
          %dma_wait3A_280 = tpu.memref_squeeze %dma_wait3A_279 : memref<1x128x256xf32, #tpu.memory_space<vmem>> -> memref<128x256xf32, #tpu.memory_space<vmem>>
          %dma_wait3A_281 = arith.constant 0 : i32
          %dma_wait3A_282 = tpu.memref_slice %arg5[%mul3A_276, %dma_wait3A_281] : memref<8192x256xf32, #tpu.memory_space<hbm>> -> memref<128x256xf32, #tpu.memory_space<hbm>>
          %dma_wait3A_283 = tpu.memref_slice %run_scoped3A_18[%rem3A_274] : memref<2x!tpu.dma_semaphore, #tpu.memory_space<semaphore_mem>> -> memref<1x!tpu.dma_semaphore, #tpu.memory_space<semaphore_mem>>
          %dma_wait3A_284 = tpu.memref_squeeze %dma_wait3A_283 : memref<1x!tpu.dma_semaphore, #tpu.memory_space<semaphore_mem>> -> memref<!tpu.dma_semaphore, #tpu.memory_space<semaphore_mem>>
          %dma_wait3A_285 = arith.constant 0 : i32
          %dma_wait3A_286 = tpu.memref_slice %arg5[%mul3A_276, %dma_wait3A_285] : memref<8192x256xf32, #tpu.memory_space<hbm>> -> memref<128x256xf32, #tpu.memory_space<hbm>>
          %dma_wait3A_287 = arith.constant 0 : i32
          %dma_wait3A_288 = arith.constant 0 : i32
          %dma_wait3A_289 = tpu.memref_slice %run_scoped3A_17[%rem3A_274, %dma_wait3A_287, %dma_wait3A_288] : memref<2x128x256xf32, #tpu.memory_space<vmem>> -> memref<1x128x256xf32, #tpu.memory_space<vmem>>
          %dma_wait3A_290 = tpu.memref_squeeze %dma_wait3A_289 : memref<1x128x256xf32, #tpu.memory_space<vmem>> -> memref<128x256xf32, #tpu.memory_space<vmem>>
          tpu.wait_dma2 semaphore(%dma_wait3A_284 : memref<!tpu.dma_semaphore, #tpu.memory_space<semaphore_mem>>) src(%dma_wait3A_290 : memref<128x256xf32, #tpu.memory_space<vmem>>) dst(%dma_wait3A_286 : memref<128x256xf32, #tpu.memory_space<hbm>>)
          "tpu.trace_stop"() : () -> ()
        } else {
        }
        %and3A_253 = arith.constant true
        %and3A_254 = arith.andi %and3A_249, %and3A_253 : i1
        %add3A_255 = arith.constant 1 : i32
        %add3A_256 = arith.addi %scan3A_134, %add3A_255 : i32
        %select_n3A_257 = arith.select %and3A_254, %add3A_256, %scan3A_134 : i32
        %ne3A_258 = arith.cmpi ne, %add3A_140, %add3A_158 : i32
        %or3A_259 = arith.constant false
        %or3A_260 = arith.ori %or3A_259, %ne3A_258 : i1
        %or3A_261 = arith.ori %or3A_260, %eq3A_139 : i1
        %add3A_262 = arith.constant 1 : i32
        %add3A_263 = arith.addi %scan3A_132, %add3A_262 : i32
        %select_n3A_264 = arith.select %or3A_261, %add3A_263, %scan3A_132 : i32
        %add3A_265 = arith.constant 1 : i32
        %add3A_266 = arith.addi %scan3A_135, %add3A_265 : i32
        %select_n3A_267 = arith.constant true
        %select_n3A_268 = arith.select %select_n3A_267, %add3A_266, %scan3A_135 : i32
        %eq3A_269 = arith.constant 2 : i32
        %eq3A_270 = arith.cmpi eq, %select_n3A_268, %eq3A_269 : i32
        %select_n3A_271 = arith.constant 0 : i32
        %select_n3A_272 = arith.select %eq3A_270, %select_n3A_271, %select_n3A_268 : i32
        scf.yield %select_n3A_176, %select_n3A_264, %select_n3A_230, %select_n3A_257, %select_n3A_272 : i32, i32, i32, i32, i32
      }
      %scan3A_77 = arith.constant 2 : i32
      %sub3A = arith.constant 1 : i32
      %sub3A_78 = arith.subi %scan3A_76#4, %sub3A : i32
      %select_n3A_79 = arith.constant true
      %select_n3A_80 = arith.select %select_n3A_79, %sub3A_78, %scan3A_76#4 : i32
      %eq3A_81 = arith.constant -1 : i32
      %eq3A_82 = arith.cmpi eq, %select_n3A_80, %eq3A_81 : i32
      %select_n3A_83 = arith.constant 1 : i32
      %select_n3A_84 = arith.select %eq3A_82, %select_n3A_83, %select_n3A_80 : i32
      %add3A_85 = arith.addi %select_n3A_84, %mul3A_15 : i32
      %sub3A_86 = arith.constant 1 : i32
      %sub3A_87 = arith.subi %select_n3A_84, %sub3A_86 : i32
      %select_n3A_88 = arith.constant true
      %select_n3A_89 = arith.select %select_n3A_88, %sub3A_87, %select_n3A_84 : i32
      %eq3A_90 = arith.constant -1 : i32
      %eq3A_91 = arith.cmpi eq, %select_n3A_89, %eq3A_90 : i32
      %select_n3A_92 = arith.constant 1 : i32
      %select_n3A_93 = arith.select %eq3A_91, %select_n3A_92, %select_n3A_89 : i32
      %add3A_94 = arith.addi %select_n3A_93, %mul3A_15 : i32
      %add3A_95 = arith.constant 1 : i32
      %add3A_96 = arith.addi %select_n3A_84, %add3A_95 : i32
      %select_n3A_97 = arith.constant true
      %select_n3A_98 = arith.select %select_n3A_97, %add3A_96, %select_n3A_84 : i32
      %eq3A_99 = arith.constant 2 : i32
      %eq3A_100 = arith.cmpi eq, %select_n3A_98, %eq3A_99 : i32
      %select_n3A_101 = arith.constant 0 : i32
      %select_n3A_102 = arith.select %eq3A_100, %select_n3A_101, %select_n3A_98 : i32
      %add3A_103 = arith.addi %select_n3A_102, %mul3A_15 : i32
      %add3A_104 = arith.constant 1 : i32
      %add3A_105 = arith.addi %select_n3A_102, %add3A_104 : i32
      %select_n3A_106 = arith.constant true
      %select_n3A_107 = arith.select %select_n3A_106, %add3A_105, %select_n3A_102 : i32
      %eq3A_108 = arith.constant 2 : i32
      %eq3A_109 = arith.cmpi eq, %select_n3A_107, %eq3A_108 : i32
      %select_n3A_110 = arith.constant 0 : i32
      %select_n3A_111 = arith.select %eq3A_109, %select_n3A_110, %select_n3A_107 : i32
      %add3A_112 = arith.addi %select_n3A_111, %mul3A_15 : i32
      "tpu.trace_start"() <{level = 10 : i32, message = "ep_finalize"}> : () -> ()
      %rem3A_113 = arith.constant 2 : i32
      %rem3A_114 = arith.remui %scan3A_76#3, %rem3A_113 : i32
      %mul3A_115 = arith.constant 128 : i32
      %mul3A_116 = arith.muli %mul3A_115, %add3A_85 : i32
      %dma_wait3A = arith.constant 0 : i32
      %dma_wait3A_117 = arith.constant 0 : i32
      %dma_wait3A_118 = tpu.memref_slice %run_scoped3A_17[%rem3A_114, %dma_wait3A, %dma_wait3A_117] : memref<2x128x256xf32, #tpu.memory_space<vmem>> -> memref<1x128x256xf32, #tpu.memory_space<vmem>>
      %dma_wait3A_119 = tpu.memref_squeeze %dma_wait3A_118 : memref<1x128x256xf32, #tpu.memory_space<vmem>> -> memref<128x256xf32, #tpu.memory_space<vmem>>
      %dma_wait3A_120 = arith.constant 0 : i32
      %dma_wait3A_121 = tpu.memref_slice %arg5[%mul3A_116, %dma_wait3A_120] : memref<8192x256xf32, #tpu.memory_space<hbm>> -> memref<128x256xf32, #tpu.memory_space<hbm>>
      %dma_wait3A_122 = tpu.memref_slice %run_scoped3A_18[%rem3A_114] : memref<2x!tpu.dma_semaphore, #tpu.memory_space<semaphore_mem>> -> memref<1x!tpu.dma_semaphore, #tpu.memory_space<semaphore_mem>>
      %dma_wait3A_123 = tpu.memref_squeeze %dma_wait3A_122 : memref<1x!tpu.dma_semaphore, #tpu.memory_space<semaphore_mem>> -> memref<!tpu.dma_semaphore, #tpu.memory_space<semaphore_mem>>
      %dma_wait3A_124 = arith.constant 0 : i32
      %dma_wait3A_125 = tpu.memref_slice %arg5[%mul3A_116, %dma_wait3A_124] : memref<8192x256xf32, #tpu.memory_space<hbm>> -> memref<128x256xf32, #tpu.memory_space<hbm>>
      %dma_wait3A_126 = arith.constant 0 : i32
      %dma_wait3A_127 = arith.constant 0 : i32
      %dma_wait3A_128 = tpu.memref_slice %run_scoped3A_17[%rem3A_114, %dma_wait3A_126, %dma_wait3A_127] : memref<2x128x256xf32, #tpu.memory_space<vmem>> -> memref<1x128x256xf32, #tpu.memory_space<vmem>>
      %dma_wait3A_129 = tpu.memref_squeeze %dma_wait3A_128 : memref<1x128x256xf32, #tpu.memory_space<vmem>> -> memref<128x256xf32, #tpu.memory_space<vmem>>
      tpu.wait_dma2 semaphore(%dma_wait3A_123 : memref<!tpu.dma_semaphore, #tpu.memory_space<semaphore_mem>>) src(%dma_wait3A_129 : memref<128x256xf32, #tpu.memory_space<vmem>>) dst(%dma_wait3A_125 : memref<128x256xf32, #tpu.memory_space<hbm>>)
      "tpu.trace_stop"() : () -> ()
      tpu.yield
    }) : () -> ()
    return
  }
}

#map = affine_map<(d0, d1) -> (0, 0)>
module attributes {stable_mosaic.version = 14 : i64} {
  func.func @kern(%arg0: i32, %arg1: i32, %arg2: memref<4096x512xf32, #tpu.memory_space<hbm>>, %arg3: memref<1x8192xi32, #tpu.memory_space<hbm>>, %arg4: memref<8192x256xf32, #tpu.memory_space<hbm>>, %arg5: memref<8192x256xf32, #tpu.memory_space<hbm>>) attributes {dimension_semantics = [#tpu.dimension_semantics<core_parallel>, #tpu.dimension_semantics<subcore_parallel>], iteration_bounds = array<i64: 2, 16>, scalar_prefetch = 0 : i64, scratch_operands = 0 : i64, tpu.core_type = #tpu.core_type<sc_vector_subcore>, window_params = [{transform_indices = #map}, {transform_indices = #map}, {transform_indices = #map}, {transform_indices = #map}]} {
    %mul3A = arith.constant 1 : i32
    %mul3A_0 = arith.muli %arg1, %mul3A : i32
    %add3A = arith.constant 0 : i32
    %add3A_1 = arith.addi %add3A, %mul3A_0 : i32
    %mul3A_2 = arith.constant 16 : i32
    %mul3A_3 = arith.muli %arg0, %mul3A_2 : i32
    %add3A_4 = arith.addi %add3A_1, %mul3A_3 : i32
    %mul3A_5 = arith.constant 2 : i32
    %mul3A_6 = arith.muli %add3A_4, %mul3A_5 : i32
    "tpu.region"() ({
      %run_scoped3A = memref.alloca() : memref<2x1x128xi32, #tpu.memory_space<vmem>>
      %run_scoped3A_16 = tpu.sem_alloc : memref<2x!tpu.dma_semaphore, #tpu.memory_space<semaphore_mem>>
      %run_scoped3A_17 = memref.alloca() : memref<2x128x256xf32, #tpu.memory_space<vmem>>
      %run_scoped3A_18 = tpu.sem_alloc : memref<2x!tpu.dma_semaphore, #tpu.memory_space<semaphore_mem>>
      %add3A_19 = arith.constant 0 : i32
      %add3A_20 = arith.addi %add3A_19, %mul3A_6 : i32
      %select_n3A = arith.constant true
      %select_n3A_21 = arith.constant 0 : i32
      %select_n3A_22 = arith.constant -1 : i32
      %select_n3A_23 = arith.select %select_n3A, %select_n3A_22, %select_n3A_21 : i32
      %eq3A = arith.constant -1 : i32
      %eq3A_24 = arith.cmpi eq, %select_n3A_23, %eq3A : i32
      %select_n3A_25 = arith.constant 1 : i32
      %select_n3A_26 = arith.select %eq3A_24, %select_n3A_25, %select_n3A_23 : i32
      %add3A_27 = arith.addi %select_n3A_26, %mul3A_6 : i32
      %select_n3A_28 = arith.constant true
      %select_n3A_29 = arith.constant 0 : i32
      %select_n3A_30 = arith.constant 1 : i32
      %select_n3A_31 = arith.select %select_n3A_28, %select_n3A_30, %select_n3A_29 : i32
      %eq3A_32 = arith.constant 2 : i32
      %eq3A_33 = arith.cmpi eq, %select_n3A_31, %eq3A_32 : i32
      %select_n3A_34 = arith.constant 0 : i32
      %select_n3A_35 = arith.select %eq3A_33, %select_n3A_34, %select_n3A_31 : i32
      %add3A_36 = arith.addi %select_n3A_35, %mul3A_6 : i32
      %add3A_37 = arith.constant 1 : i32
      %add3A_38 = arith.addi %select_n3A_35, %add3A_37 : i32
      %select_n3A_39 = arith.constant true
      %select_n3A_40 = arith.select %select_n3A_39, %add3A_38, %select_n3A_35 : i32
      %eq3A_41 = arith.constant 2 : i32
      %eq3A_42 = arith.cmpi eq, %select_n3A_40, %eq3A_41 : i32
      %select_n3A_43 = arith.constant 0 : i32
      %select_n3A_44 = arith.select %eq3A_42, %select_n3A_43, %select_n3A_40 : i32
      %add3A_45 = arith.addi %select_n3A_44, %mul3A_6 : i32
      "tpu.trace_start"() <{level = 10 : i32, message = "ep_initialize_0"}> : () -> ()
      %rem3A = arith.constant 0 : i32
      %rem3A_46 = arith.constant 2 : i32
      %rem3A_47 = arith.remui %rem3A, %rem3A_46 : i32
      %mul3A_48 = arith.constant 128 : i32
      %mul3A_49 = arith.muli %mul3A_48, %add3A_20 : i32
      %dma_start3A = arith.constant 0 : i32
      %dma_start3A_50 = arith.constant 0 : i32
      %dma_start3A_51 = tpu.memref_slice %run_scoped3A[%rem3A_47, %dma_start3A, %dma_start3A_50] : memref<2x1x128xi32, #tpu.memory_space<vmem>> -> memref<1x1x128xi32, #tpu.memory_space<vmem>>
      %dma_start3A_52 = tpu.memref_squeeze %dma_start3A_51 : memref<1x1x128xi32, #tpu.memory_space<vmem>> -> memref<1x128xi32, #tpu.memory_space<vmem>>
      %dma_start3A_53 = arith.constant 0 : i32
      %dma_start3A_54 = tpu.memref_slice %arg3[%dma_start3A_53, %mul3A_49] : memref<1x8192xi32, #tpu.memory_space<hbm>> -> memref<1x128xi32, #tpu.memory_space<hbm>>
      %dma_start3A_55 = tpu.memref_slice %run_scoped3A_16[%rem3A_47] : memref<2x!tpu.dma_semaphore, #tpu.memory_space<semaphore_mem>> -> memref<1x!tpu.dma_semaphore, #tpu.memory_space<semaphore_mem>>
      %dma_start3A_56 = tpu.memref_squeeze %dma_start3A_55 : memref<1x!tpu.dma_semaphore, #tpu.memory_space<semaphore_mem>> -> memref<!tpu.dma_semaphore, #tpu.memory_space<semaphore_mem>>
      %dma_start3A_57 = arith.constant 0 : i32
      %dma_start3A_58 = arith.constant 0 : i32
      %dma_start3A_59 = tpu.memref_slice %run_scoped3A[%rem3A_47, %dma_start3A_57, %dma_start3A_58] : memref<2x1x128xi32, #tpu.memory_space<vmem>> -> memref<1x1x128xi32, #tpu.memory_space<vmem>>
      %dma_start3A_60 = tpu.memref_squeeze %dma_start3A_59 : memref<1x1x128xi32, #tpu.memory_space<vmem>> -> memref<1x128xi32, #tpu.memory_space<vmem>>
      %dma_start3A_61 = arith.constant 0 : i32
      %dma_start3A_62 = tpu.memref_slice %arg3[%dma_start3A_61, %mul3A_49] : memref<1x8192xi32, #tpu.memory_space<hbm>> -> memref<1x128xi32, #tpu.memory_space<hbm>>
      tpu.enqueue_dma source(%dma_start3A_62 : memref<1x128xi32, #tpu.memory_space<hbm>>) target(%dma_start3A_60 : memref<1x128xi32, #tpu.memory_space<vmem>>) target_semaphore(%dma_start3A_56 : memref<!tpu.dma_semaphore, #tpu.memory_space<semaphore_mem>>)
      %add3A_63 = arith.constant 0 : i32
      %add3A_64 = arith.constant 1 : i32
      %add3A_65 = arith.addi %add3A_63, %add3A_64 : i32
      %select_n3A_66 = arith.constant true
      %select_n3A_67 = arith.constant 0 : i32
      %select_n3A_68 = arith.select %select_n3A_66, %add3A_65, %select_n3A_67 : i32
      "tpu.trace_stop"() : () -> ()
      %scan3A = arith.constant 0 : i32
      %scan3A_69 = arith.constant 0 : i32
      %scan3A_70 = arith.constant 0 : i32
      %scan3A_71 = arith.constant 0 : i32
      %scan3A_72 = arith.constant 0 : i32
      %scan3A_73 = arith.constant 2 : i32
      %scan3A_74 = arith.addi %scan3A_72, %scan3A_73 : i32
      %scan3A_75 = arith.constant 1 : i32
      %scan3A_76:5 = scf.for %scan3A_130 = %scan3A_72 to %scan3A_74 step %scan3A_75 iter_args(%scan3A_131 = %select_n3A_68, %scan3A_132 = %scan3A, %scan3A_133 = %scan3A_69, %scan3A_134 = %scan3A_70, %scan3A_135 = %scan3A_71) -> (i32, i32, i32, i32, i32)  : i32 {
        %eq3A_136 = arith.constant 0 : i32
        %eq3A_137 = arith.cmpi eq, %scan3A_130, %eq3A_136 : i32
        %eq3A_138 = arith.constant 1 : i32
        %eq3A_139 = arith.cmpi eq, %scan3A_130, %eq3A_138 : i32
        %add3A_140 = arith.addi %scan3A_135, %mul3A_6 : i32
        %sub3A_141 = arith.constant 1 : i32
        %sub3A_142 = arith.subi %scan3A_135, %sub3A_141 : i32
        %select_n3A_143 = arith.constant true
        %select_n3A_144 = arith.select %select_n3A_143, %sub3A_142, %scan3A_135 : i32
        %eq3A_145 = arith.constant -1 : i32
        %eq3A_146 = arith.cmpi eq, %select_n3A_144, %eq3A_145 : i32
        %select_n3A_147 = arith.constant 1 : i32
        %select_n3A_148 = arith.select %eq3A_146, %select_n3A_147, %select_n3A_144 : i32
        %add3A_149 = arith.addi %select_n3A_148, %mul3A_6 : i32
        %add3A_150 = arith.constant 1 : i32
        %add3A_151 = arith.addi %scan3A_135, %add3A_150 : i32
        %select_n3A_152 = arith.constant true
        %select_n3A_153 = arith.select %select_n3A_152, %add3A_151, %scan3A_135 : i32
        %eq3A_154 = arith.constant 2 : i32
        %eq3A_155 = arith.cmpi eq, %select_n3A_153, %eq3A_154 : i32
        %select_n3A_156 = arith.constant 0 : i32
        %select_n3A_157 = arith.select %eq3A_155, %select_n3A_156, %select_n3A_153 : i32
        %add3A_158 = arith.addi %select_n3A_157, %mul3A_6 : i32
        %add3A_159 = arith.constant 1 : i32
        %add3A_160 = arith.addi %select_n3A_157, %add3A_159 : i32
        %select_n3A_161 = arith.constant true
        %select_n3A_162 = arith.select %select_n3A_161, %add3A_160, %select_n3A_157 : i32
        %eq3A_163 = arith.constant 2 : i32
        %eq3A_164 = arith.cmpi eq, %select_n3A_162, %eq3A_163 : i32
        %select_n3A_165 = arith.constant 0 : i32
        %select_n3A_166 = arith.select %eq3A_164, %select_n3A_165, %select_n3A_162 : i32
        %add3A_167 = arith.addi %select_n3A_166, %mul3A_6 : i32
        %ne3A = arith.cmpi ne, %add3A_140, %add3A_158 : i32
        %or3A = arith.constant false
        %or3A_168 = arith.ori %or3A, %ne3A : i1
        %ge3A = arith.constant 1 : i32
        %ge3A_169 = arith.cmpi sge, %scan3A_130, %ge3A : i32
        %not3A = arith.constant true
        %not3A_170 = arith.xori %ge3A_169, %not3A : i1
        %and3A = arith.andi %or3A_168, %not3A_170 : i1
        %convert_element_type3A = arith.extui %and3A : i1 to i32
        %cond3A = arith.constant 0 : i32
        %cond3A_171 = arith.cmpi ne, %convert_element_type3A, %cond3A : i32
        scf.if %cond3A_171 {
          "tpu.trace_start"() <{level = 10 : i32, message = "ep_copy_in"}> : () -> ()
          %rem3A_273 = arith.constant 2 : i32
          %rem3A_274 = arith.remui %scan3A_131, %rem3A_273 : i32
          %mul3A_275 = arith.constant 128 : i32
          %mul3A_276 = arith.muli %mul3A_275, %add3A_158 : i32
          %dma_start3A_277 = arith.constant 0 : i32
          %dma_start3A_278 = arith.constant 0 : i32
          %dma_start3A_279 = tpu.memref_slice %run_scoped3A[%rem3A_274, %dma_start3A_277, %dma_start3A_278] : memref<2x1x128xi32, #tpu.memory_space<vmem>> -> memref<1x1x128xi32, #tpu.memory_space<vmem>>
          %dma_start3A_280 = tpu.memref_squeeze %dma_start3A_279 : memref<1x1x128xi32, #tpu.memory_space<vmem>> -> memref<1x128xi32, #tpu.memory_space<vmem>>
          %dma_start3A_281 = arith.constant 0 : i32
          %dma_start3A_282 = tpu.memref_slice %arg3[%dma_start3A_281, %mul3A_276] : memref<1x8192xi32, #tpu.memory_space<hbm>> -> memref<1x128xi32, #tpu.memory_space<hbm>>
          %dma_start3A_283 = tpu.memref_slice %run_scoped3A_16[%rem3A_274] : memref<2x!tpu.dma_semaphore, #tpu.memory_space<semaphore_mem>> -> memref<1x!tpu.dma_semaphore, #tpu.memory_space<semaphore_mem>>
          %dma_start3A_284 = tpu.memref_squeeze %dma_start3A_283 : memref<1x!tpu.dma_semaphore, #tpu.memory_space<semaphore_mem>> -> memref<!tpu.dma_semaphore, #tpu.memory_space<semaphore_mem>>
          %dma_start3A_285 = arith.constant 0 : i32
          %dma_start3A_286 = arith.constant 0 : i32
          %dma_start3A_287 = tpu.memref_slice %run_scoped3A[%rem3A_274, %dma_start3A_285, %dma_start3A_286] : memref<2x1x128xi32, #tpu.memory_space<vmem>> -> memref<1x1x128xi32, #tpu.memory_space<vmem>>
          %dma_start3A_288 = tpu.memref_squeeze %dma_start3A_287 : memref<1x1x128xi32, #tpu.memory_space<vmem>> -> memref<1x128xi32, #tpu.memory_space<vmem>>
          %dma_start3A_289 = arith.constant 0 : i32
          %dma_start3A_290 = tpu.memref_slice %arg3[%dma_start3A_289, %mul3A_276] : memref<1x8192xi32, #tpu.memory_space<hbm>> -> memref<1x128xi32, #tpu.memory_space<hbm>>
          tpu.enqueue_dma source(%dma_start3A_290 : memref<1x128xi32, #tpu.memory_space<hbm>>) target(%dma_start3A_288 : memref<1x128xi32, #tpu.memory_space<vmem>>) target_semaphore(%dma_start3A_284 : memref<!tpu.dma_semaphore, #tpu.memory_space<semaphore_mem>>)
          "tpu.trace_stop"() : () -> ()
        } else {
        }
        %and3A_172 = arith.constant true
        %and3A_173 = arith.andi %and3A, %and3A_172 : i1
        %add3A_174 = arith.constant 1 : i32
        %add3A_175 = arith.addi %scan3A_131, %add3A_174 : i32
        %select_n3A_176 = arith.select %and3A_173, %add3A_175, %scan3A_131 : i32
        %ne3A_177 = arith.cmpi ne, %add3A_140, %add3A_158 : i32
        %or3A_178 = arith.constant false
        %or3A_179 = arith.ori %or3A_178, %ne3A_177 : i1
        %or3A_180 = arith.constant false
        %or3A_181 = arith.ori %or3A_179, %or3A_180 : i1
        %ge3A_182 = arith.constant 1 : i32
        %ge3A_183 = arith.cmpi sge, %scan3A_130, %ge3A_182 : i32
        %not3A_184 = arith.constant true
        %not3A_185 = arith.xori %ge3A_183, %not3A_184 : i1
        %and3A_186 = arith.andi %or3A_181, %not3A_185 : i1
        %ne3A_187 = arith.cmpi ne, %add3A_140, %add3A_149 : i32
        %or3A_188 = arith.constant false
        %or3A_189 = arith.ori %or3A_188, %ne3A_187 : i1
        %or3A_190 = arith.ori %or3A_189, %eq3A_137 : i1
        %convert_element_type3A_191 = arith.extui %or3A_190 : i1 to i32
        %cond3A_192 = arith.constant 0 : i32
        %cond3A_193 = arith.cmpi ne, %convert_element_type3A_191, %cond3A_192 : i32
        scf.if %cond3A_193 {
          "tpu.trace_start"() <{level = 10 : i32, message = "ep_wait_in"}> : () -> ()
          %mul3A_273 = arith.constant 128 : i32
          %mul3A_274 = arith.muli %mul3A_273, %add3A_140 : i32
          %rem3A_275 = arith.constant 2 : i32
          %rem3A_276 = arith.remui %scan3A_132, %rem3A_275 : i32
          %dma_wait3A_277 = arith.constant 0 : i32
          %dma_wait3A_278 = arith.constant 0 : i32
          %dma_wait3A_279 = tpu.memref_slice %run_scoped3A[%rem3A_276, %dma_wait3A_277, %dma_wait3A_278] : memref<2x1x128xi32, #tpu.memory_space<vmem>> -> memref<1x1x128xi32, #tpu.memory_space<vmem>>
          %dma_wait3A_280 = tpu.memref_squeeze %dma_wait3A_279 : memref<1x1x128xi32, #tpu.memory_space<vmem>> -> memref<1x128xi32, #tpu.memory_space<vmem>>
          %dma_wait3A_281 = arith.constant 0 : i32
          %dma_wait3A_282 = tpu.memref_slice %arg3[%dma_wait3A_281, %mul3A_274] : memref<1x8192xi32, #tpu.memory_space<hbm>> -> memref<1x128xi32, #tpu.memory_space<hbm>>
          %dma_wait3A_283 = tpu.memref_slice %run_scoped3A_16[%rem3A_276] : memref<2x!tpu.dma_semaphore, #tpu.memory_space<semaphore_mem>> -> memref<1x!tpu.dma_semaphore, #tpu.memory_space<semaphore_mem>>
          %dma_wait3A_284 = tpu.memref_squeeze %dma_wait3A_283 : memref<1x!tpu.dma_semaphore, #tpu.memory_space<semaphore_mem>> -> memref<!tpu.dma_semaphore, #tpu.memory_space<semaphore_mem>>
          %dma_wait3A_285 = arith.constant 0 : i32
          %dma_wait3A_286 = arith.constant 0 : i32
          %dma_wait3A_287 = tpu.memref_slice %run_scoped3A[%rem3A_276, %dma_wait3A_285, %dma_wait3A_286] : memref<2x1x128xi32, #tpu.memory_space<vmem>> -> memref<1x1x128xi32, #tpu.memory_space<vmem>>
          %dma_wait3A_288 = tpu.memref_squeeze %dma_wait3A_287 : memref<1x1x128xi32, #tpu.memory_space<vmem>> -> memref<1x128xi32, #tpu.memory_space<vmem>>
          %dma_wait3A_289 = arith.constant 0 : i32
          %dma_wait3A_290 = tpu.memref_slice %arg3[%dma_wait3A_289, %mul3A_274] : memref<1x8192xi32, #tpu.memory_space<hbm>> -> memref<1x128xi32, #tpu.memory_space<hbm>>
          tpu.wait_dma2 semaphore(%dma_wait3A_284 : memref<!tpu.dma_semaphore, #tpu.memory_space<semaphore_mem>>) src(%dma_wait3A_290 : memref<1x128xi32, #tpu.memory_space<hbm>>) dst(%dma_wait3A_288 : memref<1x128xi32, #tpu.memory_space<vmem>>)
          "tpu.trace_stop"() : () -> ()
        } else {
        }
        %ne3A_194 = arith.cmpi ne, %add3A_140, %add3A_149 : i32
        %or3A_195 = arith.constant false
        %or3A_196 = arith.ori %or3A_195, %ne3A_194 : i1
        %or3A_197 = arith.constant false
        %or3A_198 = arith.ori %or3A_196, %or3A_197 : i1
        %or3A_199 = arith.ori %or3A_198, %eq3A_137 : i1
        %convert_element_type3A_200 = arith.extui %or3A_199 : i1 to i32
        %cond3A_201 = arith.constant 0 : i32
        %cond3A_202 = arith.cmpi ne, %convert_element_type3A_200, %cond3A_201 : i32
        scf.if %cond3A_202 {
        } else {
        }
        %rem3A_203 = arith.constant 2 : i32
        %rem3A_204 = arith.remui %scan3A_132, %rem3A_203 : i32
        %rem3A_205 = arith.constant 2 : i32
        %rem3A_206 = arith.remui %scan3A_133, %rem3A_205 : i32
        %run_scoped3A_207 = arith.constant 0 : i32
        "tpu.trace_start"() <{level = 10 : i32, message = "ep_run_kernel"}> : () -> ()
        "tpu.region"() ({
          %run_scoped3A_273 = tpu.sem_alloc : memref<!tpu.dma_semaphore, #tpu.memory_space<semaphore_mem>>
          %dma_start3A_274 = arith.constant 0 : i32
          %dma_start3A_275 = arith.constant 0 : i32
          %dma_start3A_276 = tpu.memref_slice %run_scoped3A_17[%rem3A_206, %dma_start3A_274, %dma_start3A_275] : memref<2x128x256xf32, #tpu.memory_space<vmem>> -> memref<1x128x256xf32, #tpu.memory_space<vmem>>
          %dma_start3A_277 = tpu.memref_squeeze %dma_start3A_276 : memref<1x128x256xf32, #tpu.memory_space<vmem>> -> memref<128x256xf32, #tpu.memory_space<vmem>>
          %dma_start3A_278 = arith.constant 0 : i32
          %dma_start3A_279 = arith.constant 0 : i32
          %dma_start3A_280 = tpu.memref_slice %run_scoped3A[%rem3A_204, %dma_start3A_278, %dma_start3A_279] : memref<2x1x128xi32, #tpu.memory_space<vmem>> -> memref<1x1x128xi32, #tpu.memory_space<vmem>>
          %dma_start3A_281 = tpu.memref_squeeze %dma_start3A_280 : memref<1x1x128xi32, #tpu.memory_space<vmem>> -> memref<1x128xi32, #tpu.memory_space<vmem>>
          %dma_start3A_282 = arith.constant 0 : i32
          %dma_start3A_283 = tpu.memref_slice %dma_start3A_281[%run_scoped3A_207, %dma_start3A_282] : memref<1x128xi32, #tpu.memory_space<vmem>> -> memref<1x128xi32, #tpu.memory_space<vmem>>
          %dma_start3A_284 = tpu.memref_squeeze %dma_start3A_283 : memref<1x128xi32, #tpu.memory_space<vmem>> -> memref<128xi32, #tpu.memory_space<vmem>>
          %dma_start3A_285 = arith.constant 0 : i32
          %dma_start3A_286 = arith.constant 0 : i32
          %dma_start3A_287 = tpu.memref_slice %arg2[%dma_start3A_285, %dma_start3A_286] : memref<4096x512xf32, #tpu.memory_space<hbm>> -> memref<4096x256xf32, #tpu.memory_space<hbm>>
          tpu.enqueue_indirect_dma source(%dma_start3A_287 : memref<4096x256xf32, #tpu.memory_space<hbm>>) target(%dma_start3A_277 : memref<128x256xf32, #tpu.memory_space<vmem>>) offsets(%dma_start3A_284 : memref<128xi32, #tpu.memory_space<vmem>>) semaphore(%run_scoped3A_273 : memref<!tpu.dma_semaphore, #tpu.memory_space<semaphore_mem>>)
          %dma_wait3A_288 = arith.constant 0 : i32
          %dma_wait3A_289 = arith.constant 0 : i32
          %dma_wait3A_290 = tpu.memref_slice %run_scoped3A_17[%rem3A_206, %dma_wait3A_288, %dma_wait3A_289] : memref<2x128x256xf32, #tpu.memory_space<vmem>> -> memref<1x128x256xf32, #tpu.memory_space<vmem>>
          %dma_wait3A_291 = tpu.memref_squeeze %dma_wait3A_290 : memref<1x128x256xf32, #tpu.memory_space<vmem>> -> memref<128x256xf32, #tpu.memory_space<vmem>>
          %dma_wait3A_292 = arith.constant 0 : i32
          %dma_wait3A_293 = arith.constant 0 : i32
          %dma_wait3A_294 = tpu.memref_slice %run_scoped3A[%rem3A_204, %dma_wait3A_292, %dma_wait3A_293] : memref<2x1x128xi32, #tpu.memory_space<vmem>> -> memref<1x1x128xi32, #tpu.memory_space<vmem>>
          %dma_wait3A_295 = tpu.memref_squeeze %dma_wait3A_294 : memref<1x1x128xi32, #tpu.memory_space<vmem>> -> memref<1x128xi32, #tpu.memory_space<vmem>>
          %dma_wait3A_296 = arith.constant 0 : i32
          %dma_wait3A_297 = tpu.memref_slice %dma_wait3A_295[%run_scoped3A_207, %dma_wait3A_296] : memref<1x128xi32, #tpu.memory_space<vmem>> -> memref<1x128xi32, #tpu.memory_space<vmem>>
          %dma_wait3A_298 = tpu.memref_squeeze %dma_wait3A_297 : memref<1x128xi32, #tpu.memory_space<vmem>> -> memref<128xi32, #tpu.memory_space<vmem>>
          %dma_wait3A_299 = arith.constant 0 : i32
          %dma_wait3A_300 = arith.constant 0 : i32
          %dma_wait3A_301 = tpu.memref_slice %arg2[%dma_wait3A_299, %dma_wait3A_300] : memref<4096x512xf32, #tpu.memory_space<hbm>> -> memref<4096x256xf32, #tpu.memory_space<hbm>>
          tpu.wait_indirect_dma semaphore(%run_scoped3A_273 : memref<!tpu.dma_semaphore, #tpu.memory_space<semaphore_mem>>) src(%dma_wait3A_301 : memref<4096x256xf32, #tpu.memory_space<hbm>>) dst(%dma_wait3A_291 : memref<128x256xf32, #tpu.memory_space<vmem>>)
          tpu.yield
        }) : () -> ()
        "tpu.trace_stop"() : () -> ()
        %ne3A_208 = arith.cmpi ne, %add3A_140, %add3A_158 : i32
        %or3A_209 = arith.constant false
        %or3A_210 = arith.ori %or3A_209, %ne3A_208 : i1
        %or3A_211 = arith.ori %or3A_210, %eq3A_139 : i1
        %convert_element_type3A_212 = arith.extui %or3A_211 : i1 to i32
        %cond3A_213 = arith.constant 0 : i32
        %cond3A_214 = arith.cmpi ne, %convert_element_type3A_212, %cond3A_213 : i32
        scf.if %cond3A_214 {
        } else {
        }
        %and3A_215 = arith.constant false
        %and3A_216 = arith.andi %or3A_211, %and3A_215 : i1
        %ne3A_217 = arith.cmpi ne, %add3A_140, %add3A_158 : i32
        %or3A_218 = arith.constant false
        %or3A_219 = arith.ori %or3A_218, %ne3A_217 : i1
        %or3A_220 = arith.constant false
        %or3A_221 = arith.ori %or3A_219, %or3A_220 : i1
        %or3A_222 = arith.ori %or3A_221, %eq3A_139 : i1
        %convert_element_type3A_223 = arith.extui %or3A_222 : i1 to i32
        %cond3A_224 = arith.constant 0 : i32
        %cond3A_225 = arith.cmpi ne, %convert_element_type3A_223, %cond3A_224 : i32
        scf.if %cond3A_225 {
          "tpu.trace_start"() <{level = 10 : i32, message = "ep_copy_out"}> : () -> ()
          %rem3A_273 = arith.constant 2 : i32
          %rem3A_274 = arith.remui %scan3A_133, %rem3A_273 : i32
          %mul3A_275 = arith.constant 128 : i32
          %mul3A_276 = arith.muli %mul3A_275, %add3A_140 : i32
          %dma_start3A_277 = arith.constant 0 : i32
          %dma_start3A_278 = arith.constant 0 : i32
          %dma_start3A_279 = tpu.memref_slice %run_scoped3A_17[%rem3A_274, %dma_start3A_277, %dma_start3A_278] : memref<2x128x256xf32, #tpu.memory_space<vmem>> -> memref<1x128x256xf32, #tpu.memory_space<vmem>>
          %dma_start3A_280 = tpu.memref_squeeze %dma_start3A_279 : memref<1x128x256xf32, #tpu.memory_space<vmem>> -> memref<128x256xf32, #tpu.memory_space<vmem>>
          %dma_start3A_281 = arith.constant 0 : i32
          %dma_start3A_282 = tpu.memref_slice %arg4[%mul3A_276, %dma_start3A_281] : memref<8192x256xf32, #tpu.memory_space<hbm>> -> memref<128x256xf32, #tpu.memory_space<hbm>>
          %dma_start3A_283 = tpu.memref_slice %run_scoped3A_18[%rem3A_274] : memref<2x!tpu.dma_semaphore, #tpu.memory_space<semaphore_mem>> -> memref<1x!tpu.dma_semaphore, #tpu.memory_space<semaphore_mem>>
          %dma_start3A_284 = tpu.memref_squeeze %dma_start3A_283 : memref<1x!tpu.dma_semaphore, #tpu.memory_space<semaphore_mem>> -> memref<!tpu.dma_semaphore, #tpu.memory_space<semaphore_mem>>
          %dma_start3A_285 = arith.constant 0 : i32
          %dma_start3A_286 = tpu.memref_slice %arg4[%mul3A_276, %dma_start3A_285] : memref<8192x256xf32, #tpu.memory_space<hbm>> -> memref<128x256xf32, #tpu.memory_space<hbm>>
          %dma_start3A_287 = arith.constant 0 : i32
          %dma_start3A_288 = arith.constant 0 : i32
          %dma_start3A_289 = tpu.memref_slice %run_scoped3A_17[%rem3A_274, %dma_start3A_287, %dma_start3A_288] : memref<2x128x256xf32, #tpu.memory_space<vmem>> -> memref<1x128x256xf32, #tpu.memory_space<vmem>>
          %dma_start3A_290 = tpu.memref_squeeze %dma_start3A_289 : memref<1x128x256xf32, #tpu.memory_space<vmem>> -> memref<128x256xf32, #tpu.memory_space<vmem>>
          tpu.enqueue_dma source(%dma_start3A_290 : memref<128x256xf32, #tpu.memory_space<vmem>>) target(%dma_start3A_286 : memref<128x256xf32, #tpu.memory_space<hbm>>) target_semaphore(%dma_start3A_284 : memref<!tpu.dma_semaphore, #tpu.memory_space<semaphore_mem>>)
          "tpu.trace_stop"() : () -> ()
        } else {
        }
        %and3A_226 = arith.constant true
        %and3A_227 = arith.andi %or3A_222, %and3A_226 : i1
        %add3A_228 = arith.constant 1 : i32
        %add3A_229 = arith.addi %scan3A_133, %add3A_228 : i32
        %select_n3A_230 = arith.select %and3A_227, %add3A_229, %scan3A_133 : i32
        %ne3A_231 = arith.cmpi ne, %add3A_140, %add3A_149 : i32
        %or3A_232 = arith.constant false
        %or3A_233 = arith.ori %or3A_232, %ne3A_231 : i1
        %not3A_234 = arith.constant true
        %not3A_235 = arith.xori %eq3A_137, %not3A_234 : i1
        %and3A_236 = arith.andi %or3A_233, %not3A_235 : i1
        %convert_element_type3A_237 = arith.extui %and3A_236 : i1 to i32
        %cond3A_238 = arith.constant 0 : i32
        %cond3A_239 = arith.cmpi ne, %convert_element_type3A_237, %cond3A_238 : i32
        scf.if %cond3A_239 {
        } else {
        }
        %and3A_240 = arith.constant false
        %and3A_241 = arith.andi %and3A_236, %and3A_240 : i1
        %ne3A_242 = arith.cmpi ne, %add3A_140, %add3A_149 : i32
        %or3A_243 = arith.constant false
        %or3A_244 = arith.ori %or3A_243, %ne3A_242 : i1
        %or3A_245 = arith.constant false
        %or3A_246 = arith.ori %or3A_244, %or3A_245 : i1
        %not3A_247 = arith.constant true
        %not3A_248 = arith.xori %eq3A_137, %not3A_247 : i1
        %and3A_249 = arith.andi %or3A_246, %not3A_248 : i1
        %convert_element_type3A_250 = arith.extui %and3A_249 : i1 to i32
        %cond3A_251 = arith.constant 0 : i32
        %cond3A_252 = arith.cmpi ne, %convert_element_type3A_250, %cond3A_251 : i32
        scf.if %cond3A_252 {
          "tpu.trace_start"() <{level = 10 : i32, message = "ep_wait_out"}> : () -> ()
          %rem3A_273 = arith.constant 2 : i32
          %rem3A_274 = arith.remui %scan3A_134, %rem3A_273 : i32
          %mul3A_275 = arith.constant 128 : i32
          %mul3A_276 = arith.muli %mul3A_275, %add3A_149 : i32
          %dma_wait3A_277 = arith.constant 0 : i32
          %dma_wait3A_278 = arith.constant 0 : i32
          %dma_wait3A_279 = tpu.memref_slice %run_scoped3A_17[%rem3A_274, %dma_wait3A_277, %dma_wait3A_278] : memref<2x128x256xf32, #tpu.memory_space<vmem>> -> memref<1x128x256xf32, #tpu.memory_space<vmem>>
          %dma_wait3A_280 = tpu.memref_squeeze %dma_wait3A_279 : memref<1x128x256xf32, #tpu.memory_space<vmem>> -> memref<128x256xf32, #tpu.memory_space<vmem>>
          %dma_wait3A_281 = arith.constant 0 : i32
          %dma_wait3A_282 = tpu.memref_slice %arg4[%mul3A_276, %dma_wait3A_281] : memref<8192x256xf32, #tpu.memory_space<hbm>> -> memref<128x256xf32, #tpu.memory_space<hbm>>
          %dma_wait3A_283 = tpu.memref_slice %run_scoped3A_18[%rem3A_274] : memref<2x!tpu.dma_semaphore, #tpu.memory_space<semaphore_mem>> -> memref<1x!tpu.dma_semaphore, #tpu.memory_space<semaphore_mem>>
          %dma_wait3A_284 = tpu.memref_squeeze %dma_wait3A_283 : memref<1x!tpu.dma_semaphore, #tpu.memory_space<semaphore_mem>> -> memref<!tpu.dma_semaphore, #tpu.memory_space<semaphore_mem>>
          %dma_wait3A_285 = arith.constant 0 : i32
          %dma_wait3A_286 = tpu.memref_slice %arg4[%mul3A_276, %dma_wait3A_285] : memref<8192x256xf32, #tpu.memory_space<hbm>> -> memref<128x256xf32, #tpu.memory_space<hbm>>
          %dma_wait3A_287 = arith.constant 0 : i32
          %dma_wait3A_288 = arith.constant 0 : i32
          %dma_wait3A_289 = tpu.memref_slice %run_scoped3A_17[%rem3A_274, %dma_wait3A_287, %dma_wait3A_288] : memref<2x128x256xf32, #tpu.memory_space<vmem>> -> memref<1x128x256xf32, #tpu.memory_space<vmem>>
          %dma_wait3A_290 = tpu.memref_squeeze %dma_wait3A_289 : memref<1x128x256xf32, #tpu.memory_space<vmem>> -> memref<128x256xf32, #tpu.memory_space<vmem>>
          tpu.wait_dma2 semaphore(%dma_wait3A_284 : memref<!tpu.dma_semaphore, #tpu.memory_space<semaphore_mem>>) src(%dma_wait3A_290 : memref<128x256xf32, #tpu.memory_space<vmem>>) dst(%dma_wait3A_286 : memref<128x256xf32, #tpu.memory_space<hbm>>)
          "tpu.trace_stop"() : () -> ()
        } else {
        }
        %and3A_253 = arith.constant true
        %and3A_254 = arith.andi %and3A_249, %and3A_253 : i1
        %add3A_255 = arith.constant 1 : i32
        %add3A_256 = arith.addi %scan3A_134, %add3A_255 : i32
        %select_n3A_257 = arith.select %and3A_254, %add3A_256, %scan3A_134 : i32
        %ne3A_258 = arith.cmpi ne, %add3A_140, %add3A_158 : i32
        %or3A_259 = arith.constant false
        %or3A_260 = arith.ori %or3A_259, %ne3A_258 : i1
        %or3A_261 = arith.ori %or3A_260, %eq3A_139 : i1
        %add3A_262 = arith.constant 1 : i32
        %add3A_263 = arith.addi %scan3A_132, %add3A_262 : i32
        %select_n3A_264 = arith.select %or3A_261, %add3A_263, %scan3A_132 : i32
        %add3A_265 = arith.constant 1 : i32
        %add3A_266 = arith.addi %scan3A_135, %add3A_265 : i32
        %select_n3A_267 = arith.constant true
        %select_n3A_268 = arith.select %select_n3A_267, %add3A_266, %scan3A_135 : i32
        %eq3A_269 = arith.constant 2 : i32
        %eq3A_270 = arith.cmpi eq, %select_n3A_268, %eq3A_269 : i32
        %select_n3A_271 = arith.constant 0 : i32
        %select_n3A_272 = arith.select %eq3A_270, %select_n3A_271, %select_n3A_268 : i32
        scf.yield %select_n3A_176, %select_n3A_264, %select_n3A_230, %select_n3A_257, %select_n3A_272 : i32, i32, i32, i32, i32
      }
      %scan3A_77 = arith.constant 2 : i32
      %sub3A = arith.constant 1 : i32
      %sub3A_78 = arith.subi %scan3A_76#4, %sub3A : i32
      %select_n3A_79 = arith.constant true
      %select_n3A_80 = arith.select %select_n3A_79, %sub3A_78, %scan3A_76#4 : i32
      %eq3A_81 = arith.constant -1 : i32
      %eq3A_82 = arith.cmpi eq, %select_n3A_80, %eq3A_81 : i32
      %select_n3A_83 = arith.constant 1 : i32
      %select_n3A_84 = arith.select %eq3A_82, %select_n3A_83, %select_n3A_80 : i32
      %add3A_85 = arith.addi %select_n3A_84, %mul3A_6 : i32
      %sub3A_86 = arith.constant 1 : i32
      %sub3A_87 = arith.subi %select_n3A_84, %sub3A_86 : i32
      %select_n3A_88 = arith.constant true
      %select_n3A_89 = arith.select %select_n3A_88, %sub3A_87, %select_n3A_84 : i32
      %eq3A_90 = arith.constant -1 : i32
      %eq3A_91 = arith.cmpi eq, %select_n3A_89, %eq3A_90 : i32
      %select_n3A_92 = arith.constant 1 : i32
      %select_n3A_93 = arith.select %eq3A_91, %select_n3A_92, %select_n3A_89 : i32
      %add3A_94 = arith.addi %select_n3A_93, %mul3A_6 : i32
      %add3A_95 = arith.constant 1 : i32
      %add3A_96 = arith.addi %select_n3A_84, %add3A_95 : i32
      %select_n3A_97 = arith.constant true
      %select_n3A_98 = arith.select %select_n3A_97, %add3A_96, %select_n3A_84 : i32
      %eq3A_99 = arith.constant 2 : i32
      %eq3A_100 = arith.cmpi eq, %select_n3A_98, %eq3A_99 : i32
      %select_n3A_101 = arith.constant 0 : i32
      %select_n3A_102 = arith.select %eq3A_100, %select_n3A_101, %select_n3A_98 : i32
      %add3A_103 = arith.addi %select_n3A_102, %mul3A_6 : i32
      %add3A_104 = arith.constant 1 : i32
      %add3A_105 = arith.addi %select_n3A_102, %add3A_104 : i32
      %select_n3A_106 = arith.constant true
      %select_n3A_107 = arith.select %select_n3A_106, %add3A_105, %select_n3A_102 : i32
      %eq3A_108 = arith.constant 2 : i32
      %eq3A_109 = arith.cmpi eq, %select_n3A_107, %eq3A_108 : i32
      %select_n3A_110 = arith.constant 0 : i32
      %select_n3A_111 = arith.select %eq3A_109, %select_n3A_110, %select_n3A_107 : i32
      %add3A_112 = arith.addi %select_n3A_111, %mul3A_6 : i32
      "tpu.trace_start"() <{level = 10 : i32, message = "ep_finalize"}> : () -> ()
      %rem3A_113 = arith.constant 2 : i32
      %rem3A_114 = arith.remui %scan3A_76#3, %rem3A_113 : i32
      %mul3A_115 = arith.constant 128 : i32
      %mul3A_116 = arith.muli %mul3A_115, %add3A_85 : i32
      %dma_wait3A = arith.constant 0 : i32
      %dma_wait3A_117 = arith.constant 0 : i32
      %dma_wait3A_118 = tpu.memref_slice %run_scoped3A_17[%rem3A_114, %dma_wait3A, %dma_wait3A_117] : memref<2x128x256xf32, #tpu.memory_space<vmem>> -> memref<1x128x256xf32, #tpu.memory_space<vmem>>
      %dma_wait3A_119 = tpu.memref_squeeze %dma_wait3A_118 : memref<1x128x256xf32, #tpu.memory_space<vmem>> -> memref<128x256xf32, #tpu.memory_space<vmem>>
      %dma_wait3A_120 = arith.constant 0 : i32
      %dma_wait3A_121 = tpu.memref_slice %arg4[%mul3A_116, %dma_wait3A_120] : memref<8192x256xf32, #tpu.memory_space<hbm>> -> memref<128x256xf32, #tpu.memory_space<hbm>>
      %dma_wait3A_122 = tpu.memref_slice %run_scoped3A_18[%rem3A_114] : memref<2x!tpu.dma_semaphore, #tpu.memory_space<semaphore_mem>> -> memref<1x!tpu.dma_semaphore, #tpu.memory_space<semaphore_mem>>
      %dma_wait3A_123 = tpu.memref_squeeze %dma_wait3A_122 : memref<1x!tpu.dma_semaphore, #tpu.memory_space<semaphore_mem>> -> memref<!tpu.dma_semaphore, #tpu.memory_space<semaphore_mem>>
      %dma_wait3A_124 = arith.constant 0 : i32
      %dma_wait3A_125 = tpu.memref_slice %arg4[%mul3A_116, %dma_wait3A_124] : memref<8192x256xf32, #tpu.memory_space<hbm>> -> memref<128x256xf32, #tpu.memory_space<hbm>>
      %dma_wait3A_126 = arith.constant 0 : i32
      %dma_wait3A_127 = arith.constant 0 : i32
      %dma_wait3A_128 = tpu.memref_slice %run_scoped3A_17[%rem3A_114, %dma_wait3A_126, %dma_wait3A_127] : memref<2x128x256xf32, #tpu.memory_space<vmem>> -> memref<1x128x256xf32, #tpu.memory_space<vmem>>
      %dma_wait3A_129 = tpu.memref_squeeze %dma_wait3A_128 : memref<1x128x256xf32, #tpu.memory_space<vmem>> -> memref<128x256xf32, #tpu.memory_space<vmem>>
      tpu.wait_dma2 semaphore(%dma_wait3A_123 : memref<!tpu.dma_semaphore, #tpu.memory_space<semaphore_mem>>) src(%dma_wait3A_129 : memref<128x256xf32, #tpu.memory_space<vmem>>) dst(%dma_wait3A_125 : memref<128x256xf32, #tpu.memory_space<hbm>>)
      "tpu.trace_stop"() : () -> ()
      tpu.yield
    }) : () -> ()
    %mul3A_7 = arith.constant 1 : i32
    %mul3A_8 = arith.muli %arg1, %mul3A_7 : i32
    %add3A_9 = arith.constant 0 : i32
    %add3A_10 = arith.addi %add3A_9, %mul3A_8 : i32
    %mul3A_11 = arith.constant 16 : i32
    %mul3A_12 = arith.muli %arg0, %mul3A_11 : i32
    %add3A_13 = arith.addi %add3A_10, %mul3A_12 : i32
    %mul3A_14 = arith.constant 2 : i32
    %mul3A_15 = arith.muli %add3A_13, %mul3A_14 : i32
    "tpu.region"() ({
      %run_scoped3A = memref.alloca() : memref<2x1x128xi32, #tpu.memory_space<vmem>>
      %run_scoped3A_16 = tpu.sem_alloc : memref<2x!tpu.dma_semaphore, #tpu.memory_space<semaphore_mem>>
      %run_scoped3A_17 = memref.alloca() : memref<2x128x256xf32, #tpu.memory_space<vmem>>
      %run_scoped3A_18 = tpu.sem_alloc : memref<2x!tpu.dma_semaphore, #tpu.memory_space<semaphore_mem>>
      %add3A_19 = arith.constant 0 : i32
      %add3A_20 = arith.addi %add3A_19, %mul3A_15 : i32
      %select_n3A = arith.constant true
      %select_n3A_21 = arith.constant 0 : i32
      %select_n3A_22 = arith.constant -1 : i32
      %select_n3A_23 = arith.select %select_n3A, %select_n3A_22, %select_n3A_21 : i32
      %eq3A = arith.constant -1 : i32
      %eq3A_24 = arith.cmpi eq, %select_n3A_23, %eq3A : i32
      %select_n3A_25 = arith.constant 1 : i32
      %select_n3A_26 = arith.select %eq3A_24, %select_n3A_25, %select_n3A_23 : i32
      %add3A_27 = arith.addi %select_n3A_26, %mul3A_15 : i32
      %select_n3A_28 = arith.constant true
      %select_n3A_29 = arith.constant 0 : i32
      %select_n3A_30 = arith.constant 1 : i32
      %select_n3A_31 = arith.select %select_n3A_28, %select_n3A_30, %select_n3A_29 : i32
      %eq3A_32 = arith.constant 2 : i32
      %eq3A_33 = arith.cmpi eq, %select_n3A_31, %eq3A_32 : i32
      %select_n3A_34 = arith.constant 0 : i32
      %select_n3A_35 = arith.select %eq3A_33, %select_n3A_34, %select_n3A_31 : i32
      %add3A_36 = arith.addi %select_n3A_35, %mul3A_15 : i32
      %add3A_37 = arith.constant 1 : i32
      %add3A_38 = arith.addi %select_n3A_35, %add3A_37 : i32
      %select_n3A_39 = arith.constant true
      %select_n3A_40 = arith.select %select_n3A_39, %add3A_38, %select_n3A_35 : i32
      %eq3A_41 = arith.constant 2 : i32
      %eq3A_42 = arith.cmpi eq, %select_n3A_40, %eq3A_41 : i32
      %select_n3A_43 = arith.constant 0 : i32
      %select_n3A_44 = arith.select %eq3A_42, %select_n3A_43, %select_n3A_40 : i32
      %add3A_45 = arith.addi %select_n3A_44, %mul3A_15 : i32
      "tpu.trace_start"() <{level = 10 : i32, message = "ep_initialize_0"}> : () -> ()
      %rem3A = arith.constant 0 : i32
      %rem3A_46 = arith.constant 2 : i32
      %rem3A_47 = arith.remui %rem3A, %rem3A_46 : i32
      %mul3A_48 = arith.constant 128 : i32
      %mul3A_49 = arith.muli %mul3A_48, %add3A_20 : i32
      %dma_start3A = arith.constant 0 : i32
      %dma_start3A_50 = arith.constant 0 : i32
      %dma_start3A_51 = tpu.memref_slice %run_scoped3A[%rem3A_47, %dma_start3A, %dma_start3A_50] : memref<2x1x128xi32, #tpu.memory_space<vmem>> -> memref<1x1x128xi32, #tpu.memory_space<vmem>>
      %dma_start3A_52 = tpu.memref_squeeze %dma_start3A_51 : memref<1x1x128xi32, #tpu.memory_space<vmem>> -> memref<1x128xi32, #tpu.memory_space<vmem>>
      %dma_start3A_53 = arith.constant 0 : i32
      %dma_start3A_54 = tpu.memref_slice %arg3[%dma_start3A_53, %mul3A_49] : memref<1x8192xi32, #tpu.memory_space<hbm>> -> memref<1x128xi32, #tpu.memory_space<hbm>>
      %dma_start3A_55 = tpu.memref_slice %run_scoped3A_16[%rem3A_47] : memref<2x!tpu.dma_semaphore, #tpu.memory_space<semaphore_mem>> -> memref<1x!tpu.dma_semaphore, #tpu.memory_space<semaphore_mem>>
      %dma_start3A_56 = tpu.memref_squeeze %dma_start3A_55 : memref<1x!tpu.dma_semaphore, #tpu.memory_space<semaphore_mem>> -> memref<!tpu.dma_semaphore, #tpu.memory_space<semaphore_mem>>
      %dma_start3A_57 = arith.constant 0 : i32
      %dma_start3A_58 = arith.constant 0 : i32
      %dma_start3A_59 = tpu.memref_slice %run_scoped3A[%rem3A_47, %dma_start3A_57, %dma_start3A_58] : memref<2x1x128xi32, #tpu.memory_space<vmem>> -> memref<1x1x128xi32, #tpu.memory_space<vmem>>
      %dma_start3A_60 = tpu.memref_squeeze %dma_start3A_59 : memref<1x1x128xi32, #tpu.memory_space<vmem>> -> memref<1x128xi32, #tpu.memory_space<vmem>>
      %dma_start3A_61 = arith.constant 0 : i32
      %dma_start3A_62 = tpu.memref_slice %arg3[%dma_start3A_61, %mul3A_49] : memref<1x8192xi32, #tpu.memory_space<hbm>> -> memref<1x128xi32, #tpu.memory_space<hbm>>
      tpu.enqueue_dma source(%dma_start3A_62 : memref<1x128xi32, #tpu.memory_space<hbm>>) target(%dma_start3A_60 : memref<1x128xi32, #tpu.memory_space<vmem>>) target_semaphore(%dma_start3A_56 : memref<!tpu.dma_semaphore, #tpu.memory_space<semaphore_mem>>)
      %add3A_63 = arith.constant 0 : i32
      %add3A_64 = arith.constant 1 : i32
      %add3A_65 = arith.addi %add3A_63, %add3A_64 : i32
      %select_n3A_66 = arith.constant true
      %select_n3A_67 = arith.constant 0 : i32
      %select_n3A_68 = arith.select %select_n3A_66, %add3A_65, %select_n3A_67 : i32
      "tpu.trace_stop"() : () -> ()
      %scan3A = arith.constant 0 : i32
      %scan3A_69 = arith.constant 0 : i32
      %scan3A_70 = arith.constant 0 : i32
      %scan3A_71 = arith.constant 0 : i32
      %scan3A_72 = arith.constant 0 : i32
      %scan3A_73 = arith.constant 2 : i32
      %scan3A_74 = arith.addi %scan3A_72, %scan3A_73 : i32
      %scan3A_75 = arith.constant 1 : i32
      %scan3A_76:5 = scf.for %scan3A_130 = %scan3A_72 to %scan3A_74 step %scan3A_75 iter_args(%scan3A_131 = %select_n3A_68, %scan3A_132 = %scan3A, %scan3A_133 = %scan3A_69, %scan3A_134 = %scan3A_70, %scan3A_135 = %scan3A_71) -> (i32, i32, i32, i32, i32)  : i32 {
        %eq3A_136 = arith.constant 0 : i32
        %eq3A_137 = arith.cmpi eq, %scan3A_130, %eq3A_136 : i32
        %eq3A_138 = arith.constant 1 : i32
        %eq3A_139 = arith.cmpi eq, %scan3A_130, %eq3A_138 : i32
        %add3A_140 = arith.addi %scan3A_135, %mul3A_15 : i32
        %sub3A_141 = arith.constant 1 : i32
        %sub3A_142 = arith.subi %scan3A_135, %sub3A_141 : i32
        %select_n3A_143 = arith.constant true
        %select_n3A_144 = arith.select %select_n3A_143, %sub3A_142, %scan3A_135 : i32
        %eq3A_145 = arith.constant -1 : i32
        %eq3A_146 = arith.cmpi eq, %select_n3A_144, %eq3A_145 : i32
        %select_n3A_147 = arith.constant 1 : i32
        %select_n3A_148 = arith.select %eq3A_146, %select_n3A_147, %select_n3A_144 : i32
        %add3A_149 = arith.addi %select_n3A_148, %mul3A_15 : i32
        %add3A_150 = arith.constant 1 : i32
        %add3A_151 = arith.addi %scan3A_135, %add3A_150 : i32
        %select_n3A_152 = arith.constant true
        %select_n3A_153 = arith.select %select_n3A_152, %add3A_151, %scan3A_135 : i32
        %eq3A_154 = arith.constant 2 : i32
        %eq3A_155 = arith.cmpi eq, %select_n3A_153, %eq3A_154 : i32
        %select_n3A_156 = arith.constant 0 : i32
        %select_n3A_157 = arith.select %eq3A_155, %select_n3A_156, %select_n3A_153 : i32
        %add3A_158 = arith.addi %select_n3A_157, %mul3A_15 : i32
        %add3A_159 = arith.constant 1 : i32
        %add3A_160 = arith.addi %select_n3A_157, %add3A_159 : i32
        %select_n3A_161 = arith.constant true
        %select_n3A_162 = arith.select %select_n3A_161, %add3A_160, %select_n3A_157 : i32
        %eq3A_163 = arith.constant 2 : i32
        %eq3A_164 = arith.cmpi eq, %select_n3A_162, %eq3A_163 : i32
        %select_n3A_165 = arith.constant 0 : i32
        %select_n3A_166 = arith.select %eq3A_164, %select_n3A_165, %select_n3A_162 : i32
        %add3A_167 = arith.addi %select_n3A_166, %mul3A_15 : i32
        %ne3A = arith.cmpi ne, %add3A_140, %add3A_158 : i32
        %or3A = arith.constant false
        %or3A_168 = arith.ori %or3A, %ne3A : i1
        %ge3A = arith.constant 1 : i32
        %ge3A_169 = arith.cmpi sge, %scan3A_130, %ge3A : i32
        %not3A = arith.constant true
        %not3A_170 = arith.xori %ge3A_169, %not3A : i1
        %and3A = arith.andi %or3A_168, %not3A_170 : i1
        %convert_element_type3A = arith.extui %and3A : i1 to i32
        %cond3A = arith.constant 0 : i32
        %cond3A_171 = arith.cmpi ne, %convert_element_type3A, %cond3A : i32
        scf.if %cond3A_171 {
          "tpu.trace_start"() <{level = 10 : i32, message = "ep_copy_in"}> : () -> ()
          %rem3A_273 = arith.constant 2 : i32
          %rem3A_274 = arith.remui %scan3A_131, %rem3A_273 : i32
          %mul3A_275 = arith.constant 128 : i32
          %mul3A_276 = arith.muli %mul3A_275, %add3A_158 : i32
          %dma_start3A_277 = arith.constant 0 : i32
          %dma_start3A_278 = arith.constant 0 : i32
          %dma_start3A_279 = tpu.memref_slice %run_scoped3A[%rem3A_274, %dma_start3A_277, %dma_start3A_278] : memref<2x1x128xi32, #tpu.memory_space<vmem>> -> memref<1x1x128xi32, #tpu.memory_space<vmem>>
          %dma_start3A_280 = tpu.memref_squeeze %dma_start3A_279 : memref<1x1x128xi32, #tpu.memory_space<vmem>> -> memref<1x128xi32, #tpu.memory_space<vmem>>
          %dma_start3A_281 = arith.constant 0 : i32
          %dma_start3A_282 = tpu.memref_slice %arg3[%dma_start3A_281, %mul3A_276] : memref<1x8192xi32, #tpu.memory_space<hbm>> -> memref<1x128xi32, #tpu.memory_space<hbm>>
          %dma_start3A_283 = tpu.memref_slice %run_scoped3A_16[%rem3A_274] : memref<2x!tpu.dma_semaphore, #tpu.memory_space<semaphore_mem>> -> memref<1x!tpu.dma_semaphore, #tpu.memory_space<semaphore_mem>>
          %dma_start3A_284 = tpu.memref_squeeze %dma_start3A_283 : memref<1x!tpu.dma_semaphore, #tpu.memory_space<semaphore_mem>> -> memref<!tpu.dma_semaphore, #tpu.memory_space<semaphore_mem>>
          %dma_start3A_285 = arith.constant 0 : i32
          %dma_start3A_286 = arith.constant 0 : i32
          %dma_start3A_287 = tpu.memref_slice %run_scoped3A[%rem3A_274, %dma_start3A_285, %dma_start3A_286] : memref<2x1x128xi32, #tpu.memory_space<vmem>> -> memref<1x1x128xi32, #tpu.memory_space<vmem>>
          %dma_start3A_288 = tpu.memref_squeeze %dma_start3A_287 : memref<1x1x128xi32, #tpu.memory_space<vmem>> -> memref<1x128xi32, #tpu.memory_space<vmem>>
          %dma_start3A_289 = arith.constant 0 : i32
          %dma_start3A_290 = tpu.memref_slice %arg3[%dma_start3A_289, %mul3A_276] : memref<1x8192xi32, #tpu.memory_space<hbm>> -> memref<1x128xi32, #tpu.memory_space<hbm>>
          tpu.enqueue_dma source(%dma_start3A_290 : memref<1x128xi32, #tpu.memory_space<hbm>>) target(%dma_start3A_288 : memref<1x128xi32, #tpu.memory_space<vmem>>) target_semaphore(%dma_start3A_284 : memref<!tpu.dma_semaphore, #tpu.memory_space<semaphore_mem>>)
          "tpu.trace_stop"() : () -> ()
        } else {
        }
        %and3A_172 = arith.constant true
        %and3A_173 = arith.andi %and3A, %and3A_172 : i1
        %add3A_174 = arith.constant 1 : i32
        %add3A_175 = arith.addi %scan3A_131, %add3A_174 : i32
        %select_n3A_176 = arith.select %and3A_173, %add3A_175, %scan3A_131 : i32
        %ne3A_177 = arith.cmpi ne, %add3A_140, %add3A_158 : i32
        %or3A_178 = arith.constant false
        %or3A_179 = arith.ori %or3A_178, %ne3A_177 : i1
        %or3A_180 = arith.constant false
        %or3A_181 = arith.ori %or3A_179, %or3A_180 : i1
        %ge3A_182 = arith.constant 1 : i32
        %ge3A_183 = arith.cmpi sge, %scan3A_130, %ge3A_182 : i32
        %not3A_184 = arith.constant true
        %not3A_185 = arith.xori %ge3A_183, %not3A_184 : i1
        %and3A_186 = arith.andi %or3A_181, %not3A_185 : i1
        %ne3A_187 = arith.cmpi ne, %add3A_140, %add3A_149 : i32
        %or3A_188 = arith.constant false
        %or3A_189 = arith.ori %or3A_188, %ne3A_187 : i1
        %or3A_190 = arith.ori %or3A_189, %eq3A_137 : i1
        %convert_element_type3A_191 = arith.extui %or3A_190 : i1 to i32
        %cond3A_192 = arith.constant 0 : i32
        %cond3A_193 = arith.cmpi ne, %convert_element_type3A_191, %cond3A_192 : i32
        scf.if %cond3A_193 {
          "tpu.trace_start"() <{level = 10 : i32, message = "ep_wait_in"}> : () -> ()
          %mul3A_273 = arith.constant 128 : i32
          %mul3A_274 = arith.muli %mul3A_273, %add3A_140 : i32
          %rem3A_275 = arith.constant 2 : i32
          %rem3A_276 = arith.remui %scan3A_132, %rem3A_275 : i32
          %dma_wait3A_277 = arith.constant 0 : i32
          %dma_wait3A_278 = arith.constant 0 : i32
          %dma_wait3A_279 = tpu.memref_slice %run_scoped3A[%rem3A_276, %dma_wait3A_277, %dma_wait3A_278] : memref<2x1x128xi32, #tpu.memory_space<vmem>> -> memref<1x1x128xi32, #tpu.memory_space<vmem>>
          %dma_wait3A_280 = tpu.memref_squeeze %dma_wait3A_279 : memref<1x1x128xi32, #tpu.memory_space<vmem>> -> memref<1x128xi32, #tpu.memory_space<vmem>>
          %dma_wait3A_281 = arith.constant 0 : i32
          %dma_wait3A_282 = tpu.memref_slice %arg3[%dma_wait3A_281, %mul3A_274] : memref<1x8192xi32, #tpu.memory_space<hbm>> -> memref<1x128xi32, #tpu.memory_space<hbm>>
          %dma_wait3A_283 = tpu.memref_slice %run_scoped3A_16[%rem3A_276] : memref<2x!tpu.dma_semaphore, #tpu.memory_space<semaphore_mem>> -> memref<1x!tpu.dma_semaphore, #tpu.memory_space<semaphore_mem>>
          %dma_wait3A_284 = tpu.memref_squeeze %dma_wait3A_283 : memref<1x!tpu.dma_semaphore, #tpu.memory_space<semaphore_mem>> -> memref<!tpu.dma_semaphore, #tpu.memory_space<semaphore_mem>>
          %dma_wait3A_285 = arith.constant 0 : i32
          %dma_wait3A_286 = arith.constant 0 : i32
          %dma_wait3A_287 = tpu.memref_slice %run_scoped3A[%rem3A_276, %dma_wait3A_285, %dma_wait3A_286] : memref<2x1x128xi32, #tpu.memory_space<vmem>> -> memref<1x1x128xi32, #tpu.memory_space<vmem>>
          %dma_wait3A_288 = tpu.memref_squeeze %dma_wait3A_287 : memref<1x1x128xi32, #tpu.memory_space<vmem>> -> memref<1x128xi32, #tpu.memory_space<vmem>>
          %dma_wait3A_289 = arith.constant 0 : i32
          %dma_wait3A_290 = tpu.memref_slice %arg3[%dma_wait3A_289, %mul3A_274] : memref<1x8192xi32, #tpu.memory_space<hbm>> -> memref<1x128xi32, #tpu.memory_space<hbm>>
          tpu.wait_dma2 semaphore(%dma_wait3A_284 : memref<!tpu.dma_semaphore, #tpu.memory_space<semaphore_mem>>) src(%dma_wait3A_290 : memref<1x128xi32, #tpu.memory_space<hbm>>) dst(%dma_wait3A_288 : memref<1x128xi32, #tpu.memory_space<vmem>>)
          "tpu.trace_stop"() : () -> ()
        } else {
        }
        %ne3A_194 = arith.cmpi ne, %add3A_140, %add3A_149 : i32
        %or3A_195 = arith.constant false
        %or3A_196 = arith.ori %or3A_195, %ne3A_194 : i1
        %or3A_197 = arith.constant false
        %or3A_198 = arith.ori %or3A_196, %or3A_197 : i1
        %or3A_199 = arith.ori %or3A_198, %eq3A_137 : i1
        %convert_element_type3A_200 = arith.extui %or3A_199 : i1 to i32
        %cond3A_201 = arith.constant 0 : i32
        %cond3A_202 = arith.cmpi ne, %convert_element_type3A_200, %cond3A_201 : i32
        scf.if %cond3A_202 {
        } else {
        }
        %rem3A_203 = arith.constant 2 : i32
        %rem3A_204 = arith.remui %scan3A_132, %rem3A_203 : i32
        %rem3A_205 = arith.constant 2 : i32
        %rem3A_206 = arith.remui %scan3A_133, %rem3A_205 : i32
        %run_scoped3A_207 = arith.constant 0 : i32
        "tpu.trace_start"() <{level = 10 : i32, message = "ep_run_kernel"}> : () -> ()
        "tpu.region"() ({
          %run_scoped3A_273 = tpu.sem_alloc : memref<!tpu.dma_semaphore, #tpu.memory_space<semaphore_mem>>
          %dma_start3A_274 = arith.constant 0 : i32
          %dma_start3A_275 = arith.constant 0 : i32
          %dma_start3A_276 = tpu.memref_slice %run_scoped3A_17[%rem3A_206, %dma_start3A_274, %dma_start3A_275] : memref<2x128x256xf32, #tpu.memory_space<vmem>> -> memref<1x128x256xf32, #tpu.memory_space<vmem>>
          %dma_start3A_277 = tpu.memref_squeeze %dma_start3A_276 : memref<1x128x256xf32, #tpu.memory_space<vmem>> -> memref<128x256xf32, #tpu.memory_space<vmem>>
          %dma_start3A_278 = arith.constant 0 : i32
          %dma_start3A_279 = arith.constant 0 : i32
          %dma_start3A_280 = tpu.memref_slice %run_scoped3A[%rem3A_204, %dma_start3A_278, %dma_start3A_279] : memref<2x1x128xi32, #tpu.memory_space<vmem>> -> memref<1x1x128xi32, #tpu.memory_space<vmem>>
          %dma_start3A_281 = tpu.memref_squeeze %dma_start3A_280 : memref<1x1x128xi32, #tpu.memory_space<vmem>> -> memref<1x128xi32, #tpu.memory_space<vmem>>
          %dma_start3A_282 = arith.constant 0 : i32
          %dma_start3A_283 = tpu.memref_slice %dma_start3A_281[%run_scoped3A_207, %dma_start3A_282] : memref<1x128xi32, #tpu.memory_space<vmem>> -> memref<1x128xi32, #tpu.memory_space<vmem>>
          %dma_start3A_284 = tpu.memref_squeeze %dma_start3A_283 : memref<1x128xi32, #tpu.memory_space<vmem>> -> memref<128xi32, #tpu.memory_space<vmem>>
          %dma_start3A_285 = arith.constant 0 : i32
          %dma_start3A_286 = arith.constant 256 : i32
          %dma_start3A_287 = tpu.memref_slice %arg2[%dma_start3A_285, %dma_start3A_286] : memref<4096x512xf32, #tpu.memory_space<hbm>> -> memref<4096x256xf32, #tpu.memory_space<hbm>>
          tpu.enqueue_indirect_dma source(%dma_start3A_287 : memref<4096x256xf32, #tpu.memory_space<hbm>>) target(%dma_start3A_277 : memref<128x256xf32, #tpu.memory_space<vmem>>) offsets(%dma_start3A_284 : memref<128xi32, #tpu.memory_space<vmem>>) semaphore(%run_scoped3A_273 : memref<!tpu.dma_semaphore, #tpu.memory_space<semaphore_mem>>)
          %dma_wait3A_288 = arith.constant 0 : i32
          %dma_wait3A_289 = arith.constant 0 : i32
          %dma_wait3A_290 = tpu.memref_slice %run_scoped3A_17[%rem3A_206, %dma_wait3A_288, %dma_wait3A_289] : memref<2x128x256xf32, #tpu.memory_space<vmem>> -> memref<1x128x256xf32, #tpu.memory_space<vmem>>
          %dma_wait3A_291 = tpu.memref_squeeze %dma_wait3A_290 : memref<1x128x256xf32, #tpu.memory_space<vmem>> -> memref<128x256xf32, #tpu.memory_space<vmem>>
          %dma_wait3A_292 = arith.constant 0 : i32
          %dma_wait3A_293 = arith.constant 0 : i32
          %dma_wait3A_294 = tpu.memref_slice %run_scoped3A[%rem3A_204, %dma_wait3A_292, %dma_wait3A_293] : memref<2x1x128xi32, #tpu.memory_space<vmem>> -> memref<1x1x128xi32, #tpu.memory_space<vmem>>
          %dma_wait3A_295 = tpu.memref_squeeze %dma_wait3A_294 : memref<1x1x128xi32, #tpu.memory_space<vmem>> -> memref<1x128xi32, #tpu.memory_space<vmem>>
          %dma_wait3A_296 = arith.constant 0 : i32
          %dma_wait3A_297 = tpu.memref_slice %dma_wait3A_295[%run_scoped3A_207, %dma_wait3A_296] : memref<1x128xi32, #tpu.memory_space<vmem>> -> memref<1x128xi32, #tpu.memory_space<vmem>>
          %dma_wait3A_298 = tpu.memref_squeeze %dma_wait3A_297 : memref<1x128xi32, #tpu.memory_space<vmem>> -> memref<128xi32, #tpu.memory_space<vmem>>
          %dma_wait3A_299 = arith.constant 0 : i32
          %dma_wait3A_300 = arith.constant 256 : i32
          %dma_wait3A_301 = tpu.memref_slice %arg2[%dma_wait3A_299, %dma_wait3A_300] : memref<4096x512xf32, #tpu.memory_space<hbm>> -> memref<4096x256xf32, #tpu.memory_space<hbm>>
          tpu.wait_indirect_dma semaphore(%run_scoped3A_273 : memref<!tpu.dma_semaphore, #tpu.memory_space<semaphore_mem>>) src(%dma_wait3A_301 : memref<4096x256xf32, #tpu.memory_space<hbm>>) dst(%dma_wait3A_291 : memref<128x256xf32, #tpu.memory_space<vmem>>)
          tpu.yield
        }) : () -> ()
        "tpu.trace_stop"() : () -> ()
        %ne3A_208 = arith.cmpi ne, %add3A_140, %add3A_158 : i32
        %or3A_209 = arith.constant false
        %or3A_210 = arith.ori %or3A_209, %ne3A_208 : i1
        %or3A_211 = arith.ori %or3A_210, %eq3A_139 : i1
        %convert_element_type3A_212 = arith.extui %or3A_211 : i1 to i32
        %cond3A_213 = arith.constant 0 : i32
        %cond3A_214 = arith.cmpi ne, %convert_element_type3A_212, %cond3A_213 : i32
        scf.if %cond3A_214 {
        } else {
        }
        %and3A_215 = arith.constant false
        %and3A_216 = arith.andi %or3A_211, %and3A_215 : i1
        %ne3A_217 = arith.cmpi ne, %add3A_140, %add3A_158 : i32
        %or3A_218 = arith.constant false
        %or3A_219 = arith.ori %or3A_218, %ne3A_217 : i1
        %or3A_220 = arith.constant false
        %or3A_221 = arith.ori %or3A_219, %or3A_220 : i1
        %or3A_222 = arith.ori %or3A_221, %eq3A_139 : i1
        %convert_element_type3A_223 = arith.extui %or3A_222 : i1 to i32
        %cond3A_224 = arith.constant 0 : i32
        %cond3A_225 = arith.cmpi ne, %convert_element_type3A_223, %cond3A_224 : i32
        scf.if %cond3A_225 {
          "tpu.trace_start"() <{level = 10 : i32, message = "ep_copy_out"}> : () -> ()
          %rem3A_273 = arith.constant 2 : i32
          %rem3A_274 = arith.remui %scan3A_133, %rem3A_273 : i32
          %mul3A_275 = arith.constant 128 : i32
          %mul3A_276 = arith.muli %mul3A_275, %add3A_140 : i32
          %dma_start3A_277 = arith.constant 0 : i32
          %dma_start3A_278 = arith.constant 0 : i32
          %dma_start3A_279 = tpu.memref_slice %run_scoped3A_17[%rem3A_274, %dma_start3A_277, %dma_start3A_278] : memref<2x128x256xf32, #tpu.memory_space<vmem>> -> memref<1x128x256xf32, #tpu.memory_space<vmem>>
          %dma_start3A_280 = tpu.memref_squeeze %dma_start3A_279 : memref<1x128x256xf32, #tpu.memory_space<vmem>> -> memref<128x256xf32, #tpu.memory_space<vmem>>
          %dma_start3A_281 = arith.constant 0 : i32
          %dma_start3A_282 = tpu.memref_slice %arg5[%mul3A_276, %dma_start3A_281] : memref<8192x256xf32, #tpu.memory_space<hbm>> -> memref<128x256xf32, #tpu.memory_space<hbm>>
          %dma_start3A_283 = tpu.memref_slice %run_scoped3A_18[%rem3A_274] : memref<2x!tpu.dma_semaphore, #tpu.memory_space<semaphore_mem>> -> memref<1x!tpu.dma_semaphore, #tpu.memory_space<semaphore_mem>>
          %dma_start3A_284 = tpu.memref_squeeze %dma_start3A_283 : memref<1x!tpu.dma_semaphore, #tpu.memory_space<semaphore_mem>> -> memref<!tpu.dma_semaphore, #tpu.memory_space<semaphore_mem>>
          %dma_start3A_285 = arith.constant 0 : i32
          %dma_start3A_286 = tpu.memref_slice %arg5[%mul3A_276, %dma_start3A_285] : memref<8192x256xf32, #tpu.memory_space<hbm>> -> memref<128x256xf32, #tpu.memory_space<hbm>>
          %dma_start3A_287 = arith.constant 0 : i32
          %dma_start3A_288 = arith.constant 0 : i32
          %dma_start3A_289 = tpu.memref_slice %run_scoped3A_17[%rem3A_274, %dma_start3A_287, %dma_start3A_288] : memref<2x128x256xf32, #tpu.memory_space<vmem>> -> memref<1x128x256xf32, #tpu.memory_space<vmem>>
          %dma_start3A_290 = tpu.memref_squeeze %dma_start3A_289 : memref<1x128x256xf32, #tpu.memory_space<vmem>> -> memref<128x256xf32, #tpu.memory_space<vmem>>
          tpu.enqueue_dma source(%dma_start3A_290 : memref<128x256xf32, #tpu.memory_space<vmem>>) target(%dma_start3A_286 : memref<128x256xf32, #tpu.memory_space<hbm>>) target_semaphore(%dma_start3A_284 : memref<!tpu.dma_semaphore, #tpu.memory_space<semaphore_mem>>)
          "tpu.trace_stop"() : () -> ()
        } else {
        }
        %and3A_226 = arith.constant true
        %and3A_227 = arith.andi %or3A_222, %and3A_226 : i1
        %add3A_228 = arith.constant 1 : i32
        %add3A_229 = arith.addi %scan3A_133, %add3A_228 : i32
        %select_n3A_230 = arith.select %and3A_227, %add3A_229, %scan3A_133 : i32
        %ne3A_231 = arith.cmpi ne, %add3A_140, %add3A_149 : i32
        %or3A_232 = arith.constant false
        %or3A_233 = arith.ori %or3A_232, %ne3A_231 : i1
        %not3A_234 = arith.constant true
        %not3A_235 = arith.xori %eq3A_137, %not3A_234 : i1
        %and3A_236 = arith.andi %or3A_233, %not3A_235 : i1
        %convert_element_type3A_237 = arith.extui %and3A_236 : i1 to i32
        %cond3A_238 = arith.constant 0 : i32
        %cond3A_239 = arith.cmpi ne, %convert_element_type3A_237, %cond3A_238 : i32
        scf.if %cond3A_239 {
        } else {
        }
        %and3A_240 = arith.constant false
        %and3A_241 = arith.andi %and3A_236, %and3A_240 : i1
        %ne3A_242 = arith.cmpi ne, %add3A_140, %add3A_149 : i32
        %or3A_243 = arith.constant false
        %or3A_244 = arith.ori %or3A_243, %ne3A_242 : i1
        %or3A_245 = arith.constant false
        %or3A_246 = arith.ori %or3A_244, %or3A_245 : i1
        %not3A_247 = arith.constant true
        %not3A_248 = arith.xori %eq3A_137, %not3A_247 : i1
        %and3A_249 = arith.andi %or3A_246, %not3A_248 : i1
        %convert_element_type3A_250 = arith.extui %and3A_249 : i1 to i32
        %cond3A_251 = arith.constant 0 : i32
        %cond3A_252 = arith.cmpi ne, %convert_element_type3A_250, %cond3A_251 : i32
        scf.if %cond3A_252 {
          "tpu.trace_start"() <{level = 10 : i32, message = "ep_wait_out"}> : () -> ()
          %rem3A_273 = arith.constant 2 : i32
          %rem3A_274 = arith.remui %scan3A_134, %rem3A_273 : i32
          %mul3A_275 = arith.constant 128 : i32
          %mul3A_276 = arith.muli %mul3A_275, %add3A_149 : i32
          %dma_wait3A_277 = arith.constant 0 : i32
          %dma_wait3A_278 = arith.constant 0 : i32
          %dma_wait3A_279 = tpu.memref_slice %run_scoped3A_17[%rem3A_274, %dma_wait3A_277, %dma_wait3A_278] : memref<2x128x256xf32, #tpu.memory_space<vmem>> -> memref<1x128x256xf32, #tpu.memory_space<vmem>>
          %dma_wait3A_280 = tpu.memref_squeeze %dma_wait3A_279 : memref<1x128x256xf32, #tpu.memory_space<vmem>> -> memref<128x256xf32, #tpu.memory_space<vmem>>
          %dma_wait3A_281 = arith.constant 0 : i32
          %dma_wait3A_282 = tpu.memref_slice %arg5[%mul3A_276, %dma_wait3A_281] : memref<8192x256xf32, #tpu.memory_space<hbm>> -> memref<128x256xf32, #tpu.memory_space<hbm>>
          %dma_wait3A_283 = tpu.memref_slice %run_scoped3A_18[%rem3A_274] : memref<2x!tpu.dma_semaphore, #tpu.memory_space<semaphore_mem>> -> memref<1x!tpu.dma_semaphore, #tpu.memory_space<semaphore_mem>>
          %dma_wait3A_284 = tpu.memref_squeeze %dma_wait3A_283 : memref<1x!tpu.dma_semaphore, #tpu.memory_space<semaphore_mem>> -> memref<!tpu.dma_semaphore, #tpu.memory_space<semaphore_mem>>
          %dma_wait3A_285 = arith.constant 0 : i32
          %dma_wait3A_286 = tpu.memref_slice %arg5[%mul3A_276, %dma_wait3A_285] : memref<8192x256xf32, #tpu.memory_space<hbm>> -> memref<128x256xf32, #tpu.memory_space<hbm>>
          %dma_wait3A_287 = arith.constant 0 : i32
          %dma_wait3A_288 = arith.constant 0 : i32
          %dma_wait3A_289 = tpu.memref_slice %run_scoped3A_17[%rem3A_274, %dma_wait3A_287, %dma_wait3A_288] : memref<2x128x256xf32, #tpu.memory_space<vmem>> -> memref<1x128x256xf32, #tpu.memory_space<vmem>>
          %dma_wait3A_290 = tpu.memref_squeeze %dma_wait3A_289 : memref<1x128x256xf32, #tpu.memory_space<vmem>> -> memref<128x256xf32, #tpu.memory_space<vmem>>
          tpu.wait_dma2 semaphore(%dma_wait3A_284 : memref<!tpu.dma_semaphore, #tpu.memory_space<semaphore_mem>>) src(%dma_wait3A_290 : memref<128x256xf32, #tpu.memory_space<vmem>>) dst(%dma_wait3A_286 : memref<128x256xf32, #tpu.memory_space<hbm>>)
          "tpu.trace_stop"() : () -> ()
        } else {
        }
        %and3A_253 = arith.constant true
        %and3A_254 = arith.andi %and3A_249, %and3A_253 : i1
        %add3A_255 = arith.constant 1 : i32
        %add3A_256 = arith.addi %scan3A_134, %add3A_255 : i32
        %select_n3A_257 = arith.select %and3A_254, %add3A_256, %scan3A_134 : i32
        %ne3A_258 = arith.cmpi ne, %add3A_140, %add3A_158 : i32
        %or3A_259 = arith.constant false
        %or3A_260 = arith.ori %or3A_259, %ne3A_258 : i1
        %or3A_261 = arith.ori %or3A_260, %eq3A_139 : i1
        %add3A_262 = arith.constant 1 : i32
        %add3A_263 = arith.addi %scan3A_132, %add3A_262 : i32
        %select_n3A_264 = arith.select %or3A_261, %add3A_263, %scan3A_132 : i32
        %add3A_265 = arith.constant 1 : i32
        %add3A_266 = arith.addi %scan3A_135, %add3A_265 : i32
        %select_n3A_267 = arith.constant true
        %select_n3A_268 = arith.select %select_n3A_267, %add3A_266, %scan3A_135 : i32
        %eq3A_269 = arith.constant 2 : i32
        %eq3A_270 = arith.cmpi eq, %select_n3A_268, %eq3A_269 : i32
        %select_n3A_271 = arith.constant 0 : i32
        %select_n3A_272 = arith.select %eq3A_270, %select_n3A_271, %select_n3A_268 : i32
        scf.yield %select_n3A_176, %select_n3A_264, %select_n3A_230, %select_n3A_257, %select_n3A_272 : i32, i32, i32, i32, i32
      }
      %scan3A_77 = arith.constant 2 : i32
      %sub3A = arith.constant 1 : i32
      %sub3A_78 = arith.subi %scan3A_76#4, %sub3A : i32
      %select_n3A_79 = arith.constant true
      %select_n3A_80 = arith.select %select_n3A_79, %sub3A_78, %scan3A_76#4 : i32
      %eq3A_81 = arith.constant -1 : i32
      %eq3A_82 = arith.cmpi eq, %select_n3A_80, %eq3A_81 : i32
      %select_n3A_83 = arith.constant 1 : i32
      %select_n3A_84 = arith.select %eq3A_82, %select_n3A_83, %select_n3A_80 : i32
      %add3A_85 = arith.addi %select_n3A_84, %mul3A_15 : i32
      %sub3A_86 = arith.constant 1 : i32
      %sub3A_87 = arith.subi %select_n3A_84, %sub3A_86 : i32
      %select_n3A_88 = arith.constant true
      %select_n3A_89 = arith.select %select_n3A_88, %sub3A_87, %select_n3A_84 : i32
      %eq3A_90 = arith.constant -1 : i32
      %eq3A_91 = arith.cmpi eq, %select_n3A_89, %eq3A_90 : i32
      %select_n3A_92 = arith.constant 1 : i32
      %select_n3A_93 = arith.select %eq3A_91, %select_n3A_92, %select_n3A_89 : i32
      %add3A_94 = arith.addi %select_n3A_93, %mul3A_15 : i32
      %add3A_95 = arith.constant 1 : i32
      %add3A_96 = arith.addi %select_n3A_84, %add3A_95 : i32
      %select_n3A_97 = arith.constant true
      %select_n3A_98 = arith.select %select_n3A_97, %add3A_96, %select_n3A_84 : i32
      %eq3A_99 = arith.constant 2 : i32
      %eq3A_100 = arith.cmpi eq, %select_n3A_98, %eq3A_99 : i32
      %select_n3A_101 = arith.constant 0 : i32
      %select_n3A_102 = arith.select %eq3A_100, %select_n3A_101, %select_n3A_98 : i32
      %add3A_103 = arith.addi %select_n3A_102, %mul3A_15 : i32
      %add3A_104 = arith.constant 1 : i32
      %add3A_105 = arith.addi %select_n3A_102, %add3A_104 : i32
      %select_n3A_106 = arith.constant true
      %select_n3A_107 = arith.select %select_n3A_106, %add3A_105, %select_n3A_102 : i32
      %eq3A_108 = arith.constant 2 : i32
      %eq3A_109 = arith.cmpi eq, %select_n3A_107, %eq3A_108 : i32
      %select_n3A_110 = arith.constant 0 : i32
      %select_n3A_111 = arith.select %eq3A_109, %select_n3A_110, %select_n3A_107 : i32
      %add3A_112 = arith.addi %select_n3A_111, %mul3A_15 : i32
      "tpu.trace_start"() <{level = 10 : i32, message = "ep_finalize"}> : () -> ()
      %rem3A_113 = arith.constant 2 : i32
      %rem3A_114 = arith.remui %scan3A_76#3, %rem3A_113 : i32
      %mul3A_115 = arith.constant 128 : i32
      %mul3A_116 = arith.muli %mul3A_115, %add3A_85 : i32
      %dma_wait3A = arith.constant 0 : i32
      %dma_wait3A_117 = arith.constant 0 : i32
      %dma_wait3A_118 = tpu.memref_slice %run_scoped3A_17[%rem3A_114, %dma_wait3A, %dma_wait3A_117] : memref<2x128x256xf32, #tpu.memory_space<vmem>> -> memref<1x128x256xf32, #tpu.memory_space<vmem>>
      %dma_wait3A_119 = tpu.memref_squeeze %dma_wait3A_118 : memref<1x128x256xf32, #tpu.memory_space<vmem>> -> memref<128x256xf32, #tpu.memory_space<vmem>>
      %dma_wait3A_120 = arith.constant 0 : i32
      %dma_wait3A_121 = tpu.memref_slice %arg5[%mul3A_116, %dma_wait3A_120] : memref<8192x256xf32, #tpu.memory_space<hbm>> -> memref<128x256xf32, #tpu.memory_space<hbm>>
      %dma_wait3A_122 = tpu.memref_slice %run_scoped3A_18[%rem3A_114] : memref<2x!tpu.dma_semaphore, #tpu.memory_space<semaphore_mem>> -> memref<1x!tpu.dma_semaphore, #tpu.memory_space<semaphore_mem>>
      %dma_wait3A_123 = tpu.memref_squeeze %dma_wait3A_122 : memref<1x!tpu.dma_semaphore, #tpu.memory_space<semaphore_mem>> -> memref<!tpu.dma_semaphore, #tpu.memory_space<semaphore_mem>>
      %dma_wait3A_124 = arith.constant 0 : i32
      %dma_wait3A_125 = tpu.memref_slice %arg5[%mul3A_116, %dma_wait3A_124] : memref<8192x256xf32, #tpu.memory_space<hbm>> -> memref<128x256xf32, #tpu.memory_space<hbm>>
      %dma_wait3A_126 = arith.constant 0 : i32
      %dma_wait3A_127 = arith.constant 0 : i32
      %dma_wait3A_128 = tpu.memref_slice %run_scoped3A_17[%rem3A_114, %dma_wait3A_126, %dma_wait3A_127] : memref<2x128x256xf32, #tpu.memory_space<vmem>> -> memref<1x128x256xf32, #tpu.memory_space<vmem>>
      %dma_wait3A_129 = tpu.memref_squeeze %dma_wait3A_128 : memref<1x128x256xf32, #tpu.memory_space<vmem>> -> memref<128x256xf32, #tpu.memory_space<vmem>>
      tpu.wait_dma2 semaphore(%dma_wait3A_123 : memref<!tpu.dma_semaphore, #tpu.memory_space<semaphore_mem>>) src(%dma_wait3A_129 : memref<128x256xf32, #tpu.memory_space<vmem>>) dst(%dma_wait3A_125 : memref<128x256xf32, #tpu.memory_space<hbm>>)
      "tpu.trace_stop"() : () -> ()
      tpu.yield
    }) : () -> ()
    return
  }
}

module attributes {stable_mosaic.version = 14 : i64} {
  func.func @_dist_body(%arg0: i32, %arg1: memref<1024x256xf32, #tpu.memory_space<vmem>>, %arg2: memref<1024x256xf32, #tpu.memory_space<vmem>>, %arg3: memref<4096x512xf32, #tpu.memory_space<vmem>>, %arg4: memref<1024xi32, #tpu.memory_space<vmem>>, %arg5: memref<1x4096xf32, #tpu.memory_space<vmem>>) attributes {dimension_semantics = [#tpu.dimension_semantics<arbitrary>], iteration_bounds = array<i64: 8>, scalar_prefetch = 0 : i64, scratch_operands = 1 : i64, tpu.core_type = #tpu.core_type<tc>, window_params = [{transform_indices = @transform_0, window_bounds = array<i64: 1024, 256>}, {transform_indices = @transform_1, window_bounds = array<i64: 1024, 256>}, {pipeline_mode = #tpu.pipeline_mode<synchronous>, transform_indices = @transform_2, window_bounds = array<i64: 4096, 512>}, {transform_indices = @transform_3, window_bounds = array<i64: 1024>}]} {
    %eq3A = arith.constant 0 : i32
    %eq3A_0 = arith.cmpi eq, %arg0, %eq3A : i32
    %convert_element_type3A = arith.extui %eq3A_0 : i1 to i32
    %cond3A = arith.constant 0 : i32
    %cond3A_1 = arith.cmpi ne, %convert_element_type3A, %cond3A : i32
    scf.if %cond3A_1 {
      %get3A_21 = arith.constant 0 : index
      %get3A_22 = arith.constant 0 : index
      %get3A_23 = vector.load %arg3[%get3A_21, %get3A_22] : memref<4096x512xf32, #tpu.memory_space<vmem>>, vector<4096x512xf32>
      %mul3A_24 = arith.mulf %get3A_23, %get3A_23 : vector<4096x512xf32>
      %reduce_sum3A_25 = arith.constant dense<0.000000e+00> : vector<4096xf32>
      %reduce_sum3A_26 = vector.multi_reduction <add>, %mul3A_24, %reduce_sum3A_25 [1] : vector<4096x512xf32> to vector<4096xf32>
      %swap3A_27 = arith.constant 0 : index
      %swap3A_28 = arith.constant 0 : index
      %swap3A_29 = vector.load %arg5[%swap3A_27, %swap3A_28] : memref<1x4096xf32, #tpu.memory_space<vmem>>, vector<1x4096xf32>
      %swap3A_30 = vector.shape_cast %swap3A_29 : vector<1x4096xf32> to vector<4096xf32>
      %swap3A_31 = vector.shape_cast %reduce_sum3A_26 : vector<4096xf32> to vector<1x4096xf32>
      tpu.vector_store %arg5[%swap3A_27, %swap3A_28], %swap3A_31 {strides = array<i32>} : memref<1x4096xf32, #tpu.memory_space<vmem>>, vector<1x4096xf32>,
    } else {
    }
    %get3A = arith.constant 0 : index
    %get3A_2 = arith.constant 0 : index
    %get3A_3 = vector.load %arg1[%get3A, %get3A_2] : memref<1024x256xf32, #tpu.memory_space<vmem>>, vector<1024x256xf32>
    %get3A_4 = arith.constant 0 : index
    %get3A_5 = arith.constant 0 : index
    %get3A_6 = vector.load %arg2[%get3A_4, %get3A_5] : memref<1024x256xf32, #tpu.memory_space<vmem>>, vector<1024x256xf32>
    %concatenate3A = tpu.concatenate %get3A_3, %get3A_6 in 1 : vector<1024x256xf32>, vector<1024x256xf32> -> vector<1024x512xf32>
    %mul3A = arith.mulf %concatenate3A, %concatenate3A : vector<1024x512xf32>
    %reduce_sum3A = arith.constant dense<0.000000e+00> : vector<1024xf32>
    %reduce_sum3A_7 = vector.multi_reduction <add>, %mul3A, %reduce_sum3A [1] : vector<1024x512xf32> to vector<1024xf32>
    %mul3A_8 = arith.constant 2.000000e+00 : f32
    %mul3A_9 = vector.broadcast %mul3A_8 : f32 to vector<1024x512xf32>
    %mul3A_10 = arith.mulf %mul3A_9, %concatenate3A : vector<1024x512xf32>
    %get3A_11 = arith.constant 0 : index
    %get3A_12 = arith.constant 0 : index
    %get3A_13 = vector.load %arg3[%get3A_11, %get3A_12] : memref<4096x512xf32, #tpu.memory_space<vmem>>, vector<4096x512xf32>
    %dot_general3A = arith.constant dense<0.000000e+00> : vector<1024x4096xf32>
    %dot_general3A_14 = tpu.matmul %mul3A_10, %get3A_13, %dot_general3A {dimension_numbers = #tpu.dot_dimension_numbers<[1], [1], [0], [0], [0, 0, 1, 0], [], []>, transpose_lhs_hint = false} : vector<1024x512xf32>, vector<4096x512xf32>, vector<1024x4096xf32> -> vector<1024x4096xf32>
    %broadcast_in_dim3A = vector.shape_cast %reduce_sum3A_7 : vector<1024xf32> to vector<1024x1xf32>
    %get3A_15 = arith.constant 0 : index
    %get3A_16 = arith.constant 0 : index
    %get3A_17 = vector.load %arg5[%get3A_15, %get3A_16] : memref<1x4096xf32, #tpu.memory_space<vmem>>, vector<1x4096xf32>
    %add3A = vector.broadcast %broadcast_in_dim3A : vector<1024x1xf32> to vector<1024x4096xf32>
    %add3A_18 = vector.broadcast %get3A_17 : vector<1x4096xf32> to vector<1024x4096xf32>
    %add3A_19 = arith.addf %add3A, %add3A_18 : vector<1024x4096xf32>
    %sub3A = arith.subf %add3A_19, %dot_general3A_14 : vector<1024x4096xf32>
    %argmin3A = tpu.reduce_index %sub3A {axis = 1 : i32, kind = #tpu.reduction_kind<arg_min>} : vector<1024x4096xf32> -> vector<1024xi32>
    %swap3A = arith.constant 0 : index
    %swap3A_20 = vector.load %arg4[%swap3A] : memref<1024xi32, #tpu.memory_space<vmem>>, vector<1024xi32>
    tpu.vector_store %arg4[%swap3A], %argmin3A {strides = array<i32>} : memref<1024xi32, #tpu.memory_space<vmem>>, vector<1024xi32>,
    return
  }
  func.func @transform_0(%arg0: i32) -> (i32, i32) {
    %c0_i32 = arith.constant 0 : i32
    %c0_i32_0 = arith.constant 0 : i32
    return %arg0, %c0_i32 : i32, i32
  }
  func.func @transform_1(%arg0: i32) -> (i32, i32) {
    %c0_i32 = arith.constant 0 : i32
    %c0_i32_0 = arith.constant 0 : i32
    return %arg0, %c0_i32 : i32, i32
  }
  func.func @transform_2(%arg0: i32) -> (i32, i32) {
    %c0_i32 = arith.constant 0 : i32
    %c0_i32_0 = arith.constant 0 : i32
    %c0_i32_1 = arith.constant 0 : i32
    return %c0_i32, %c0_i32_0 : i32, i32
  }
  func.func @transform_3(%arg0: i32) -> i32 {
    %c0_i32 = arith.constant 0 : i32
    return %arg0 : i32
  }
}

module attributes {stable_mosaic.version = 14 : i64} {
  func.func @_loss_body(%arg0: i32, %arg1: memref<1024x256xf32, #tpu.memory_space<vmem>>, %arg2: memref<1024x256xf32, #tpu.memory_space<vmem>>, %arg3: memref<1024x256xf32, #tpu.memory_space<vmem>>, %arg4: memref<1024x256xf32, #tpu.memory_space<vmem>>, %arg5: memref<1x1xf32, #tpu.memory_space<smem>>, %arg6: memref<1024x256xf32, #tpu.memory_space<vmem>>, %arg7: memref<1024x256xf32, #tpu.memory_space<vmem>>) attributes {dimension_semantics = [#tpu.dimension_semantics<arbitrary>], iteration_bounds = array<i64: 8>, scalar_prefetch = 0 : i64, scratch_operands = 0 : i64, tpu.core_type = #tpu.core_type<tc>, window_params = [{transform_indices = @transform_0, window_bounds = array<i64: 1024, 256>}, {transform_indices = @transform_1, window_bounds = array<i64: 1024, 256>}, {transform_indices = @transform_2, window_bounds = array<i64: 1024, 256>}, {transform_indices = @transform_3, window_bounds = array<i64: 1024, 256>}, {transform_indices = @transform_4, window_bounds = array<i64: 1, 1>}, {transform_indices = @transform_5, window_bounds = array<i64: 1024, 256>}, {transform_indices = @transform_6, window_bounds = array<i64: 1024, 256>}]} {
    %get3A = arith.constant 0 : index
    %get3A_0 = arith.constant 0 : index
    %get3A_1 = vector.load %arg3[%get3A, %get3A_0] : memref<1024x256xf32, #tpu.memory_space<vmem>>, vector<1024x256xf32>
    %get3A_2 = arith.constant 0 : index
    %get3A_3 = arith.constant 0 : index
    %get3A_4 = vector.load %arg4[%get3A_2, %get3A_3] : memref<1024x256xf32, #tpu.memory_space<vmem>>, vector<1024x256xf32>
    %swap3A = arith.constant 0 : index
    %swap3A_5 = arith.constant 0 : index
    %swap3A_6 = vector.load %arg6[%swap3A, %swap3A_5] : memref<1024x256xf32, #tpu.memory_space<vmem>>, vector<1024x256xf32>
    tpu.vector_store %arg6[%swap3A, %swap3A_5], %get3A_1 {strides = array<i32>} : memref<1024x256xf32, #tpu.memory_space<vmem>>, vector<1024x256xf32>,
    %swap3A_7 = arith.constant 0 : index
    %swap3A_8 = arith.constant 0 : index
    %swap3A_9 = vector.load %arg7[%swap3A_7, %swap3A_8] : memref<1024x256xf32, #tpu.memory_space<vmem>>, vector<1024x256xf32>
    tpu.vector_store %arg7[%swap3A_7, %swap3A_8], %get3A_4 {strides = array<i32>} : memref<1024x256xf32, #tpu.memory_space<vmem>>, vector<1024x256xf32>,
    %get3A_10 = arith.constant 0 : index
    %get3A_11 = arith.constant 0 : index
    %get3A_12 = vector.load %arg1[%get3A_10, %get3A_11] : memref<1024x256xf32, #tpu.memory_space<vmem>>, vector<1024x256xf32>
    %sub3A = arith.subf %get3A_12, %get3A_1 : vector<1024x256xf32>
    %integer_pow3A = arith.mulf %sub3A, %sub3A : vector<1024x256xf32>
    %get3A_13 = arith.constant 0 : index
    %get3A_14 = arith.constant 0 : index
    %get3A_15 = vector.load %arg2[%get3A_13, %get3A_14] : memref<1024x256xf32, #tpu.memory_space<vmem>>, vector<1024x256xf32>
    %sub3A_16 = arith.subf %get3A_15, %get3A_4 : vector<1024x256xf32>
    %integer_pow3A_17 = arith.mulf %sub3A_16, %sub3A_16 : vector<1024x256xf32>
    %add3A = arith.addf %integer_pow3A, %integer_pow3A_17 : vector<1024x256xf32>
    %reduce_sum3A = vector.shape_cast %add3A : vector<1024x256xf32> to vector<1x1024x256xf32>
    %reduce_sum3A_18 = arith.constant dense<0.000000e+00> : vector<1xf32>
    %reduce_sum3A_19 = vector.multi_reduction <add>, %reduce_sum3A, %reduce_sum3A_18 [1, 2] : vector<1x1024x256xf32> to vector<1xf32>
    %reduce_sum3A_20 = vector.shape_cast %reduce_sum3A_19 : vector<1xf32> to vector<1x1x1xf32>
    %reduce_sum3A_21 = vector.extract %reduce_sum3A_20[0, 0, 0] : f32 from vector<1x1x1xf32>
    %eq3A = arith.constant 0 : i32
    %eq3A_22 = arith.cmpi eq, %arg0, %eq3A : i32
    %convert_element_type3A = arith.extui %eq3A_22 : i1 to i32
    %cond3A = arith.constant 0 : i32
    %cond3A_23 = arith.cmpi ne, %convert_element_type3A, %cond3A : i32
    scf.if %cond3A_23 {
      %swap3A_28 = arith.constant 0 : index
      %swap3A_29 = arith.constant 0 : index
      %swap3A_30 = memref.load %arg5[%swap3A_28, %swap3A_29] : memref<1x1xf32, #tpu.memory_space<smem>>
      memref.store %reduce_sum3A_21, %arg5[%swap3A_28, %swap3A_29] : memref<1x1xf32, #tpu.memory_space<smem>>
    } else {
    }
    %ne3A = arith.constant 0 : i32
    %ne3A_24 = arith.cmpi ne, %arg0, %ne3A : i32
    %convert_element_type3A_25 = arith.extui %ne3A_24 : i1 to i32
    %cond3A_26 = arith.constant 0 : i32
    %cond3A_27 = arith.cmpi ne, %convert_element_type3A_25, %cond3A_26 : i32
    scf.if %cond3A_27 {
      %get3A_28 = arith.constant 0 : index
      %get3A_29 = arith.constant 0 : index
      %get3A_30 = memref.load %arg5[%get3A_28, %get3A_29] : memref<1x1xf32, #tpu.memory_space<smem>>
      %add3A_31 = arith.addf %get3A_30, %reduce_sum3A_21 : f32
      %swap3A_32 = arith.constant 0 : index
      %swap3A_33 = arith.constant 0 : index
      %swap3A_34 = memref.load %arg5[%swap3A_32, %swap3A_33] : memref<1x1xf32, #tpu.memory_space<smem>>
      memref.store %add3A_31, %arg5[%swap3A_32, %swap3A_33] : memref<1x1xf32, #tpu.memory_space<smem>>
    } else {
    }
    return
  }
  func.func @transform_0(%arg0: i32) -> (i32, i32) {
    %c0_i32 = arith.constant 0 : i32
    %c0_i32_0 = arith.constant 0 : i32
    return %arg0, %c0_i32 : i32, i32
  }
  func.func @transform_1(%arg0: i32) -> (i32, i32) {
    %c0_i32 = arith.constant 0 : i32
    %c0_i32_0 = arith.constant 0 : i32
    return %arg0, %c0_i32 : i32, i32
  }
  func.func @transform_2(%arg0: i32) -> (i32, i32) {
    %c0_i32 = arith.constant 0 : i32
    %c0_i32_0 = arith.constant 0 : i32
    return %arg0, %c0_i32 : i32, i32
  }
  func.func @transform_3(%arg0: i32) -> (i32, i32) {
    %c0_i32 = arith.constant 0 : i32
    %c0_i32_0 = arith.constant 0 : i32
    return %arg0, %c0_i32 : i32, i32
  }
  func.func @transform_4(%arg0: i32) -> (i32, i32) {
    %c0_i32 = arith.constant 0 : i32
    %c0_i32_0 = arith.constant 0 : i32
    %c0_i32_1 = arith.constant 0 : i32
    return %c0_i32, %c0_i32_0 : i32, i32
  }
  func.func @transform_5(%arg0: i32) -> (i32, i32) {
    %c0_i32 = arith.constant 0 : i32
    %c0_i32_0 = arith.constant 0 : i32
    return %arg0, %c0_i32 : i32, i32
  }
  func.func @transform_6(%arg0: i32) -> (i32, i32) {
    %c0_i32 = arith.constant 0 : i32
    %c0_i32_0 = arith.constant 0 : i32
    return %arg0, %c0_i32 : i32, i32
  }
}

</mosaic_0001>

<sc_bundles>
// kernel: kernel.11.cloned.1.call-start
scs
__scs_entry_jumppad:
0x0: {  	(pc) =	sbr.rel $0x88, $3  }
0x1: {  	(tag) =	ssettag $0x0;
	lr =	simm.s32 $0x1  }
0x2: {  	[smem:$0x3F9B] =	sst lr;
	_ =	strace $0xD0000000  }
0x3: {  	_ = 	snop  }
0x4: {  	_ = 	snop  }
0x5: {  	_ = 	snop  }
0x6: {  	_ = 	snop  }
0x7: {  	_ = 	snop  }
__scs_overlays_trampoline_lowered:
0x8: {  	[smem:$0x3FAA] =	sst s0  }
0x9: {  	[smem:$0x3FAB] =	sst s1  }
0xa: {  	[smem:$0x3FAC] =	sst s2  }
0xb: {  	[smem:$0x3FAD] =	sst s3  }
0xc: {  	[smem:$0x3FAE] =	sst s4  }
0xd: {  	[smem:$0x3FAF] =	sst s5  }
0xe: {  	[smem:$0x3FB0] =	sst s6  }
0xf: {  	[smem:$0x3FB1] =	sst s7  }
0x10: {  	[smem:$0x3FB2] =	sst s8  }
0x11: {  	[smem:$0x3FB3] =	sst s9;
	s0 =	simm.s32 @!p0 $0x0  }
0x12: {  	s1 =	sld [smem:$0x3F99];
	s0 =	simm.s32 @p0 $0x1  }
0x13: {  	[smem:$0x3FB4] =	sst s0;
	s0 =	simm.s32 @!p1 $0x0  }
0x14: {  	s2 =	sld [smem:$0x3F98];
	s0 =	simm.s32 @p1 $0x1  }
0x15: {  	[smem:$0x3FB5] =	sst s0;
	s0 =	simm.s32 @!p2 $0x0  }
0x16: {  	s3 =	sld [smem:$0x3FDB];
	s0 =	simm.s32 @p2 $0x1  }
0x17: {  	s4 =	simm.s32 $0x1BF5;
	[smem:$0x3FB7] =	sst s0  }
0x18: {  	s0 =	sld [smem:$0x3F9A];
	_ =	swait.ge [sflag:s4], $0x0  }
0x19: {  	s7 =	sld [smem:$0x3F9B]  }
0x1a: {  	s8 =	sadd.s32 $0xFFFFE003, lr  }
0x1b: {  	s9 =	sadd.s32 $0xFFFFFEF7, lr;
	s5 =	simm.s32 $0xFFFFFFFF;
	p2 =	slt.u32 s8, $0xFFFFF086  }
0x1c: {  	p1 =	slt.u32 s9, $0xF7A;
	s5 =	simm.s32 @!p2 $0x0  }
0x1d: {  	s5 =	simm.s32 @p1 $0x1;
	p0 =	seq.s32 s7, s2  }
0x1e: {  	s7 =	smul.u32 @!p0 $0xF7A, s2;
	p2 =	seq.s32 @!p0 s5, $0x0  }
0x1f: {  	s9 =	smul.u32 $0xF7A, s1;
	s8 =	simm.s32 @!p0 $0x1BF5;
	p2 =	por !p2, p0  }
0x20: {  	[sflag:s8] =	ssyncset.s32 @!p0 $0xFFFFF086;
	s6 =	sadd.s32 @!p0 s3, s7;
	s7 =	simm.s32 @!p0 $0x108  }
0x21: {  	s3 =	sadd.s32 s3, s9;
	s6 =	sadd.s32 @!p0 $0x88, s6;
	s7 =	simm.s32 @p2 $0x1082  }
0x22: {  	[simem:s7], [sflag:s8] =	dma.local @!p0 [hbm:s6], $0xF7A  }
0x23: {  	s9 =	sor.u32 $0xD0000000, s2;
	s6 =	simm.s32 $0x108;
	_ =	swait.ge @!p0 [sflag:s8], $0x0  }
0x24: {  	s3 =	sadd.s32 $0x88, s3;
	s6 =	simm.s32 @!p1 $0x1082;
	[sflag:s4] =	ssyncset.s32 $0xFFFFF086  }
0x25: {  	[simem:s6], [sflag:s4] =	dma.local [hbm:s3], $0xF7A  }
0x26: {  	[smem:$0x3F9B] =	sst s1;
	(tag) =	ssettag s2;
	_ =	strace s9  }
0x27: {  	s1 =	sld [smem:$0x3FAB]  }
0x28: {  	s2 =	sld [smem:$0x3FAC]  }
0x29: {  	s4 =	sld [smem:$0x3FAE]  }
0x2a: {  	p0 =	seq.s32 s5, $0x0;
	s5 =	sld [smem:$0x3FAF]  }
0x2b: {  	s6 =	sld [smem:$0x3FB0]  }
0x2c: {  	s7 =	sld [smem:$0x3FB1]  }
0x2d: {  	s3 =	simm.s32 $0x108;
	s8 =	sld [smem:$0x3FB2]  }
0x2e: {  	s3 =	simm.s32 @!p0 $0x1082;
	s9 =	sld [smem:$0x3FB3]  }
0x2f: {  	lr =	sadd.s32 s0, s3;
	s0 =	sld [smem:$0x3FAA]  }
0x30: {  	s3 =	sld [smem:$0x3FAD]  }
0x31: {  	[smem:$0x3FB6] =	sst s10  }
0x32: {  	s10 =	sld [smem:$0x3FB4];
	_ =	sdelay $0x3  }
0x33: {  	p0 =	seq.s32 s10, $0x1;
	s10 =	sld [smem:$0x3FB6];
	_ =	sdelay $0x3  }
0x34: {  	[smem:$0x3FB6] =	sst s10  }
0x35: {  	s10 =	sld [smem:$0x3FB5];
	_ =	sdelay $0x3  }
0x36: {  	p1 =	seq.s32 s10, $0x1;
	s10 =	sld [smem:$0x3FB6];
	_ =	sdelay $0x3  }
0x37: {  	[smem:$0x3FB6] =	sst s10  }
0x38: {  	s10 =	sld [smem:$0x3FB7]  }
0x39: {  	_ = 	snop;
	(pc) =	sbr.ind lr, $3  }
0x3a: {  	_ = 	snop  }
0x3b: {  	_ = 	snop  }
0x3c: {  	p2 =	seq.s32 s10, $0x1;
	s10 =	sld [smem:$0x3FB6]  }
0x3d: {  	_ =	shalt  }
0x3e: {  	_ =	shalt  }
0x3f: {  	_ =	shalt  }
0x40: {  	_ =	shalt  }
0x41: {  	_ =	shalt  }
0x42: {  	_ =	shalt  }
0x43: {  	_ =	shalt  }
0x44: {  	_ =	shalt  }
0x45: {  	_ =	shalt  }
0x46: {  	_ =	shalt  }
0x47: {  	_ =	shalt  }
0x48: {  	_ =	shalt  }
0x49: {  	_ =	shalt  }
0x4a: {  	_ =	shalt  }
0x4b: {  	_ =	shalt  }
0x4c: {  	_ =	shalt  }
0x4d: {  	_ =	shalt  }
0x4e: {  	_ =	shalt  }
0x4f: {  	_ =	shalt  }
0x50: {  	_ =	shalt  }
0x51: {  	_ =	shalt  }
0x52: {  	_ =	shalt  }
0x53: {  	_ =	shalt  }
0x54: {  	_ =	shalt  }
0x55: {  	_ =	shalt  }
0x56: {  	_ =	shalt  }
0x57: {  	_ =	shalt  }
0x58: {  	_ =	shalt  }
0x59: {  	_ =	shalt  }
0x5a: {  	_ =	shalt  }
0x5b: {  	_ =	shalt  }
0x5c: {  	_ =	shalt  }
0x5d: {  	_ =	shalt  }
0x5e: {  	_ =	shalt  }
0x5f: {  	_ =	shalt  }
0x60: {  	_ =	shalt  }
0x61: {  	_ =	shalt  }
0x62: {  	_ =	shalt  }
0x63: {  	_ =	shalt  }
0x64: {  	_ =	shalt  }
0x65: {  	_ =	shalt  }
0x66: {  	_ =	shalt  }
0x67: {  	_ =	shalt  }
0x68: {  	_ =	shalt  }
0x69: {  	_ =	shalt  }
0x6a: {  	_ =	shalt  }
0x6b: {  	_ =	shalt  }
0x6c: {  	_ =	shalt  }
0x6d: {  	_ =	shalt  }
0x6e: {  	_ =	shalt  }
0x6f: {  	_ =	shalt  }
0x70: {  	_ =	shalt  }
0x71: {  	_ =	shalt  }
0x72: {  	_ =	shalt  }
0x73: {  	_ =	shalt  }
0x74: {  	_ =	shalt  }
0x75: {  	_ =	shalt  }
0x76: {  	_ =	shalt  }
0x77: {  	_ =	shalt  }
0x78: {  	_ =	shalt  }
0x79: {  	_ =	shalt  }
0x7a: {  	_ =	shalt  }
0x7b: {  	_ =	shalt  }
0x7c: {  	_ =	shalt  }
0x7d: {  	_ =	shalt  }
0x7e: {  	_ =	shalt  }
0x7f: {  	_ =	shalt  }
0x80: {  	_ =	shalt  }
0x81: {  	_ =	shalt  }
0x82: {  	_ =	shalt  }
0x83: {  	_ =	shalt  }
0x84: {  	_ =	shalt  }
0x85: {  	_ =	shalt  }
0x86: {  	_ =	shalt  }
0x87: {  	_ =	shalt  }
.Lfunc_end0:
.L_simem_size_0:
called_computation.1_lowered:
.L_overlay_start_0:
0x88: {  	s2 =	sld [smem:$0x3FD9]  }
0x89: {  	s3 =	sld [smem:$0x3FFE];
	_ =	sdelay $0x1  }
0x8a: {  	s1 =	srdreg.scid  }
0x8b: {  	s0 =	sand.u32 $0x1, s1  }
0x8c: {  	s14 =	sshll.u32 s0, $0xA;
	s2 =	sadd.s32 s3, s2  }
0x8d: {  	s2 =	sadd.s32 s2, s14  }
0x8e: {  	[smem:$0x3FC2] =	sst s2  }
0x8f: {  	_ = 	snop  }
0x90: {  	s2 =	sld [smem:$0x3FD0];
	_ =	sdelay $0x2  }
0x91: {  	s4 =	simm.s32 $0xB;
	s5 =	simm.s32 $0x10;
	s15 =	sld [smem:$0x3FC4]  }
0x92: {  	[smem:s5], [sflag:s4] =	dma.local [hbm:s2], $0x1  }
0x93: {  	_ =	swait.eq [sflag:s4], $0x1  }
0x94: {  	[sflag:s4] =	ssyncset.done $0x0  }
0x95: {  	s16 =	sld [smem:$0x11];
	[sflag:s4] =	ssyncadd.s32 $0xFFFFFFFF  }
0x96: {  	s17 =	sld [smem:$0x14];
	(tm) =	ssettm $0x1  }
0x97: {  	s18 =	sld [smem:$0x3FFB];
	_ =	sdelay $0x3  }
0x98: {  	_ =	strace s18  }
0x99: {  	s5 =	sld [smem:$0x3FFC];
	_ =	sdelay $0x3  }
0x9a: {  	_ =	strace s5  }
0x9b: {  	s5 =	sld [smem:$0x3FFD];
	_ =	sdelay $0x3  }
0x9c: {  	_ =	strace s5  }
0x9d: {  	_ =	strace $0x8FFFFFFF  }
0x9e: {  	s19 =	sld [smem:$0x3FDB];
	_ =	sdelay $0x1  }
0x9f: {  	s6 =	simm.s32 $_scs_section_size  }
0xa0: {  	s7 =	simm.s32 $_size__tile_overlayer_lowered;
	s8 =	simm.s32 $_tile_overlayer_lowered  }
0xa1: {  	s22 =	simm.s32 $0x1BFF;
	s21 =	sshll.u32 s8, $0x1;
	s5 =	sadd.s32 s6, s19  }
0xa2: {  	s9 =	simm.s32 $0x0;
	s20 =	sshll.u32 s7, $0x1;
	s7 =	sadd.s32 s21, s5  }
0xa3: {  	[timem:s9], [sflag:s22] =	dma.local [hbm:s7], s20  }
0xa4: {  	_ =	swait.ge [sflag:s22], s20  }
0xa5: {  	s6 =	ssub.s32 $0x0, s20;
	[sflag:s22] =	ssyncset.done $0x0  }
0xa6: {  	[sflag:s22] =	ssyncadd.s32 s6;
	_ =	sdelay $0x1  }
0xa7: {  	s23 =	simm.s32 $0x1B8B  }
0xa8: {  	_ =	swait.ge [sflag:s23], $0x1  }
0xa9: {  	[sflag:s23] =	ssyncset.done $0x0  }
0xaa: {  	s25 =	simm.s32 $0x1B8E;
	s24 =	sld [smem:$0x3FFE];
	[sflag:s23] =	ssyncadd.s32 $0xFFFFFFFF  }
0xab: {  	s26 =	simm.s32 $execute0_lowered;
	[smem:$0x3FD2] =	sst s25  }
0xac: {  	s7 =	sshll.u32 s26, $0x1;
	_ =	strace $0x80000046;
	[dreg:$0x1] =	wrdreg $0xFFFFFFFF  }
0xad: {  	s28 =	simm.s32 $_size_execute0_lowered;
	s5 =	sadd.s32 s5, s7;
	[dreg:$0x0] =	wrdreg $0x0  }
0xae: {  	s7 =	sshll.u32 s28, $0x1;
	[dreg:$0x2] =	wrdreg s5  }
0xaf: {  	[dreg:$0x3] =	wrdreg s7  }
0xb0: {  	[dreg:$0x4] =	wrdreg $0xC0  }
0xb1: {  	_ =	task [dreg:s9], $0x5FFFF  }
0xb2: {  	[dreg:$0x1] =	wrdreg $0xFFFFFFFF  }
0xb3: {  	[dreg:$0x0] =	wrdreg $0x60  }
0xb4: {  	[dreg:$0x2] =	wrdreg s15  }
0xb5: {  	[dreg:$0x3] =	wrdreg s17  }
0xb6: {  	[dreg:$0x4] =	wrdreg s16  }
0xb7: {  	[dreg:$0x5] =	wrdreg s24  }
0xb8: {  	[dreg:$0x6] =	wrdreg $0xA  }
0xb9: {  	_ =	task.clear_ibuf [dreg:s9], $0x7FFFF;
	_ =	strace $0x90000046  }
0xba: {  	s29 =	simm.s32 $0xA;
	_ =	strace $0x80000056  }
0xbb: {  	_ =	swait.ge [sflag:s29], $0x1  }
0xbc: {  	[sflag:s29] =	ssyncadd.s32 $0xFFFFFFFF  }
0xbd: {  	_ =	strace $0x90000056  }
0xbe: {  	_ =	sfence  }
0xbf: {  	s30 =	sld [smem:$0x0];
	_ =	sdelay $0x2  }
0xc0: {  	s31 =	sshll.u32 s1, $0xD;
	s1 =	sshrl.u32 s1, $0x2  }
0xc1: {  	s3 =	sand.u32 $0x4000, s31;
	s1 =	sadd.s32 s1, s30  }
0xc2: {  	s0 =	sor.u32 s3, s0;
	s1 =	sshll.u32 s1, $0x11  }
0xc3: {  	s0 =	sor.u32 s1, s0  }
0xc4: {  	s0 =	sadd.s32 $0x8F2B, s0  }
0xc5: {  	[sflag:s0] =	ssyncadd.remote.s32 $0x1  }
0xc6: {  	_ =	sfence.sel $0xFFFF  }
0xc7: {  	[dreg:$0x0] =	wrdreg $0xFFFFFFFF;
	(pc) =	sbr.abs _section_cstart, $3  }
0xc8: {  	[dreg:$0x1] =	wrdreg $0xFFFFFFFF  }
0xc9: {  	_ =	task.clear_ibuf [dreg:s9], $0x2FFFF;
	_ =	strace $0x9FFFFFFF  }
0xca: {  	(tm) =	ssettm $0x7FFFFFFF  }
0xcb: {  	_ =	shalt  }
tec
execute0_lowered:
.L_overlay_start_1:
0x0: {  	(tag) =	ssettag $0x1  }
0x1: {  	s1 =	rddreg [dreg:$0x0]  }
0x2: {  	s2 =	rddreg [dreg:$0x1]  }
0x3: {  	s3 =	rddreg [dreg:$0x2]  }
0x4: {  	s6 =	rddreg [dreg:$0x3]  }
0x5: {  	s0 =	rddreg [dreg:$0x4]  }
0x6: {  	s4 =	simm.s32 $0x0;
	s5 =	srdreg.scid;
	s12 =	simm.s32 $0x4  }
0x7: {  	s13 =	simm.s32 $0x0;
	[smem:$0x7FF] =	sst s4;
	s7 =	sand.u32 $0x1, s5  }
.Ltmp0:
0x8: {  	s5 =	stileid.u32;
	s8 =	ssub.s32 $0x2, s7;
	(pc) =	sbr.rel .LBB2_1-.Ltmp0, $4  }
0x9: {  	s6 =	sadd.s32 $0x2200, s6;
	s7 =	sshll.u32 s7, $0x4;
	s9 =	sshrl.u32 s8, $0x1  }
0xa: {  	v2 =	vlaneseq.u32;
	_ =	strace $0x80000047;
	s10 =	sor.u32 s5, s7;
	s11 =	ssub.s32 s8, s9  }
0xb: {  	vm0 =	vmmov $0xffff;
	v1 =	vshrl.u32 v2, $0x3;
	s7 =	sshll.u32 s10, $0x1;
	s31 =	sshll.u32 s10, $0x5;
	s9 =	sadd.s32 $0x100, s1  }
0xc: {  	v0 =	vand.u32 $0x7, v2;
	v2 =	vor.u32 $0x8, v2;
	v1 =	vmul.u32 $0x8, v1;
	s8 =	sadd.s32 s2, s31;
	s10 =	smax.u32 s11, $0x1;
	s11 =	simm.s32 $0x5  }
.LBB2_7:
0xd: {  	s14 =	sand.u32 $0x1, s15  }
0xe: {  	_ =	strace $0x80000054;
	s14 =	sadd.s32 $0x3, s14  }
0xf: {  	_ =	swait.ge [sflag:s14], $0x8000  }
0x10: {  	[sflag:s14] =	ssyncset.done $0x0  }
0x11: {  	s13 =	sadd.s32 $0x1, s13;
	[sflag:s14] =	ssyncadd.s32 $0xFFFF8000  }
0x12: {  	p0 =	sne.s32 s13, s10;
	_ =	strace $0x90000054  }
.Ltmp1:
0x13: {  	_ =	strace $0x80000055;
	(pc) =	sbr.rel @!p0 .LBB2_8-.Ltmp1, $4  }
0x14: {  	_ =	swait.ge [sflag:s12], $0x8000  }
0x15: {  	[sflag:s12] =	ssyncset.done $0x0  }
0x16: {  	[sflag:s12] =	ssyncadd.s32 $0xFFFF8000  }
0x17: {  	_ =	strace $0x90000055  }
.LBB2_1:
0x18: {  	_ =	strace $0x80000048  }
0x19: {  	p0 =	por $0x1, $0x1;
	p2 =	por $0x0, $0x0;
	s15 =	simm.s32 $0x0  }
0x1a: {  	s14 =	simm.s32 $0x0;
	s19 =	simm.s32 $0x0;
	s16 =	simm.s32 $0x0  }
0x1b: {  	[tilespmem:s4], [sflag:$0x1] =	stream.linear.gather [hbm4b:s8+s4], $0x80, $0x200038;
	[tilespmem:$0x10100] =	vst v63  }
0x1c: {  	s17 =	simm.s32 $0x1;
	s18 =	simm.s32 $0x0;
	_ =	strace $0x90000048  }
.LBB2_2:
0x1d: {  	s20 =	smov.u32 s15;
	s15 =	sadd.s32 $0x1, s15  }
0x1e: {  	p1 =	seq.s32 s15, $0x2  }
0x1f: {  	s15 =	simm.s32 @p1 $0x0  }
0x20: {  	p1 =	sne.s32 s20, s15  }
0x21: {  	p1 =	por !p0, !p1  }
0x22: {  	p1 =	por !p1, !p1  }
0x23: {  	s21 =	sadd.s32 @p1 s7, s15  }
0x24: {  	s22 =	sand.u32 @p1 $0x1, s17;
	s21 =	sshll.u32 @p1 s21, $0x4  }
0x25: {  	_ =	strace @p1 $0x80000049;
	s24 =	simm.s32 @p1 $0x0;
	s21 =	sand.u32 @p1 $0x1FFFFFF0, s21  }
0x26: {  	s23 =	sshll.u32 @p1 s22, $0x7;
	s22 =	sadd.s32 @p1 $0x1, s22;
	s21 =	sadd.s32 @p1 s2, s21  }
0x27: {  	[tilespmem:s23], [sflag:s22] =	stream.linear.gather @p1 [hbm4b:s21+s24], $0x80, $0x200038;
	[tilespmem:$0x10100] =	vst v63  }
0x28: {  	s26 =	sand.u32 $0x1, s16;
	_ =	strace @p1 $0x90000049  }
0x29: {  	s21 =	sadd.s32 $0x1, s26;
	_ =	strace $0x8000004A  }
0x2a: {  	_ =	swait.ge [sflag:s21], $0x80  }
0x2b: {  	[sflag:s21] =	ssyncset.done $0x0  }
0x2c: {  	[sflag:s21] =	ssyncadd.s32 $0xFFFFFF80  }
0x2d: {  	s28 =	sshll.u32 s16, $0x7;
	_ =	strace $0x9000004A  }
0x2e: {  	s24 =	sand.u32 $0x80, s28;
	_ =	strace $0x8000004B  }
0x2f: {  	v3 =	vld [tilespmem:s24+$0x0];
	_ =	sdelay $0x4  }
0x30: {  	v4 =	vshll.u32 v3, $0x2  }
0x31: {  	v3 =	vand.u32 $0x7, v3;
	v4 =	vand.u32 $0xFFFFFFE0, v4  }
0x32: {  	v3 =	vor.u32 v3, v4  }
0x33: {  	v4 =	vperm.xlane v3, v0;
	_ =	sdelay $0x1  }
0x34: {  	v3 =	vperm.xlane v3, v2;
	v4 =	vadd.s32 v1, v4;
	_ =	sdelay $0x1  }
0x35: {  	s21 =	sand.u32 $0x1, s19;
	v3 =	vadd.s32 v1, v3  }
0x36: {  	s23 =	sshll.u32 s21, $0xF  }
0x37: {  	s22 =	sor.u32 $0x100, s23  }
0x38: {  	[tilespmem:s22], [sflag:$0x5] =	stream.indirect_vreg.gather [hbm4b:s1+s4], $0x80, v4, vm0, $0x2000b8;
	[tilespmem:$0x10100] =	vst v63  }
0x39: {  	s25 =	sor.u32 $0x900, s23  }
0x3a: {  	[tilespmem:s25], [sflag:$0x5] =	stream.indirect_vreg.gather [hbm4b:s1+s4], $0x80, v3, vm0, $0x2000b8;
	[tilespmem:$0x10100] =	vst v63  }
0x3b: {  	v3 =	vld [tilespmem:s24+$0x10];
	_ =	sdelay $0x4  }
0x3c: {  	v57 =	vshll.u32 v3, $0x2  }
0x3d: {  	v3 =	vand.u32 $0x7, v3;
	v4 =	vand.u32 $0xFFFFFFE0, v57  }
0x3e: {  	v3 =	vor.u32 v3, v4  }
0x3f: {  	v4 =	vperm.xlane v3, v0;
	_ =	sdelay $0x1  }
0x40: {  	v3 =	vperm.xlane v3, v2;
	v4 =	vadd.s32 v1, v4;
	_ =	sdelay $0x1  }
0x41: {  	v3 =	vadd.s32 v1, v3;
	_ =	sdelay $0x1  }
0x42: {  	s29 =	sor.u32 $0x1100, s23  }
0x43: {  	[tilespmem:s29], [sflag:$0x5] =	stream.indirect_vreg.gather [hbm4b:s1+s4], $0x80, v4, vm0, $0x2000b8;
	[tilespmem:$0x10100] =	vst v63  }
0x44: {  	s30 =	sor.u32 $0x1900, s23  }
0x45: {  	[tilespmem:s30], [sflag:$0x5] =	stream.indirect_vreg.gather [hbm4b:s1+s4], $0x80, v3, vm0, $0x2000b8;
	[tilespmem:$0x10100] =	vst v63  }
0x46: {  	v3 =	vld [tilespmem:s24+$0x20];
	_ =	sdelay $0x4  }
0x47: {  	v58 =	vshll.u32 v3, $0x2  }
0x48: {  	v3 =	vand.u32 $0x7, v3;
	v4 =	vand.u32 $0xFFFFFFE0, v58  }
0x49: {  	v3 =	vor.u32 v3, v4  }
0x4a: {  	v4 =	vperm.xlane v3, v0;
	_ =	sdelay $0x1  }
0x4b: {  	v3 =	vperm.xlane v3, v2;
	v4 =	vadd.s32 v1, v4;
	_ =	sdelay $0x1  }
0x4c: {  	v3 =	vadd.s32 v1, v3;
	_ =	sdelay $0x1  }
0x4d: {  	s31 =	sor.u32 $0x2100, s23  }
0x4e: {  	[tilespmem:s31], [sflag:$0x5] =	stream.indirect_vreg.gather [hbm4b:s1+s4], $0x80, v4, vm0, $0x2000b8;
	[tilespmem:$0x10100] =	vst v63  }
0x4f: {  	s26 =	sor.u32 $0x2900, s23  }
0x50: {  	[tilespmem:s26], [sflag:$0x5] =	stream.indirect_vreg.gather [hbm4b:s1+s4], $0x80, v3, vm0, $0x2000b8;
	[tilespmem:$0x10100] =	vst v63  }
0x51: {  	v3 =	vld [tilespmem:s24+$0x30];
	_ =	sdelay $0x4  }
0x52: {  	v59 =	vshll.u32 v3, $0x2  }
0x53: {  	v3 =	vand.u32 $0x7, v3;
	v4 =	vand.u32 $0xFFFFFFE0, v59  }
0x54: {  	v3 =	vor.u32 v3, v4  }
0x55: {  	v4 =	vperm.xlane v3, v0;
	_ =	sdelay $0x1  }
0x56: {  	v3 =	vperm.xlane v3, v2;
	v4 =	vadd.s32 v1, v4;
	_ =	sdelay $0x1  }
0x57: {  	v3 =	vadd.s32 v1, v3;
	_ =	sdelay $0x1  }
0x58: {  	s28 =	sor.u32 $0x3100, s23  }
0x59: {  	[tilespmem:s28], [sflag:$0x5] =	stream.indirect_vreg.gather [hbm4b:s1+s4], $0x80, v4, vm0, $0x2000b8;
	[tilespmem:$0x10100] =	vst v63  }
0x5a: {  	s29 =	sor.u32 $0x3900, s23  }
0x5b: {  	[tilespmem:s29], [sflag:$0x5] =	stream.indirect_vreg.gather [hbm4b:s1+s4], $0x80, v3, vm0, $0x2000b8;
	[tilespmem:$0x10100] =	vst v63  }
0x5c: {  	v3 =	vld [tilespmem:s24+$0x40];
	_ =	sdelay $0x4  }
0x5d: {  	v60 =	vshll.u32 v3, $0x2  }
0x5e: {  	v3 =	vand.u32 $0x7, v3;
	v4 =	vand.u32 $0xFFFFFFE0, v60  }
0x5f: {  	v3 =	vor.u32 v3, v4  }
0x60: {  	v4 =	vperm.xlane v3, v0;
	_ =	sdelay $0x1  }
0x61: {  	v3 =	vperm.xlane v3, v2;
	v4 =	vadd.s32 v1, v4;
	_ =	sdelay $0x1  }
0x62: {  	v3 =	vadd.s32 v1, v3;
	_ =	sdelay $0x1  }
0x63: {  	s30 =	sor.u32 $0x4100, s23  }
0x64: {  	[tilespmem:s30], [sflag:$0x5] =	stream.indirect_vreg.gather [hbm4b:s1+s4], $0x80, v4, vm0, $0x2000b8;
	[tilespmem:$0x10100] =	vst v63  }
0x65: {  	s31 =	sor.u32 $0x4900, s23  }
0x66: {  	[tilespmem:s31], [sflag:$0x5] =	stream.indirect_vreg.gather [hbm4b:s1+s4], $0x80, v3, vm0, $0x2000b8;
	[tilespmem:$0x10100] =	vst v63  }
0x67: {  	v3 =	vld [tilespmem:s24+$0x50];
	_ =	sdelay $0x4  }
0x68: {  	v61 =	vshll.u32 v3, $0x2  }
0x69: {  	v3 =	vand.u32 $0x7, v3;
	v4 =	vand.u32 $0xFFFFFFE0, v61  }
0x6a: {  	v3 =	vor.u32 v3, v4  }
0x6b: {  	v4 =	vperm.xlane v3, v0;
	_ =	sdelay $0x1  }
0x6c: {  	v3 =	vperm.xlane v3, v2;
	v4 =	vadd.s32 v1, v4;
	_ =	sdelay $0x1  }
0x6d: {  	v3 =	vadd.s32 v1, v3;
	_ =	sdelay $0x1  }
0x6e: {  	s26 =	sor.u32 $0x5100, s23  }
0x6f: {  	[tilespmem:s26], [sflag:$0x5] =	stream.indirect_vreg.gather [hbm4b:s1+s4], $0x80, v4, vm0, $0x2000b8;
	[tilespmem:$0x10100] =	vst v63  }
0x70: {  	s28 =	sor.u32 $0x5900, s23  }
0x71: {  	[tilespmem:s28], [sflag:$0x5] =	stream.indirect_vreg.gather [hbm4b:s1+s4], $0x80, v3, vm0, $0x2000b8;
	[tilespmem:$0x10100] =	vst v63  }
0x72: {  	v3 =	vld [tilespmem:s24+$0x60];
	_ =	sdelay $0x4  }
0x73: {  	v62 =	vshll.u32 v3, $0x2  }
0x74: {  	v3 =	vand.u32 $0x7, v3;
	v4 =	vand.u32 $0xFFFFFFE0, v62  }
0x75: {  	v3 =	vor.u32 v3, v4  }
0x76: {  	v4 =	vperm.xlane v3, v0;
	_ =	sdelay $0x1  }
0x77: {  	v3 =	vperm.xlane v3, v2;
	v4 =	vadd.s32 v1, v4;
	_ =	sdelay $0x1  }
0x78: {  	v3 =	vadd.s32 v1, v3;
	_ =	sdelay $0x1  }
0x79: {  	s29 =	sor.u32 $0x6100, s23  }
0x7a: {  	[tilespmem:s29], [sflag:$0x5] =	stream.indirect_vreg.gather [hbm4b:s1+s4], $0x80, v4, vm0, $0x2000b8;
	[tilespmem:$0x10100] =	vst v63  }
0x7b: {  	s30 =	sor.u32 $0x6900, s23  }
0x7c: {  	[tilespmem:s30], [sflag:$0x5] =	stream.indirect_vreg.gather [hbm4b:s1+s4], $0x80, v3, vm0, $0x2000b8;
	[tilespmem:$0x10100] =	vst v63  }
0x7d: {  	v3 =	vld [tilespmem:s24+$0x70];
	_ =	sdelay $0x4  }
0x7e: {  	v63 =	vshll.u32 v3, $0x2  }
0x7f: {  	v3 =	vand.u32 $0x7, v3;
	v4 =	vand.u32 $0xFFFFFFE0, v63  }
0x80: {  	v3 =	vor.u32 v3, v4  }
0x81: {  	v4 =	vperm.xlane v3, v0;
	_ =	sdelay $0x1  }
0x82: {  	v3 =	vperm.xlane v3, v2;
	v4 =	vadd.s32 v1, v4;
	_ =	sdelay $0x1  }
0x83: {  	v3 =	vadd.s32 v1, v3;
	_ =	sdelay $0x1  }
0x84: {  	p2 =	por !p2, !p2;
	p3 =	seq.s32 s20, s15;
	s31 =	sor.u32 $0x7100, s23  }
0x85: {  	[tilespmem:s31], [sflag:$0x5] =	stream.indirect_vreg.gather [hbm4b:s1+s4], $0x80, v4, vm0, $0x2000b8;
	[tilespmem:$0x10100] =	vst v63  }
0x86: {  	p2 =	por !p2, !p3;
	s23 =	sor.u32 $0x7900, s23  }
0x87: {  	[tilespmem:s23], [sflag:$0x5] =	stream.indirect_vreg.gather [hbm4b:s1+s4], $0x80, v3, vm0, $0x2000b8;
	[tilespmem:$0x10100] =	vst v63  }
0x88: {  	s20 =	sadd.s32 s7, s20;
	p2 =	por !p2, !p2;
	_ =	swait.ge [sflag:s11], $0x8000  }
0x89: {  	s20 =	sshll.u32 @!p2 s20, $0xC;
	p0 =	por p2, p0;
	[sflag:s11] =	ssyncset.done $0x0  }
.Ltmp2:
0x8a: {  	s20 =	sand.u32 @!p2 $0x1FFFF000, s20;
	[sflag:s11] =	ssyncadd.s32 $0xFFFF8000;
	(pc) =	sbr.rel @!p0 .LBB2_4-.Ltmp2, $4  }
0x8b: {  	s20 =	sadd.s32 @!p2 s3, s20;
	_ =	strace $0x9000004B  }
0x8c: {  	s21 =	sadd.s32 @!p2 $0x3, s21;
	s23 =	simm.s32 @!p2 $0x0;
	_ =	strace @!p2 $0x8000004C  }
0x8d: {  	[hbm4b:s20+s23] =	stream.linear.scatter @!p2 [tilespmem:s22], [sflag:s21], $0x8000, $0x200038;
	[tilespmem:$0x10100] =	vst v63  }
0x8e: {  	_ =	strace @!p2 $0x9000004C  }
.Ltmp3:
0x8f: {  	s20 =	simm.s32 $0x1;
	(pc) =	sbr.rel .LBB2_2-.Ltmp3, $4  }
0x90: {  	s21 =	simm.s32 @!p2 $0x1;
	s14 =	sadd.s32 s18, s14;
	s20 =	simm.s32 @!p1 $0x0  }
0x91: {  	s18 =	simm.s32 $0x1;
	s17 =	sadd.s32 s20, s17;
	s20 =	sadd.s32 @!p2 $0x1, s19  }
0x92: {  	p0 =	por $0x0, $0x0;
	s21 =	simm.s32 @p2 $0x0;
	s20 =	smov.u32 @p2 s19  }
0x93: {  	s16 =	sadd.s32 s16, s21;
	p2 =	por $0x1, $0x1;
	s19 =	smov.u32 s20  }
.LBB2_4:
0x94: {  	s14 =	sand.u32 $0x1, s14  }
0x95: {  	_ =	strace $0x8000004D;
	s14 =	sadd.s32 $0x3, s14  }
0x96: {  	_ =	swait.ge [sflag:s14], $0x8000  }
0x97: {  	[sflag:s14] =	ssyncset.done $0x0  }
0x98: {  	[sflag:s14] =	ssyncadd.s32 $0xFFFF8000  }
0x99: {  	_ =	strace $0x9000004D  }
0x9a: {  	_ =	strace $0x8000004E  }
0x9b: {  	_ =	swait.ge [sflag:s12], $0x8000  }
0x9c: {  	[sflag:s12] =	ssyncset.done $0x0  }
0x9d: {  	p0 =	por $0x1, $0x1;
	p2 =	por $0x0, $0x0;
	[sflag:s12] =	ssyncadd.s32 $0xFFFF8000  }
0x9e: {  	s16 =	simm.s32 $0x1;
	s15 =	simm.s32 $0x0;
	_ =	strace $0x9000004E  }
0x9f: {  	s19 =	simm.s32 $0x0;
	s14 =	simm.s32 $0x0;
	_ =	strace $0x8000004F  }
0xa0: {  	[tilespmem:s14], [sflag:$0x1] =	stream.linear.gather [hbm4b:s8+s14], $0x80, $0x200038;
	[tilespmem:$0x10100] =	vst v63  }
0xa1: {  	s17 =	simm.s32 $0x0;
	s18 =	simm.s32 $0x0;
	_ =	strace $0x9000004F  }
.LBB2_5:
0xa2: {  	s20 =	smov.u32 s14;
	s14 =	sadd.s32 $0x1, s14  }
0xa3: {  	p1 =	seq.s32 s14, $0x2  }
0xa4: {  	s14 =	simm.s32 @p1 $0x0  }
0xa5: {  	p1 =	sne.s32 s20, s14  }
0xa6: {  	p1 =	por !p0, !p1  }
0xa7: {  	p1 =	por !p1, !p1  }
0xa8: {  	s21 =	sadd.s32 @p1 s7, s14  }
0xa9: {  	s22 =	sand.u32 @p1 $0x1, s16;
	s21 =	sshll.u32 @p1 s21, $0x4  }
0xaa: {  	_ =	strace @p1 $0x80000050;
	s24 =	simm.s32 @p1 $0x0;
	s21 =	sand.u32 @p1 $0x1FFFFFF0, s21  }
0xab: {  	s23 =	sshll.u32 @p1 s22, $0x7;
	s22 =	sadd.s32 @p1 $0x1, s22;
	s21 =	sadd.s32 @p1 s2, s21  }
0xac: {  	[tilespmem:s23], [sflag:s22] =	stream.linear.gather @p1 [hbm4b:s21+s24], $0x80, $0x200038;
	[tilespmem:$0x10100] =	vst v63  }
0xad: {  	s26 =	sand.u32 $0x1, s17;
	_ =	strace @p1 $0x90000050  }
0xae: {  	s21 =	sadd.s32 $0x1, s26;
	_ =	strace $0x80000051  }
0xaf: {  	_ =	swait.ge [sflag:s21], $0x80  }
0xb0: {  	[sflag:s21] =	ssyncset.done $0x0  }
0xb1: {  	[sflag:s21] =	ssyncadd.s32 $0xFFFFFF80  }
0xb2: {  	s28 =	sshll.u32 s17, $0x7;
	_ =	strace $0x90000051  }
0xb3: {  	s24 =	sand.u32 $0x80, s28;
	_ =	strace $0x80000052  }
0xb4: {  	v3 =	vld [tilespmem:s24+$0x0];
	_ =	sdelay $0x4  }
0xb5: {  	v4 =	vshll.u32 v3, $0x2  }
0xb6: {  	v3 =	vand.u32 $0x7, v3;
	v4 =	vand.u32 $0xFFFFFFE0, v4  }
0xb7: {  	v3 =	vor.u32 v3, v4  }
0xb8: {  	v4 =	vperm.xlane v3, v0;
	_ =	sdelay $0x1  }
0xb9: {  	v3 =	vperm.xlane v3, v2;
	v4 =	vadd.s32 v1, v4;
	_ =	sdelay $0x1  }
0xba: {  	s21 =	sand.u32 $0x1, s19;
	v3 =	vadd.s32 v1, v3  }
0xbb: {  	s23 =	sshll.u32 s21, $0xF  }
0xbc: {  	s22 =	sor.u32 $0x100, s23  }
0xbd: {  	[tilespmem:s22], [sflag:$0x5] =	stream.indirect_vreg.gather [hbm4b:s9+s4], $0x80, v4, vm0, $0x2000b8;
	[tilespmem:$0x10100] =	vst v63  }
0xbe: {  	s25 =	sor.u32 $0x900, s23  }
0xbf: {  	[tilespmem:s25], [sflag:$0x5] =	stream.indirect_vreg.gather [hbm4b:s9+s4], $0x80, v3, vm0, $0x2000b8;
	[tilespmem:$0x10100] =	vst v63  }
0xc0: {  	v3 =	vld [tilespmem:s24+$0x10];
	_ =	sdelay $0x4  }
0xc1: {  	v57 =	vshll.u32 v3, $0x2  }
0xc2: {  	v3 =	vand.u32 $0x7, v3;
	v4 =	vand.u32 $0xFFFFFFE0, v57  }
0xc3: {  	v3 =	vor.u32 v3, v4  }
0xc4: {  	v4 =	vperm.xlane v3, v0;
	_ =	sdelay $0x1  }
0xc5: {  	v3 =	vperm.xlane v3, v2;
	v4 =	vadd.s32 v1, v4;
	_ =	sdelay $0x1  }
0xc6: {  	v3 =	vadd.s32 v1, v3;
	_ =	sdelay $0x1  }
0xc7: {  	s29 =	sor.u32 $0x1100, s23  }
0xc8: {  	[tilespmem:s29], [sflag:$0x5] =	stream.indirect_vreg.gather [hbm4b:s9+s4], $0x80, v4, vm0, $0x2000b8;
	[tilespmem:$0x10100] =	vst v63  }
0xc9: {  	s30 =	sor.u32 $0x1900, s23  }
0xca: {  	[tilespmem:s30], [sflag:$0x5] =	stream.indirect_vreg.gather [hbm4b:s9+s4], $0x80, v3, vm0, $0x2000b8;
	[tilespmem:$0x10100] =	vst v63  }
0xcb: {  	v3 =	vld [tilespmem:s24+$0x20];
	_ =	sdelay $0x4  }
0xcc: {  	v58 =	vshll.u32 v3, $0x2  }
0xcd: {  	v3 =	vand.u32 $0x7, v3;
	v4 =	vand.u32 $0xFFFFFFE0, v58  }
0xce: {  	v3 =	vor.u32 v3, v4  }
0xcf: {  	v4 =	vperm.xlane v3, v0;
	_ =	sdelay $0x1  }
0xd0: {  	v3 =	vperm.xlane v3, v2;
	v4 =	vadd.s32 v1, v4;
	_ =	sdelay $0x1  }
0xd1: {  	v3 =	vadd.s32 v1, v3;
	_ =	sdelay $0x1  }
0xd2: {  	s31 =	sor.u32 $0x2100, s23  }
0xd3: {  	[tilespmem:s31], [sflag:$0x5] =	stream.indirect_vreg.gather [hbm4b:s9+s4], $0x80, v4, vm0, $0x2000b8;
	[tilespmem:$0x10100] =	vst v63  }
0xd4: {  	s26 =	sor.u32 $0x2900, s23  }
0xd5: {  	[tilespmem:s26], [sflag:$0x5] =	stream.indirect_vreg.gather [hbm4b:s9+s4], $0x80, v3, vm0, $0x2000b8;
	[tilespmem:$0x10100] =	vst v63  }
0xd6: {  	v3 =	vld [tilespmem:s24+$0x30];
	_ =	sdelay $0x4  }
0xd7: {  	v59 =	vshll.u32 v3, $0x2  }
0xd8: {  	v3 =	vand.u32 $0x7, v3;
	v4 =	vand.u32 $0xFFFFFFE0, v59  }
0xd9: {  	v3 =	vor.u32 v3, v4  }
0xda: {  	v4 =	vperm.xlane v3, v0;
	_ =	sdelay $0x1  }
0xdb: {  	v3 =	vperm.xlane v3, v2;
	v4 =	vadd.s32 v1, v4;
	_ =	sdelay $0x1  }
0xdc: {  	v3 =	vadd.s32 v1, v3;
	_ =	sdelay $0x1  }
0xdd: {  	s28 =	sor.u32 $0x3100, s23  }
0xde: {  	[tilespmem:s28], [sflag:$0x5] =	stream.indirect_vreg.gather [hbm4b:s9+s4], $0x80, v4, vm0, $0x2000b8;
	[tilespmem:$0x10100] =	vst v63  }
0xdf: {  	s29 =	sor.u32 $0x3900, s23  }
0xe0: {  	[tilespmem:s29], [sflag:$0x5] =	stream.indirect_vreg.gather [hbm4b:s9+s4], $0x80, v3, vm0, $0x2000b8;
	[tilespmem:$0x10100] =	vst v63  }
0xe1: {  	v3 =	vld [tilespmem:s24+$0x40];
	_ =	sdelay $0x4  }
0xe2: {  	v60 =	vshll.u32 v3, $0x2  }
0xe3: {  	v3 =	vand.u32 $0x7, v3;
	v4 =	vand.u32 $0xFFFFFFE0, v60  }
0xe4: {  	v3 =	vor.u32 v3, v4  }
0xe5: {  	v4 =	vperm.xlane v3, v0;
	_ =	sdelay $0x1  }
0xe6: {  	v3 =	vperm.xlane v3, v2;
	v4 =	vadd.s32 v1, v4;
	_ =	sdelay $0x1  }
0xe7: {  	v3 =	vadd.s32 v1, v3;
	_ =	sdelay $0x1  }
0xe8: {  	s30 =	sor.u32 $0x4100, s23  }
0xe9: {  	[tilespmem:s30], [sflag:$0x5] =	stream.indirect_vreg.gather [hbm4b:s9+s4], $0x80, v4, vm0, $0x2000b8;
	[tilespmem:$0x10100] =	vst v63  }
0xea: {  	s31 =	sor.u32 $0x4900, s23  }
0xeb: {  	[tilespmem:s31], [sflag:$0x5] =	stream.indirect_vreg.gather [hbm4b:s9+s4], $0x80, v3, vm0, $0x2000b8;
	[tilespmem:$0x10100] =	vst v63  }
0xec: {  	v3 =	vld [tilespmem:s24+$0x50];
	_ =	sdelay $0x4  }
0xed: {  	v61 =	vshll.u32 v3, $0x2  }
0xee: {  	v3 =	vand.u32 $0x7, v3;
	v4 =	vand.u32 $0xFFFFFFE0, v61  }
0xef: {  	v3 =	vor.u32 v3, v4  }
0xf0: {  	v4 =	vperm.xlane v3, v0;
	_ =	sdelay $0x1  }
0xf1: {  	v3 =	vperm.xlane v3, v2;
	v4 =	vadd.s32 v1, v4;
	_ =	sdelay $0x1  }
0xf2: {  	v3 =	vadd.s32 v1, v3;
	_ =	sdelay $0x1  }
0xf3: {  	s26 =	sor.u32 $0x5100, s23  }
0xf4: {  	[tilespmem:s26], [sflag:$0x5] =	stream.indirect_vreg.gather [hbm4b:s9+s4], $0x80, v4, vm0, $0x2000b8;
	[tilespmem:$0x10100] =	vst v63  }
0xf5: {  	s28 =	sor.u32 $0x5900, s23  }
0xf6: {  	[tilespmem:s28], [sflag:$0x5] =	stream.indirect_vreg.gather [hbm4b:s9+s4], $0x80, v3, vm0, $0x2000b8;
	[tilespmem:$0x10100] =	vst v63  }
0xf7: {  	v3 =	vld [tilespmem:s24+$0x60];
	_ =	sdelay $0x4  }
0xf8: {  	v62 =	vshll.u32 v3, $0x2  }
0xf9: {  	v3 =	vand.u32 $0x7, v3;
	v4 =	vand.u32 $0xFFFFFFE0, v62  }
0xfa: {  	v3 =	vor.u32 v3, v4  }
0xfb: {  	v4 =	vperm.xlane v3, v0;
	_ =	sdelay $0x1  }
0xfc: {  	v3 =	vperm.xlane v3, v2;
	v4 =	vadd.s32 v1, v4;
	_ =	sdelay $0x1  }
0xfd: {  	v3 =	vadd.s32 v1, v3;
	_ =	sdelay $0x1  }
0xfe: {  	s29 =	sor.u32 $0x6100, s23  }
0xff: {  	[tilespmem:s29], [sflag:$0x5] =	stream.indirect_vreg.gather [hbm4b:s9+s4], $0x80, v4, vm0, $0x2000b8;
	[tilespmem:$0x10100] =	vst v63  }
0x100: {  	s30 =	sor.u32 $0x6900, s23  }
0x101: {  	[tilespmem:s30], [sflag:$0x5] =	stream.indirect_vreg.gather [hbm4b:s9+s4], $0x80, v3, vm0, $0x2000b8;
	[tilespmem:$0x10100] =	vst v63  }
0x102: {  	v3 =	vld [tilespmem:s24+$0x70];
	_ =	sdelay $0x4  }
0x103: {  	v63 =	vshll.u32 v3, $0x2  }
0x104: {  	v3 =	vand.u32 $0x7, v3;
	v4 =	vand.u32 $0xFFFFFFE0, v63  }
0x105: {  	v3 =	vor.u32 v3, v4  }
0x106: {  	v4 =	vperm.xlane v3, v0;
	_ =	sdelay $0x1  }
0x107: {  	v3 =	vperm.xlane v3, v2;
	v4 =	vadd.s32 v1, v4;
	_ =	sdelay $0x1  }
0x108: {  	v3 =	vadd.s32 v1, v3;
	_ =	sdelay $0x1  }
0x109: {  	p2 =	por !p2, !p2;
	p3 =	seq.s32 s20, s14;
	s31 =	sor.u32 $0x7100, s23  }
0x10a: {  	[tilespmem:s31], [sflag:$0x5] =	stream.indirect_vreg.gather [hbm4b:s9+s4], $0x80, v4, vm0, $0x2000b8;
	[tilespmem:$0x10100] =	vst v63  }
0x10b: {  	p2 =	por !p2, !p3;
	s23 =	sor.u32 $0x7900, s23  }
0x10c: {  	[tilespmem:s23], [sflag:$0x5] =	stream.indirect_vreg.gather [hbm4b:s9+s4], $0x80, v3, vm0, $0x2000b8;
	[tilespmem:$0x10100] =	vst v63  }
0x10d: {  	s20 =	sadd.s32 s7, s20;
	p2 =	por !p2, !p2;
	_ =	swait.ge [sflag:s11], $0x8000  }
0x10e: {  	s20 =	sshll.u32 @!p2 s20, $0xC;
	p0 =	por p2, p0;
	[sflag:s11] =	ssyncset.done $0x0  }
.Ltmp4:
0x10f: {  	s20 =	sand.u32 @!p2 $0x1FFFF000, s20;
	[sflag:s11] =	ssyncadd.s32 $0xFFFF8000;
	(pc) =	sbr.rel @!p0 .LBB2_7-.Ltmp4, $4  }
0x110: {  	s20 =	sadd.s32 @!p2 s6, s20;
	_ =	strace $0x90000052  }
0x111: {  	s21 =	sadd.s32 @!p2 $0x3, s21;
	s23 =	simm.s32 @!p2 $0x0;
	_ =	strace @!p2 $0x80000053  }
0x112: {  	[hbm4b:s20+s23] =	stream.linear.scatter @!p2 [tilespmem:s22], [sflag:s21], $0x8000, $0x200038;
	[tilespmem:$0x10100] =	vst v63  }
0x113: {  	_ =	strace @!p2 $0x90000053  }
.Ltmp5:
0x114: {  	s20 =	simm.s32 $0x1;
	(pc) =	sbr.rel .LBB2_5-.Ltmp5, $4  }
0x115: {  	s21 =	simm.s32 @!p2 $0x1;
	s15 =	sadd.s32 s18, s15;
	s20 =	simm.s32 @!p1 $0x0  }
0x116: {  	s18 =	simm.s32 $0x1;
	s16 =	sadd.s32 s20, s16;
	s20 =	sadd.s32 @!p2 $0x1, s19  }
0x117: {  	p0 =	por $0x0, $0x0;
	s21 =	simm.s32 @p2 $0x0;
	s20 =	smov.u32 @p2 s19  }
0x118: {  	s17 =	sadd.s32 s17, s21;
	p2 =	por $0x1, $0x1;
	s19 =	smov.u32 s20  }
.LBB2_8:
0x119: {  	_ =	sfence.sel $0x180000  }
0x11a: {  	[bflag:$0x0] =	sbarrier.arrive $0xFFFF  }
0x11b: {  	p0 =	sne.s32 s5, $0x0;
	_ =	strace $0x90000047  }
0x11c: {  	s0 =	sadd.s32 @!p0 $0x100000, s0;
	[bflag:$0x2] =	sbarrier.arrive $0xFFFF  }
0x11d: {  	[sflag:s0] =	ssyncadd.tile.s32 @!p0 $0x1;
	_ =	shalt  }
.Lfunc_end2:
_tile_overlayer_lowered:
.L_overlay_start_2:
0x11e: {  	(tag) =	ssettag $0x2  }
0x11f: {  	s0 =	rddreg [dreg:$0x0];
	s2 =	stileid.u32  }
0x120: {  	s1 =	rddreg [dreg:$0x1];
	p0 =	sne.s32 s2, $0x0  }
0x121: {  	s3 =	rddreg [dreg:$0x2];
	[bflag:$0x3] =	sbarrier.arrive $0xFFFF;
	s2 =	simm.s32 @!p0 $0x1C01  }
0x122: {  	[timem:s3], [sflag:s2] =	dma.local @!p0 [hbm:s0], s1  }
0x123: {  	s0 =	simm.s32 @!p0 $0x1  }
0x124: {  	_ =	swait.ge @!p0 [sflag:s0], s1  }
0x125: {  	s1 =	ssub.s32 @!p0 $0x0, s1;
	[sflag:s0] =	ssyncset.done @!p0 $0x0  }
0x126: {  	[sflag:s0] =	ssyncadd.s32 @!p0 s1  }
0x127: {  	[bflag:$0x3] =	sbarrier.arrive $0xFFFF  }
0x128: {  	_ =	shalt  }

// kernel: kernel.8.cloned.1.call-start
scs
__scs_entry_jumppad:
0x0: {  	(pc) =	sbr.rel $0x88, $3  }
0x1: {  	(tag) =	ssettag $0x0;
	lr =	simm.s32 $0x1  }
0x2: {  	[smem:$0x3F9B] =	sst lr;
	_ =	strace $0xD0000000  }
0x3: {  	_ = 	snop  }
0x4: {  	_ = 	snop  }
0x5: {  	_ = 	snop  }
0x6: {  	_ = 	snop  }
0x7: {  	_ = 	snop  }
__scs_overlays_trampoline_lowered:
0x8: {  	[smem:$0x3FAA] =	sst s0  }
0x9: {  	[smem:$0x3FAB] =	sst s1  }
0xa: {  	[smem:$0x3FAC] =	sst s2  }
0xb: {  	[smem:$0x3FAD] =	sst s3  }
0xc: {  	[smem:$0x3FAE] =	sst s4  }
0xd: {  	[smem:$0x3FAF] =	sst s5  }
0xe: {  	[smem:$0x3FB0] =	sst s6  }
0xf: {  	[smem:$0x3FB1] =	sst s7  }
0x10: {  	[smem:$0x3FB2] =	sst s8  }
0x11: {  	[smem:$0x3FB3] =	sst s9;
	s0 =	simm.s32 @!p0 $0x0  }
0x12: {  	s1 =	sld [smem:$0x3F99];
	s0 =	simm.s32 @p0 $0x1  }
0x13: {  	[smem:$0x3FB4] =	sst s0;
	s0 =	simm.s32 @!p1 $0x0  }
0x14: {  	s2 =	sld [smem:$0x3F98];
	s0 =	simm.s32 @p1 $0x1  }
0x15: {  	[smem:$0x3FB5] =	sst s0;
	s0 =	simm.s32 @!p2 $0x0  }
0x16: {  	s3 =	sld [smem:$0x3FDB];
	s0 =	simm.s32 @p2 $0x1  }
0x17: {  	s4 =	simm.s32 $0x1BF5;
	[smem:$0x3FB7] =	sst s0  }
0x18: {  	s0 =	sld [smem:$0x3F9A];
	_ =	swait.ge [sflag:s4], $0x0  }
0x19: {  	s7 =	sld [smem:$0x3F9B]  }
0x1a: {  	s8 =	sadd.s32 $0xFFFFE003, lr  }
0x1b: {  	s9 =	sadd.s32 $0xFFFFFEF7, lr;
	s5 =	simm.s32 $0xFFFFFFFF;
	p2 =	slt.u32 s8, $0xFFFFF086  }
0x1c: {  	p1 =	slt.u32 s9, $0xF7A;
	s5 =	simm.s32 @!p2 $0x0  }
0x1d: {  	s5 =	simm.s32 @p1 $0x1;
	p0 =	seq.s32 s7, s2  }
0x1e: {  	s7 =	smul.u32 @!p0 $0xF7A, s2;
	p2 =	seq.s32 @!p0 s5, $0x0  }
0x1f: {  	s9 =	smul.u32 $0xF7A, s1;
	s8 =	simm.s32 @!p0 $0x1BF5;
	p2 =	por !p2, p0  }
0x20: {  	[sflag:s8] =	ssyncset.s32 @!p0 $0xFFFFF086;
	s6 =	sadd.s32 @!p0 s3, s7;
	s7 =	simm.s32 @!p0 $0x108  }
0x21: {  	s3 =	sadd.s32 s3, s9;
	s6 =	sadd.s32 @!p0 $0x88, s6;
	s7 =	simm.s32 @p2 $0x1082  }
0x22: {  	[simem:s7], [sflag:s8] =	dma.local @!p0 [hbm:s6], $0xF7A  }
0x23: {  	s9 =	sor.u32 $0xD0000000, s2;
	s6 =	simm.s32 $0x108;
	_ =	swait.ge @!p0 [sflag:s8], $0x0  }
0x24: {  	s3 =	sadd.s32 $0x88, s3;
	s6 =	simm.s32 @!p1 $0x1082;
	[sflag:s4] =	ssyncset.s32 $0xFFFFF086  }
0x25: {  	[simem:s6], [sflag:s4] =	dma.local [hbm:s3], $0xF7A  }
0x26: {  	[smem:$0x3F9B] =	sst s1;
	(tag) =	ssettag s2;
	_ =	strace s9  }
0x27: {  	s1 =	sld [smem:$0x3FAB]  }
0x28: {  	s2 =	sld [smem:$0x3FAC]  }
0x29: {  	s4 =	sld [smem:$0x3FAE]  }
0x2a: {  	p0 =	seq.s32 s5, $0x0;
	s5 =	sld [smem:$0x3FAF]  }
0x2b: {  	s6 =	sld [smem:$0x3FB0]  }
0x2c: {  	s7 =	sld [smem:$0x3FB1]  }
0x2d: {  	s3 =	simm.s32 $0x108;
	s8 =	sld [smem:$0x3FB2]  }
0x2e: {  	s3 =	simm.s32 @!p0 $0x1082;
	s9 =	sld [smem:$0x3FB3]  }
0x2f: {  	lr =	sadd.s32 s0, s3;
	s0 =	sld [smem:$0x3FAA]  }
0x30: {  	s3 =	sld [smem:$0x3FAD]  }
0x31: {  	[smem:$0x3FB6] =	sst s10  }
0x32: {  	s10 =	sld [smem:$0x3FB4];
	_ =	sdelay $0x3  }
0x33: {  	p0 =	seq.s32 s10, $0x1;
	s10 =	sld [smem:$0x3FB6];
	_ =	sdelay $0x3  }
0x34: {  	[smem:$0x3FB6] =	sst s10  }
0x35: {  	s10 =	sld [smem:$0x3FB5];
	_ =	sdelay $0x3  }
0x36: {  	p1 =	seq.s32 s10, $0x1;
	s10 =	sld [smem:$0x3FB6];
	_ =	sdelay $0x3  }
0x37: {  	[smem:$0x3FB6] =	sst s10  }
0x38: {  	s10 =	sld [smem:$0x3FB7]  }
0x39: {  	_ = 	snop;
	(pc) =	sbr.ind lr, $3  }
0x3a: {  	_ = 	snop  }
0x3b: {  	_ = 	snop  }
0x3c: {  	p2 =	seq.s32 s10, $0x1;
	s10 =	sld [smem:$0x3FB6]  }
0x3d: {  	_ =	shalt  }
0x3e: {  	_ =	shalt  }
0x3f: {  	_ =	shalt  }
0x40: {  	_ =	shalt  }
0x41: {  	_ =	shalt  }
0x42: {  	_ =	shalt  }
0x43: {  	_ =	shalt  }
0x44: {  	_ =	shalt  }
0x45: {  	_ =	shalt  }
0x46: {  	_ =	shalt  }
0x47: {  	_ =	shalt  }
0x48: {  	_ =	shalt  }
0x49: {  	_ =	shalt  }
0x4a: {  	_ =	shalt  }
0x4b: {  	_ =	shalt  }
0x4c: {  	_ =	shalt  }
0x4d: {  	_ =	shalt  }
0x4e: {  	_ =	shalt  }
0x4f: {  	_ =	shalt  }
0x50: {  	_ =	shalt  }
0x51: {  	_ =	shalt  }
0x52: {  	_ =	shalt  }
0x53: {  	_ =	shalt  }
0x54: {  	_ =	shalt  }
0x55: {  	_ =	shalt  }
0x56: {  	_ =	shalt  }
0x57: {  	_ =	shalt  }
0x58: {  	_ =	shalt  }
0x59: {  	_ =	shalt  }
0x5a: {  	_ =	shalt  }
0x5b: {  	_ =	shalt  }
0x5c: {  	_ =	shalt  }
0x5d: {  	_ =	shalt  }
0x5e: {  	_ =	shalt  }
0x5f: {  	_ =	shalt  }
0x60: {  	_ =	shalt  }
0x61: {  	_ =	shalt  }
0x62: {  	_ =	shalt  }
0x63: {  	_ =	shalt  }
0x64: {  	_ =	shalt  }
0x65: {  	_ =	shalt  }
0x66: {  	_ =	shalt  }
0x67: {  	_ =	shalt  }
0x68: {  	_ =	shalt  }
0x69: {  	_ =	shalt  }
0x6a: {  	_ =	shalt  }
0x6b: {  	_ =	shalt  }
0x6c: {  	_ =	shalt  }
0x6d: {  	_ =	shalt  }
0x6e: {  	_ =	shalt  }
0x6f: {  	_ =	shalt  }
0x70: {  	_ =	shalt  }
0x71: {  	_ =	shalt  }
0x72: {  	_ =	shalt  }
0x73: {  	_ =	shalt  }
0x74: {  	_ =	shalt  }
0x75: {  	_ =	shalt  }
0x76: {  	_ =	shalt  }
0x77: {  	_ =	shalt  }
0x78: {  	_ =	shalt  }
0x79: {  	_ =	shalt  }
0x7a: {  	_ =	shalt  }
0x7b: {  	_ =	shalt  }
0x7c: {  	_ =	shalt  }
0x7d: {  	_ =	shalt  }
0x7e: {  	_ =	shalt  }
0x7f: {  	_ =	shalt  }
0x80: {  	_ =	shalt  }
0x81: {  	_ =	shalt  }
0x82: {  	_ =	shalt  }
0x83: {  	_ =	shalt  }
0x84: {  	_ =	shalt  }
0x85: {  	_ =	shalt  }
0x86: {  	_ =	shalt  }
0x87: {  	_ =	shalt  }
.Lfunc_end0:
.L_simem_size_0:
called_computation_lowered:
.L_overlay_start_0:
0x88: {  	s2 =	sld [smem:$0x3FD9]  }
0x89: {  	s3 =	sld [smem:$0x3FFE];
	_ =	sdelay $0x1  }
0x8a: {  	s1 =	srdreg.scid  }
0x8b: {  	s0 =	sand.u32 $0x1, s1  }
0x8c: {  	s15 =	sshll.u32 s0, $0xA;
	s2 =	sadd.s32 s3, s2  }
0x8d: {  	s2 =	sadd.s32 s2, s15  }
0x8e: {  	[smem:$0x3FC2] =	sst s2  }
0x8f: {  	_ = 	snop  }
0x90: {  	s16 =	sld [smem:$0x3FD0];
	_ =	sdelay $0x2  }
0x91: {  	s5 =	simm.s32 $0xB;
	s4 =	simm.s32 $0x10;
	s2 =	sld [smem:$0x3FC5]  }
0x92: {  	[smem:s4], [sflag:s5] =	dma.local [hbm:s16], $0x1  }
0x93: {  	_ =	swait.eq [sflag:s5], $0x1  }
0x94: {  	[sflag:s5] =	ssyncset.done $0x0  }
0x95: {  	s17 =	sld [smem:$0x10];
	[sflag:s5] =	ssyncadd.s32 $0xFFFFFFFF  }
0x96: {  	s18 =	sld [smem:$0x13];
	(tm) =	ssettm $0x1  }
0x97: {  	s19 =	sld [smem:$0x3FFB];
	_ =	sdelay $0x3  }
0x98: {  	_ =	strace s19  }
0x99: {  	s3 =	sld [smem:$0x3FFC];
	_ =	sdelay $0x3  }
0x9a: {  	_ =	strace s3  }
0x9b: {  	s3 =	sld [smem:$0x3FFD];
	_ =	sdelay $0x3  }
0x9c: {  	_ =	strace s3  }
0x9d: {  	_ =	strace $0x8FFFFFFF  }
0x9e: {  	s20 =	sld [smem:$0x3FDB];
	_ =	sdelay $0x1  }
0x9f: {  	s6 =	simm.s32 $_scs_section_size  }
0xa0: {  	s7 =	simm.s32 $_size__tile_overlayer_lowered;
	s8 =	simm.s32 $_tile_overlayer_lowered  }
0xa1: {  	s9 =	simm.s32 $0x1BFF;
	s21 =	sshll.u32 s8, $0x1;
	s6 =	sadd.s32 s6, s20  }
0xa2: {  	s22 =	simm.s32 $0x0;
	s7 =	sshll.u32 s7, $0x1;
	s8 =	sadd.s32 s21, s6  }
0xa3: {  	[timem:s22], [sflag:s9] =	dma.local [hbm:s8], s7  }
0xa4: {  	_ =	swait.ge [sflag:s9], s7  }
0xa5: {  	s7 =	ssub.s32 $0x0, s7;
	[sflag:s9] =	ssyncset.done $0x0  }
0xa6: {  	[sflag:s9] =	ssyncadd.s32 s7;
	_ =	sdelay $0x1  }
0xa7: {  	s23 =	simm.s32 $0x1B8B  }
0xa8: {  	_ =	swait.ge [sflag:s23], $0x1  }
0xa9: {  	[sflag:s23] =	ssyncset.done $0x0  }
0xaa: {  	[sflag:s23] =	ssyncadd.s32 $0xFFFFFFFF  }
0xab: {  	s7 =	sld [smem:$0x0]  }
0xac: {  	s8 =	sand.u32 $0xFFFFFFFE, s1  }
0xad: {  	p0 =	sne.s32 s1, s8  }
0xae: {  	s8 =	sshll.u32 @p0 s8, $0xE  }
0xaf: {  	s8 =	sadd.s32 @p0 $0x11B8D, s8;
	s9 =	sshll.u32 @p0 s7, $0x11  }
0xb0: {  	s8 =	sor.u32 @p0 s9, s8  }
0xb1: {  	[sflag:s8] =	ssyncadd.remote.s32 @p0 $0x1;
	_ =	sdelay $0x1  }
0xb2: {  	s8 =	simm.s32 @p0 $0x1B8D  }
0xb3: {  	_ =	swait.eq @p0 [sflag:s8], $0x1  }
0xb4: {  	[sflag:s8] =	ssyncadd.s32 @p0 $0xFFFFFFFF  }
0xb5: {  	s9 =	sshll.u32 @!p0 s1, $0xE  }
0xb6: {  	s9 =	sor.u32 @!p0 $0x4000, s9;
	s8 =	simm.s32 @!p0 $0x1B8D  }
0xb7: {  	s7 =	sshll.u32 @!p0 s7, $0x11;
	s9 =	sadd.s32 @!p0 $0x11B8D, s9;
	_ =	swait.eq @!p0 [sflag:s8], $0x1  }
0xb8: {  	s7 =	sor.u32 @!p0 s7, s9;
	[sflag:s8] =	ssyncadd.s32 @!p0 $0xFFFFFFFF  }
0xb9: {  	s25 =	simm.s32 $0x1B8E;
	s24 =	sld [smem:$0x3FFE];
	[sflag:s7] =	ssyncadd.remote.s32 @!p0 $0x1  }
0xba: {  	s26 =	simm.s32 $execute0_lowered;
	[smem:$0x3FD2] =	sst s25  }
0xbb: {  	s8 =	sshll.u32 s26, $0x1;
	_ =	strace $0x80000057;
	[dreg:$0x1] =	wrdreg $0xFFFFFFFF  }
0xbc: {  	s28 =	simm.s32 $_size_execute0_lowered;
	s6 =	sadd.s32 s6, s8;
	[dreg:$0x0] =	wrdreg $0x0  }
0xbd: {  	s8 =	sshll.u32 s28, $0x1;
	[dreg:$0x2] =	wrdreg s6  }
0xbe: {  	[dreg:$0x3] =	wrdreg s8  }
0xbf: {  	[dreg:$0x4] =	wrdreg $0xC0  }
0xc0: {  	_ =	task [dreg:s22], $0x5FFFF  }
0xc1: {  	[dreg:$0x1] =	wrdreg $0xFFFFFFFF  }
0xc2: {  	[dreg:$0x0] =	wrdreg $0x60  }
0xc3: {  	[dreg:$0x2] =	wrdreg s2  }
0xc4: {  	[dreg:$0x3] =	wrdreg s18  }
0xc5: {  	[dreg:$0x4] =	wrdreg s17  }
0xc6: {  	[dreg:$0x5] =	wrdreg s24  }
0xc7: {  	[dreg:$0x6] =	wrdreg $0x9  }
0xc8: {  	_ =	task.clear_ibuf [dreg:s22], $0x7FFFF;
	_ =	strace $0x90000057  }
0xc9: {  	s29 =	simm.s32 $0x9;
	_ =	strace $0x80000067  }
0xca: {  	_ =	swait.ge [sflag:s29], $0x1  }
0xcb: {  	[sflag:s29] =	ssyncadd.s32 $0xFFFFFFFF  }
0xcc: {  	_ =	strace $0x90000067  }
0xcd: {  	_ =	sfence  }
0xce: {  	s30 =	sld [smem:$0x0];
	_ =	sdelay $0x2  }
0xcf: {  	s31 =	sshll.u32 s1, $0xD;
	s1 =	sshrl.u32 s1, $0x2  }
0xd0: {  	s4 =	sand.u32 $0x4000, s31;
	s1 =	sadd.s32 s1, s30  }
0xd1: {  	s0 =	sor.u32 s4, s0;
	s1 =	sshll.u32 s1, $0x11  }
0xd2: {  	s0 =	sor.u32 s1, s0  }
0xd3: {  	s0 =	sadd.s32 $0x8F2B, s0  }
0xd4: {  	[sflag:s0] =	ssyncadd.remote.s32 $0x1  }
0xd5: {  	_ =	sfence.sel $0xFFFF  }
0xd6: {  	[dreg:$0x0] =	wrdreg $0xFFFFFFFF;
	(pc) =	sbr.abs _section_cstart, $3  }
0xd7: {  	[dreg:$0x1] =	wrdreg $0xFFFFFFFF  }
0xd8: {  	_ =	task.clear_ibuf [dreg:s22], $0x2FFFF;
	_ =	strace $0x9FFFFFFF  }
0xd9: {  	(tm) =	ssettm $0x7FFFFFFF  }
tec
execute0_lowered:
.L_overlay_start_1:
0x0: {  	(tag) =	ssettag $0x1  }
0x1: {  	s1 =	rddreg [dreg:$0x0]  }
0x2: {  	s2 =	rddreg [dreg:$0x1]  }
0x3: {  	s3 =	rddreg [dreg:$0x2]  }
0x4: {  	s6 =	rddreg [dreg:$0x3]  }
0x5: {  	s0 =	rddreg [dreg:$0x4]  }
0x6: {  	s4 =	simm.s32 $0x0;
	s5 =	srdreg.scid;
	s12 =	simm.s32 $0x4  }
0x7: {  	s13 =	simm.s32 $0x0;
	[smem:$0x7FF] =	sst s4;
	s7 =	sand.u32 $0x1, s5  }
.Ltmp0:
0x8: {  	s5 =	stileid.u32;
	s8 =	ssub.s32 $0x2, s7;
	(pc) =	sbr.rel .LBB2_1-.Ltmp0, $4  }
0x9: {  	s6 =	sadd.s32 $0x42200, s6;
	s7 =	sshll.u32 s7, $0x4;
	s9 =	sshrl.u32 s8, $0x1  }
0xa: {  	v2 =	vlaneseq.u32;
	_ =	strace $0x80000058;
	s10 =	sor.u32 s5, s7;
	s11 =	ssub.s32 s8, s9  }
0xb: {  	vm0 =	vmmov $0xffff;
	v1 =	vshrl.u32 v2, $0x3;
	s7 =	sshll.u32 s10, $0x1;
	s31 =	sshll.u32 s10, $0x5;
	s9 =	sadd.s32 $0x100, s1  }
0xc: {  	v0 =	vand.u32 $0x7, v2;
	v2 =	vor.u32 $0x8, v2;
	v1 =	vmul.u32 $0x8, v1;
	s8 =	sadd.s32 s2, s31;
	s10 =	smax.u32 s11, $0x1;
	s11 =	simm.s32 $0x5  }
.LBB2_7:
0xd: {  	s14 =	sand.u32 $0x1, s15  }
0xe: {  	_ =	strace $0x80000065;
	s14 =	sadd.s32 $0x3, s14  }
0xf: {  	_ =	swait.ge [sflag:s14], $0x8000  }
0x10: {  	[sflag:s14] =	ssyncset.done $0x0  }
0x11: {  	s13 =	sadd.s32 $0x1, s13;
	[sflag:s14] =	ssyncadd.s32 $0xFFFF8000  }
0x12: {  	p0 =	sne.s32 s13, s10;
	_ =	strace $0x90000065  }
.Ltmp1:
0x13: {  	_ =	strace $0x80000066;
	(pc) =	sbr.rel @!p0 .LBB2_8-.Ltmp1, $4  }
0x14: {  	_ =	swait.ge [sflag:s12], $0x8000  }
0x15: {  	[sflag:s12] =	ssyncset.done $0x0  }
0x16: {  	[sflag:s12] =	ssyncadd.s32 $0xFFFF8000  }
0x17: {  	_ =	strace $0x90000066  }
.LBB2_1:
0x18: {  	_ =	strace $0x80000059  }
0x19: {  	p0 =	por $0x1, $0x1;
	p2 =	por $0x0, $0x0;
	s15 =	simm.s32 $0x0  }
0x1a: {  	s14 =	simm.s32 $0x0;
	s19 =	simm.s32 $0x0;
	s16 =	simm.s32 $0x0  }
0x1b: {  	[tilespmem:s4], [sflag:$0x1] =	stream.linear.gather [hbm4b:s8+s4], $0x80, $0x200038;
	[tilespmem:$0x10100] =	vst v63  }
0x1c: {  	s17 =	simm.s32 $0x1;
	s18 =	simm.s32 $0x0;
	_ =	strace $0x90000059  }
.LBB2_2:
0x1d: {  	s20 =	smov.u32 s15;
	s15 =	sadd.s32 $0x1, s15  }
0x1e: {  	p1 =	seq.s32 s15, $0x2  }
0x1f: {  	s15 =	simm.s32 @p1 $0x0  }
0x20: {  	p1 =	sne.s32 s20, s15  }
0x21: {  	p1 =	por !p0, !p1  }
0x22: {  	p1 =	por !p1, !p1  }
0x23: {  	s21 =	sadd.s32 @p1 s7, s15  }
0x24: {  	s22 =	sand.u32 @p1 $0x1, s17;
	s21 =	sshll.u32 @p1 s21, $0x4  }
0x25: {  	_ =	strace @p1 $0x8000005A;
	s24 =	simm.s32 @p1 $0x0;
	s21 =	sand.u32 @p1 $0x1FFFFFF0, s21  }
0x26: {  	s23 =	sshll.u32 @p1 s22, $0x7;
	s22 =	sadd.s32 @p1 $0x1, s22;
	s21 =	sadd.s32 @p1 s2, s21  }
0x27: {  	[tilespmem:s23], [sflag:s22] =	stream.linear.gather @p1 [hbm4b:s21+s24], $0x80, $0x200038;
	[tilespmem:$0x10100] =	vst v63  }
0x28: {  	s26 =	sand.u32 $0x1, s16;
	_ =	strace @p1 $0x9000005A  }
0x29: {  	s21 =	sadd.s32 $0x1, s26;
	_ =	strace $0x8000005B  }
0x2a: {  	_ =	swait.ge [sflag:s21], $0x80  }
0x2b: {  	[sflag:s21] =	ssyncset.done $0x0  }
0x2c: {  	[sflag:s21] =	ssyncadd.s32 $0xFFFFFF80  }
0x2d: {  	s28 =	sshll.u32 s16, $0x7;
	_ =	strace $0x9000005B  }
0x2e: {  	s24 =	sand.u32 $0x80, s28;
	_ =	strace $0x8000005C  }
0x2f: {  	v3 =	vld [tilespmem:s24+$0x0];
	_ =	sdelay $0x4  }
0x30: {  	v4 =	vshll.u32 v3, $0x2  }
0x31: {  	v3 =	vand.u32 $0x7, v3;
	v4 =	vand.u32 $0xFFFFFFE0, v4  }
0x32: {  	v3 =	vor.u32 v3, v4  }
0x33: {  	v4 =	vperm.xlane v3, v0;
	_ =	sdelay $0x1  }
0x34: {  	v3 =	vperm.xlane v3, v2;
	v4 =	vadd.s32 v1, v4;
	_ =	sdelay $0x1  }
0x35: {  	s21 =	sand.u32 $0x1, s19;
	v3 =	vadd.s32 v1, v3  }
0x36: {  	s23 =	sshll.u32 s21, $0xF  }
0x37: {  	s22 =	sor.u32 $0x100, s23  }
0x38: {  	[tilespmem:s22], [sflag:$0x5] =	stream.indirect_vreg.gather [hbm4b:s1+s4], $0x80, v4, vm0, $0x2000b8;
	[tilespmem:$0x10100] =	vst v63  }
0x39: {  	s25 =	sor.u32 $0x900, s23  }
0x3a: {  	[tilespmem:s25], [sflag:$0x5] =	stream.indirect_vreg.gather [hbm4b:s1+s4], $0x80, v3, vm0, $0x2000b8;
	[tilespmem:$0x10100] =	vst v63  }
0x3b: {  	v3 =	vld [tilespmem:s24+$0x10];
	_ =	sdelay $0x4  }
0x3c: {  	v57 =	vshll.u32 v3, $0x2  }
0x3d: {  	v3 =	vand.u32 $0x7, v3;
	v4 =	vand.u32 $0xFFFFFFE0, v57  }
0x3e: {  	v3 =	vor.u32 v3, v4  }
0x3f: {  	v4 =	vperm.xlane v3, v0;
	_ =	sdelay $0x1  }
0x40: {  	v3 =	vperm.xlane v3, v2;
	v4 =	vadd.s32 v1, v4;
	_ =	sdelay $0x1  }
0x41: {  	v3 =	vadd.s32 v1, v3;
	_ =	sdelay $0x1  }
0x42: {  	s29 =	sor.u32 $0x1100, s23  }
0x43: {  	[tilespmem:s29], [sflag:$0x5] =	stream.indirect_vreg.gather [hbm4b:s1+s4], $0x80, v4, vm0, $0x2000b8;
	[tilespmem:$0x10100] =	vst v63  }
0x44: {  	s30 =	sor.u32 $0x1900, s23  }
0x45: {  	[tilespmem:s30], [sflag:$0x5] =	stream.indirect_vreg.gather [hbm4b:s1+s4], $0x80, v3, vm0, $0x2000b8;
	[tilespmem:$0x10100] =	vst v63  }
0x46: {  	v3 =	vld [tilespmem:s24+$0x20];
	_ =	sdelay $0x4  }
0x47: {  	v58 =	vshll.u32 v3, $0x2  }
0x48: {  	v3 =	vand.u32 $0x7, v3;
	v4 =	vand.u32 $0xFFFFFFE0, v58  }
0x49: {  	v3 =	vor.u32 v3, v4  }
0x4a: {  	v4 =	vperm.xlane v3, v0;
	_ =	sdelay $0x1  }
0x4b: {  	v3 =	vperm.xlane v3, v2;
	v4 =	vadd.s32 v1, v4;
	_ =	sdelay $0x1  }
0x4c: {  	v3 =	vadd.s32 v1, v3;
	_ =	sdelay $0x1  }
0x4d: {  	s31 =	sor.u32 $0x2100, s23  }
0x4e: {  	[tilespmem:s31], [sflag:$0x5] =	stream.indirect_vreg.gather [hbm4b:s1+s4], $0x80, v4, vm0, $0x2000b8;
	[tilespmem:$0x10100] =	vst v63  }
0x4f: {  	s26 =	sor.u32 $0x2900, s23  }
0x50: {  	[tilespmem:s26], [sflag:$0x5] =	stream.indirect_vreg.gather [hbm4b:s1+s4], $0x80, v3, vm0, $0x2000b8;
	[tilespmem:$0x10100] =	vst v63  }
0x51: {  	v3 =	vld [tilespmem:s24+$0x30];
	_ =	sdelay $0x4  }
0x52: {  	v59 =	vshll.u32 v3, $0x2  }
0x53: {  	v3 =	vand.u32 $0x7, v3;
	v4 =	vand.u32 $0xFFFFFFE0, v59  }
0x54: {  	v3 =	vor.u32 v3, v4  }
0x55: {  	v4 =	vperm.xlane v3, v0;
	_ =	sdelay $0x1  }
0x56: {  	v3 =	vperm.xlane v3, v2;
	v4 =	vadd.s32 v1, v4;
	_ =	sdelay $0x1  }
0x57: {  	v3 =	vadd.s32 v1, v3;
	_ =	sdelay $0x1  }
0x58: {  	s28 =	sor.u32 $0x3100, s23  }
0x59: {  	[tilespmem:s28], [sflag:$0x5] =	stream.indirect_vreg.gather [hbm4b:s1+s4], $0x80, v4, vm0, $0x2000b8;
	[tilespmem:$0x10100] =	vst v63  }
0x5a: {  	s29 =	sor.u32 $0x3900, s23  }
0x5b: {  	[tilespmem:s29], [sflag:$0x5] =	stream.indirect_vreg.gather [hbm4b:s1+s4], $0x80, v3, vm0, $0x2000b8;
	[tilespmem:$0x10100] =	vst v63  }
0x5c: {  	v3 =	vld [tilespmem:s24+$0x40];
	_ =	sdelay $0x4  }
0x5d: {  	v60 =	vshll.u32 v3, $0x2  }
0x5e: {  	v3 =	vand.u32 $0x7, v3;
	v4 =	vand.u32 $0xFFFFFFE0, v60  }
0x5f: {  	v3 =	vor.u32 v3, v4  }
0x60: {  	v4 =	vperm.xlane v3, v0;
	_ =	sdelay $0x1  }
0x61: {  	v3 =	vperm.xlane v3, v2;
	v4 =	vadd.s32 v1, v4;
	_ =	sdelay $0x1  }
0x62: {  	v3 =	vadd.s32 v1, v3;
	_ =	sdelay $0x1  }
0x63: {  	s30 =	sor.u32 $0x4100, s23  }
0x64: {  	[tilespmem:s30], [sflag:$0x5] =	stream.indirect_vreg.gather [hbm4b:s1+s4], $0x80, v4, vm0, $0x2000b8;
	[tilespmem:$0x10100] =	vst v63  }
0x65: {  	s31 =	sor.u32 $0x4900, s23  }
0x66: {  	[tilespmem:s31], [sflag:$0x5] =	stream.indirect_vreg.gather [hbm4b:s1+s4], $0x80, v3, vm0, $0x2000b8;
	[tilespmem:$0x10100] =	vst v63  }
0x67: {  	v3 =	vld [tilespmem:s24+$0x50];
	_ =	sdelay $0x4  }
0x68: {  	v61 =	vshll.u32 v3, $0x2  }
0x69: {  	v3 =	vand.u32 $0x7, v3;
	v4 =	vand.u32 $0xFFFFFFE0, v61  }
0x6a: {  	v3 =	vor.u32 v3, v4  }
0x6b: {  	v4 =	vperm.xlane v3, v0;
	_ =	sdelay $0x1  }
0x6c: {  	v3 =	vperm.xlane v3, v2;
	v4 =	vadd.s32 v1, v4;
	_ =	sdelay $0x1  }
0x6d: {  	v3 =	vadd.s32 v1, v3;
	_ =	sdelay $0x1  }
0x6e: {  	s26 =	sor.u32 $0x5100, s23  }
0x6f: {  	[tilespmem:s26], [sflag:$0x5] =	stream.indirect_vreg.gather [hbm4b:s1+s4], $0x80, v4, vm0, $0x2000b8;
	[tilespmem:$0x10100] =	vst v63  }
0x70: {  	s28 =	sor.u32 $0x5900, s23  }
0x71: {  	[tilespmem:s28], [sflag:$0x5] =	stream.indirect_vreg.gather [hbm4b:s1+s4], $0x80, v3, vm0, $0x2000b8;
	[tilespmem:$0x10100] =	vst v63  }
0x72: {  	v3 =	vld [tilespmem:s24+$0x60];
	_ =	sdelay $0x4  }
0x73: {  	v62 =	vshll.u32 v3, $0x2  }
0x74: {  	v3 =	vand.u32 $0x7, v3;
	v4 =	vand.u32 $0xFFFFFFE0, v62  }
0x75: {  	v3 =	vor.u32 v3, v4  }
0x76: {  	v4 =	vperm.xlane v3, v0;
	_ =	sdelay $0x1  }
0x77: {  	v3 =	vperm.xlane v3, v2;
	v4 =	vadd.s32 v1, v4;
	_ =	sdelay $0x1  }
0x78: {  	v3 =	vadd.s32 v1, v3;
	_ =	sdelay $0x1  }
0x79: {  	s29 =	sor.u32 $0x6100, s23  }
0x7a: {  	[tilespmem:s29], [sflag:$0x5] =	stream.indirect_vreg.gather [hbm4b:s1+s4], $0x80, v4, vm0, $0x2000b8;
	[tilespmem:$0x10100] =	vst v63  }
0x7b: {  	s30 =	sor.u32 $0x6900, s23  }
0x7c: {  	[tilespmem:s30], [sflag:$0x5] =	stream.indirect_vreg.gather [hbm4b:s1+s4], $0x80, v3, vm0, $0x2000b8;
	[tilespmem:$0x10100] =	vst v63  }
0x7d: {  	v3 =	vld [tilespmem:s24+$0x70];
	_ =	sdelay $0x4  }
0x7e: {  	v63 =	vshll.u32 v3, $0x2  }
0x7f: {  	v3 =	vand.u32 $0x7, v3;
	v4 =	vand.u32 $0xFFFFFFE0, v63  }
0x80: {  	v3 =	vor.u32 v3, v4  }
0x81: {  	v4 =	vperm.xlane v3, v0;
	_ =	sdelay $0x1  }
0x82: {  	v3 =	vperm.xlane v3, v2;
	v4 =	vadd.s32 v1, v4;
	_ =	sdelay $0x1  }
0x83: {  	v3 =	vadd.s32 v1, v3;
	_ =	sdelay $0x1  }
0x84: {  	p2 =	por !p2, !p2;
	p3 =	seq.s32 s20, s15;
	s31 =	sor.u32 $0x7100, s23  }
0x85: {  	[tilespmem:s31], [sflag:$0x5] =	stream.indirect_vreg.gather [hbm4b:s1+s4], $0x80, v4, vm0, $0x2000b8;
	[tilespmem:$0x10100] =	vst v63  }
0x86: {  	p2 =	por !p2, !p3;
	s23 =	sor.u32 $0x7900, s23  }
0x87: {  	[tilespmem:s23], [sflag:$0x5] =	stream.indirect_vreg.gather [hbm4b:s1+s4], $0x80, v3, vm0, $0x2000b8;
	[tilespmem:$0x10100] =	vst v63  }
0x88: {  	s20 =	sadd.s32 s7, s20;
	p2 =	por !p2, !p2;
	_ =	swait.ge [sflag:s11], $0x8000  }
0x89: {  	s20 =	sshll.u32 @!p2 s20, $0xC;
	p0 =	por p2, p0;
	[sflag:s11] =	ssyncset.done $0x0  }
.Ltmp2:
0x8a: {  	s20 =	sand.u32 @!p2 $0x1FFFF000, s20;
	[sflag:s11] =	ssyncadd.s32 $0xFFFF8000;
	(pc) =	sbr.rel @!p0 .LBB2_4-.Ltmp2, $4  }
0x8b: {  	s20 =	sadd.s32 @!p2 s3, s20;
	_ =	strace $0x9000005C  }
0x8c: {  	s21 =	sadd.s32 @!p2 $0x3, s21;
	s23 =	simm.s32 @!p2 $0x0;
	_ =	strace @!p2 $0x8000005D  }
0x8d: {  	[hbm4b:s20+s23] =	stream.linear.scatter @!p2 [tilespmem:s22], [sflag:s21], $0x8000, $0x200038;
	[tilespmem:$0x10100] =	vst v63  }
0x8e: {  	_ =	strace @!p2 $0x9000005D  }
.Ltmp3:
0x8f: {  	s20 =	simm.s32 $0x1;
	(pc) =	sbr.rel .LBB2_2-.Ltmp3, $4  }
0x90: {  	s21 =	simm.s32 @!p2 $0x1;
	s14 =	sadd.s32 s18, s14;
	s20 =	simm.s32 @!p1 $0x0  }
0x91: {  	s18 =	simm.s32 $0x1;
	s17 =	sadd.s32 s20, s17;
	s20 =	sadd.s32 @!p2 $0x1, s19  }
0x92: {  	p0 =	por $0x0, $0x0;
	s21 =	simm.s32 @p2 $0x0;
	s20 =	smov.u32 @p2 s19  }
0x93: {  	s16 =	sadd.s32 s16, s21;
	p2 =	por $0x1, $0x1;
	s19 =	smov.u32 s20  }
.LBB2_4:
0x94: {  	s14 =	sand.u32 $0x1, s14  }
0x95: {  	_ =	strace $0x8000005E;
	s14 =	sadd.s32 $0x3, s14  }
0x96: {  	_ =	swait.ge [sflag:s14], $0x8000  }
0x97: {  	[sflag:s14] =	ssyncset.done $0x0  }
0x98: {  	[sflag:s14] =	ssyncadd.s32 $0xFFFF8000  }
0x99: {  	_ =	strace $0x9000005E  }
0x9a: {  	_ =	strace $0x8000005F  }
0x9b: {  	_ =	swait.ge [sflag:s12], $0x8000  }
0x9c: {  	[sflag:s12] =	ssyncset.done $0x0  }
0x9d: {  	p0 =	por $0x1, $0x1;
	p2 =	por $0x0, $0x0;
	[sflag:s12] =	ssyncadd.s32 $0xFFFF8000  }
0x9e: {  	s16 =	simm.s32 $0x1;
	s15 =	simm.s32 $0x0;
	_ =	strace $0x9000005F  }
0x9f: {  	s19 =	simm.s32 $0x0;
	s14 =	simm.s32 $0x0;
	_ =	strace $0x80000060  }
0xa0: {  	[tilespmem:s14], [sflag:$0x1] =	stream.linear.gather [hbm4b:s8+s14], $0x80, $0x200038;
	[tilespmem:$0x10100] =	vst v63  }
0xa1: {  	s17 =	simm.s32 $0x0;
	s18 =	simm.s32 $0x0;
	_ =	strace $0x90000060  }
.LBB2_5:
0xa2: {  	s20 =	smov.u32 s14;
	s14 =	sadd.s32 $0x1, s14  }
0xa3: {  	p1 =	seq.s32 s14, $0x2  }
0xa4: {  	s14 =	simm.s32 @p1 $0x0  }
0xa5: {  	p1 =	sne.s32 s20, s14  }
0xa6: {  	p1 =	por !p0, !p1  }
0xa7: {  	p1 =	por !p1, !p1  }
0xa8: {  	s21 =	sadd.s32 @p1 s7, s14  }
0xa9: {  	s22 =	sand.u32 @p1 $0x1, s16;
	s21 =	sshll.u32 @p1 s21, $0x4  }
0xaa: {  	_ =	strace @p1 $0x80000061;
	s24 =	simm.s32 @p1 $0x0;
	s21 =	sand.u32 @p1 $0x1FFFFFF0, s21  }
0xab: {  	s23 =	sshll.u32 @p1 s22, $0x7;
	s22 =	sadd.s32 @p1 $0x1, s22;
	s21 =	sadd.s32 @p1 s2, s21  }
0xac: {  	[tilespmem:s23], [sflag:s22] =	stream.linear.gather @p1 [hbm4b:s21+s24], $0x80, $0x200038;
	[tilespmem:$0x10100] =	vst v63  }
0xad: {  	s26 =	sand.u32 $0x1, s17;
	_ =	strace @p1 $0x90000061  }
0xae: {  	s21 =	sadd.s32 $0x1, s26;
	_ =	strace $0x80000062  }
0xaf: {  	_ =	swait.ge [sflag:s21], $0x80  }
0xb0: {  	[sflag:s21] =	ssyncset.done $0x0  }
0xb1: {  	[sflag:s21] =	ssyncadd.s32 $0xFFFFFF80  }
0xb2: {  	s28 =	sshll.u32 s17, $0x7;
	_ =	strace $0x90000062  }
0xb3: {  	s24 =	sand.u32 $0x80, s28;
	_ =	strace $0x80000063  }
0xb4: {  	v3 =	vld [tilespmem:s24+$0x0];
	_ =	sdelay $0x4  }
0xb5: {  	v4 =	vshll.u32 v3, $0x2  }
0xb6: {  	v3 =	vand.u32 $0x7, v3;
	v4 =	vand.u32 $0xFFFFFFE0, v4  }
0xb7: {  	v3 =	vor.u32 v3, v4  }
0xb8: {  	v4 =	vperm.xlane v3, v0;
	_ =	sdelay $0x1  }
0xb9: {  	v3 =	vperm.xlane v3, v2;
	v4 =	vadd.s32 v1, v4;
	_ =	sdelay $0x1  }
0xba: {  	s21 =	sand.u32 $0x1, s19;
	v3 =	vadd.s32 v1, v3  }
0xbb: {  	s23 =	sshll.u32 s21, $0xF  }
0xbc: {  	s22 =	sor.u32 $0x100, s23  }
0xbd: {  	[tilespmem:s22], [sflag:$0x5] =	stream.indirect_vreg.gather [hbm4b:s9+s4], $0x80, v4, vm0, $0x2000b8;
	[tilespmem:$0x10100] =	vst v63  }
0xbe: {  	s25 =	sor.u32 $0x900, s23  }
0xbf: {  	[tilespmem:s25], [sflag:$0x5] =	stream.indirect_vreg.gather [hbm4b:s9+s4], $0x80, v3, vm0, $0x2000b8;
	[tilespmem:$0x10100] =	vst v63  }
0xc0: {  	v3 =	vld [tilespmem:s24+$0x10];
	_ =	sdelay $0x4  }
0xc1: {  	v57 =	vshll.u32 v3, $0x2  }
0xc2: {  	v3 =	vand.u32 $0x7, v3;
	v4 =	vand.u32 $0xFFFFFFE0, v57  }
0xc3: {  	v3 =	vor.u32 v3, v4  }
0xc4: {  	v4 =	vperm.xlane v3, v0;
	_ =	sdelay $0x1  }
0xc5: {  	v3 =	vperm.xlane v3, v2;
	v4 =	vadd.s32 v1, v4;
	_ =	sdelay $0x1  }
0xc6: {  	v3 =	vadd.s32 v1, v3;
	_ =	sdelay $0x1  }
0xc7: {  	s29 =	sor.u32 $0x1100, s23  }
0xc8: {  	[tilespmem:s29], [sflag:$0x5] =	stream.indirect_vreg.gather [hbm4b:s9+s4], $0x80, v4, vm0, $0x2000b8;
	[tilespmem:$0x10100] =	vst v63  }
0xc9: {  	s30 =	sor.u32 $0x1900, s23  }
0xca: {  	[tilespmem:s30], [sflag:$0x5] =	stream.indirect_vreg.gather [hbm4b:s9+s4], $0x80, v3, vm0, $0x2000b8;
	[tilespmem:$0x10100] =	vst v63  }
0xcb: {  	v3 =	vld [tilespmem:s24+$0x20];
	_ =	sdelay $0x4  }
0xcc: {  	v58 =	vshll.u32 v3, $0x2  }
0xcd: {  	v3 =	vand.u32 $0x7, v3;
	v4 =	vand.u32 $0xFFFFFFE0, v58  }
0xce: {  	v3 =	vor.u32 v3, v4  }
0xcf: {  	v4 =	vperm.xlane v3, v0;
	_ =	sdelay $0x1  }
0xd0: {  	v3 =	vperm.xlane v3, v2;
	v4 =	vadd.s32 v1, v4;
	_ =	sdelay $0x1  }
0xd1: {  	v3 =	vadd.s32 v1, v3;
	_ =	sdelay $0x1  }
0xd2: {  	s31 =	sor.u32 $0x2100, s23  }
0xd3: {  	[tilespmem:s31], [sflag:$0x5] =	stream.indirect_vreg.gather [hbm4b:s9+s4], $0x80, v4, vm0, $0x2000b8;
	[tilespmem:$0x10100] =	vst v63  }
0xd4: {  	s26 =	sor.u32 $0x2900, s23  }
0xd5: {  	[tilespmem:s26], [sflag:$0x5] =	stream.indirect_vreg.gather [hbm4b:s9+s4], $0x80, v3, vm0, $0x2000b8;
	[tilespmem:$0x10100] =	vst v63  }
0xd6: {  	v3 =	vld [tilespmem:s24+$0x30];
	_ =	sdelay $0x4  }
0xd7: {  	v59 =	vshll.u32 v3, $0x2  }
0xd8: {  	v3 =	vand.u32 $0x7, v3;
	v4 =	vand.u32 $0xFFFFFFE0, v59  }
0xd9: {  	v3 =	vor.u32 v3, v4  }
0xda: {  	v4 =	vperm.xlane v3, v0;
	_ =	sdelay $0x1  }
0xdb: {  	v3 =	vperm.xlane v3, v2;
	v4 =	vadd.s32 v1, v4;
	_ =	sdelay $0x1  }
0xdc: {  	v3 =	vadd.s32 v1, v3;
	_ =	sdelay $0x1  }
0xdd: {  	s28 =	sor.u32 $0x3100, s23  }
0xde: {  	[tilespmem:s28], [sflag:$0x5] =	stream.indirect_vreg.gather [hbm4b:s9+s4], $0x80, v4, vm0, $0x2000b8;
	[tilespmem:$0x10100] =	vst v63  }
0xdf: {  	s29 =	sor.u32 $0x3900, s23  }
0xe0: {  	[tilespmem:s29], [sflag:$0x5] =	stream.indirect_vreg.gather [hbm4b:s9+s4], $0x80, v3, vm0, $0x2000b8;
	[tilespmem:$0x10100] =	vst v63  }
0xe1: {  	v3 =	vld [tilespmem:s24+$0x40];
	_ =	sdelay $0x4  }
0xe2: {  	v60 =	vshll.u32 v3, $0x2  }
0xe3: {  	v3 =	vand.u32 $0x7, v3;
	v4 =	vand.u32 $0xFFFFFFE0, v60  }
0xe4: {  	v3 =	vor.u32 v3, v4  }
0xe5: {  	v4 =	vperm.xlane v3, v0;
	_ =	sdelay $0x1  }
0xe6: {  	v3 =	vperm.xlane v3, v2;
	v4 =	vadd.s32 v1, v4;
	_ =	sdelay $0x1  }
0xe7: {  	v3 =	vadd.s32 v1, v3;
	_ =	sdelay $0x1  }
0xe8: {  	s30 =	sor.u32 $0x4100, s23  }
0xe9: {  	[tilespmem:s30], [sflag:$0x5] =	stream.indirect_vreg.gather [hbm4b:s9+s4], $0x80, v4, vm0, $0x2000b8;
	[tilespmem:$0x10100] =	vst v63  }
0xea: {  	s31 =	sor.u32 $0x4900, s23  }
0xeb: {  	[tilespmem:s31], [sflag:$0x5] =	stream.indirect_vreg.gather [hbm4b:s9+s4], $0x80, v3, vm0, $0x2000b8;
	[tilespmem:$0x10100] =	vst v63  }
0xec: {  	v3 =	vld [tilespmem:s24+$0x50];
	_ =	sdelay $0x4  }
0xed: {  	v61 =	vshll.u32 v3, $0x2  }
0xee: {  	v3 =	vand.u32 $0x7, v3;
	v4 =	vand.u32 $0xFFFFFFE0, v61  }
0xef: {  	v3 =	vor.u32 v3, v4  }
0xf0: {  	v4 =	vperm.xlane v3, v0;
	_ =	sdelay $0x1  }
0xf1: {  	v3 =	vperm.xlane v3, v2;
	v4 =	vadd.s32 v1, v4;
	_ =	sdelay $0x1  }
0xf2: {  	v3 =	vadd.s32 v1, v3;
	_ =	sdelay $0x1  }
0xf3: {  	s26 =	sor.u32 $0x5100, s23  }
0xf4: {  	[tilespmem:s26], [sflag:$0x5] =	stream.indirect_vreg.gather [hbm4b:s9+s4], $0x80, v4, vm0, $0x2000b8;
	[tilespmem:$0x10100] =	vst v63  }
0xf5: {  	s28 =	sor.u32 $0x5900, s23  }
0xf6: {  	[tilespmem:s28], [sflag:$0x5] =	stream.indirect_vreg.gather [hbm4b:s9+s4], $0x80, v3, vm0, $0x2000b8;
	[tilespmem:$0x10100] =	vst v63  }
0xf7: {  	v3 =	vld [tilespmem:s24+$0x60];
	_ =	sdelay $0x4  }
0xf8: {  	v62 =	vshll.u32 v3, $0x2  }
0xf9: {  	v3 =	vand.u32 $0x7, v3;
	v4 =	vand.u32 $0xFFFFFFE0, v62  }
0xfa: {  	v3 =	vor.u32 v3, v4  }
0xfb: {  	v4 =	vperm.xlane v3, v0;
	_ =	sdelay $0x1  }
0xfc: {  	v3 =	vperm.xlane v3, v2;
	v4 =	vadd.s32 v1, v4;
	_ =	sdelay $0x1  }
0xfd: {  	v3 =	vadd.s32 v1, v3;
	_ =	sdelay $0x1  }
0xfe: {  	s29 =	sor.u32 $0x6100, s23  }
0xff: {  	[tilespmem:s29], [sflag:$0x5] =	stream.indirect_vreg.gather [hbm4b:s9+s4], $0x80, v4, vm0, $0x2000b8;
	[tilespmem:$0x10100] =	vst v63  }
0x100: {  	s30 =	sor.u32 $0x6900, s23  }
0x101: {  	[tilespmem:s30], [sflag:$0x5] =	stream.indirect_vreg.gather [hbm4b:s9+s4], $0x80, v3, vm0, $0x2000b8;
	[tilespmem:$0x10100] =	vst v63  }
0x102: {  	v3 =	vld [tilespmem:s24+$0x70];
	_ =	sdelay $0x4  }
0x103: {  	v63 =	vshll.u32 v3, $0x2  }
0x104: {  	v3 =	vand.u32 $0x7, v3;
	v4 =	vand.u32 $0xFFFFFFE0, v63  }
0x105: {  	v3 =	vor.u32 v3, v4  }
0x106: {  	v4 =	vperm.xlane v3, v0;
	_ =	sdelay $0x1  }
0x107: {  	v3 =	vperm.xlane v3, v2;
	v4 =	vadd.s32 v1, v4;
	_ =	sdelay $0x1  }
0x108: {  	v3 =	vadd.s32 v1, v3;
	_ =	sdelay $0x1  }
0x109: {  	p2 =	por !p2, !p2;
	p3 =	seq.s32 s20, s14;
	s31 =	sor.u32 $0x7100, s23  }
0x10a: {  	[tilespmem:s31], [sflag:$0x5] =	stream.indirect_vreg.gather [hbm4b:s9+s4], $0x80, v4, vm0, $0x2000b8;
	[tilespmem:$0x10100] =	vst v63  }
0x10b: {  	p2 =	por !p2, !p3;
	s23 =	sor.u32 $0x7900, s23  }
0x10c: {  	[tilespmem:s23], [sflag:$0x5] =	stream.indirect_vreg.gather [hbm4b:s9+s4], $0x80, v3, vm0, $0x2000b8;
	[tilespmem:$0x10100] =	vst v63  }
0x10d: {  	s20 =	sadd.s32 s7, s20;
	p2 =	por !p2, !p2;
	_ =	swait.ge [sflag:s11], $0x8000  }
0x10e: {  	s20 =	sshll.u32 @!p2 s20, $0xC;
	p0 =	por p2, p0;
	[sflag:s11] =	ssyncset.done $0x0  }
.Ltmp4:
0x10f: {  	s20 =	sand.u32 @!p2 $0x1FFFF000, s20;
	[sflag:s11] =	ssyncadd.s32 $0xFFFF8000;
	(pc) =	sbr.rel @!p0 .LBB2_7-.Ltmp4, $4  }
0x110: {  	s20 =	sadd.s32 @!p2 s6, s20;
	_ =	strace $0x90000063  }
0x111: {  	s21 =	sadd.s32 @!p2 $0x3, s21;
	s23 =	simm.s32 @!p2 $0x0;
	_ =	strace @!p2 $0x80000064  }
0x112: {  	[hbm4b:s20+s23] =	stream.linear.scatter @!p2 [tilespmem:s22], [sflag:s21], $0x8000, $0x200038;
	[tilespmem:$0x10100] =	vst v63  }
0x113: {  	_ =	strace @!p2 $0x90000064  }
.Ltmp5:
0x114: {  	s20 =	simm.s32 $0x1;
	(pc) =	sbr.rel .LBB2_5-.Ltmp5, $4  }
0x115: {  	s21 =	simm.s32 @!p2 $0x1;
	s15 =	sadd.s32 s18, s15;
	s20 =	simm.s32 @!p1 $0x0  }
0x116: {  	s18 =	simm.s32 $0x1;
	s16 =	sadd.s32 s20, s16;
	s20 =	sadd.s32 @!p2 $0x1, s19  }
0x117: {  	p0 =	por $0x0, $0x0;
	s21 =	simm.s32 @p2 $0x0;
	s20 =	smov.u32 @p2 s19  }
0x118: {  	s17 =	sadd.s32 s17, s21;
	p2 =	por $0x1, $0x1;
	s19 =	smov.u32 s20  }
.LBB2_8:
0x119: {  	_ =	sfence.sel $0x180000  }
0x11a: {  	[bflag:$0x0] =	sbarrier.arrive $0xFFFF  }
0x11b: {  	p0 =	sne.s32 s5, $0x0;
	_ =	strace $0x90000058  }
0x11c: {  	s0 =	sadd.s32 @!p0 $0x100000, s0;
	[bflag:$0x2] =	sbarrier.arrive $0xFFFF  }
0x11d: {  	[sflag:s0] =	ssyncadd.tile.s32 @!p0 $0x1;
	_ =	shalt  }
.Lfunc_end2:
_tile_overlayer_lowered:
.L_overlay_start_2:
0x11e: {  	(tag) =	ssettag $0x2  }
0x11f: {  	s0 =	rddreg [dreg:$0x0];
	s2 =	stileid.u32  }
0x120: {  	s1 =	rddreg [dreg:$0x1];
	p0 =	sne.s32 s2, $0x0  }
0x121: {  	s3 =	rddreg [dreg:$0x2];
	[bflag:$0x3] =	sbarrier.arrive $0xFFFF;
	s2 =	simm.s32 @!p0 $0x1C01  }
0x122: {  	[timem:s3], [sflag:s2] =	dma.local @!p0 [hbm:s0], s1  }
0x123: {  	s0 =	simm.s32 @!p0 $0x1  }
0x124: {  	_ =	swait.ge @!p0 [sflag:s0], s1  }
0x125: {  	s1 =	ssub.s32 @!p0 $0x0, s1;
	[sflag:s0] =	ssyncset.done @!p0 $0x0  }
0x126: {  	[sflag:s0] =	ssyncadd.s32 @!p0 s1  }
0x127: {  	[bflag:$0x3] =	sbarrier.arrive $0xFFFF  }
0x128: {  	_ =	shalt  }

</sc_bundles>
